<compile_context>
chip_gen: v7x
topology: tpu7x:2x2x1
jax: 0.10.2.dev20260603
libtpu: 0.0.44.dev20260713+nightly
codegen_flags: <defaults>
</compile_context>

<pallas_src>
import jax
import jax.numpy as jnp
from jax import lax
from jax.experimental import pallas as pl
from jax.experimental.pallas import tpu as pltpu
from jax.experimental.pallas import tpu_sc as plsc

N_NODES = 10000
D = 128
NC, NS, L = 2, 16, 16
NW = NC * NS
CHUNK = 128
CPT = 80
CPT_BIG = 128
CPT_SMALL = 32
CPP = CPT_BIG + CPT_SMALL
BIG_CORE = 1
EDGES_PAD = NW * CPT * CHUNK
ACC_ROWS = 10112
ROWS_PT = ACC_ROWS // NS
LAST_ROWS = N_NODES - (NS - 1) * ROWS_PT
SAC_ROW = N_NODES


def _zero_vmem(ref, nrows, ncols):
    zv = jnp.zeros((L,), jnp.float32)

    def body(i, carry):
        r = i // (ncols // L)
        c = lax.rem(i, ncols // L)
        ref[r, pl.ds(c * L, L)] = zv
        return carry

    lax.fori_loop(0, nrows * (ncols // L), body, 0)


def _sc_deg_body(dst_hbm, out_hbm, dstb, hist):
    c = lax.axis_index("c")
    s = lax.axis_index("s")
    w = c * NS + s

    pltpu.sync_copy(dst_hbm.at[pl.ds(w * CPT, CPT)], dstb)

    zv = jnp.zeros((L,), jnp.float32)

    def z(i, carry):
        hist[pl.ds(i * L, L)] = zv
        return carry

    lax.fori_loop(0, ACC_ROWS // L, z, 0)

    ov = jnp.ones((L,), jnp.float32)

    def g(i, carry):
        j = i // (CHUNK // L)
        gidx = lax.rem(i, CHUNK // L)
        idx = dstb[j, pl.ds(gidx * L, L)]
        plsc.addupdate_scatter(hist, [idx], ov)
        return carry

    lax.fori_loop(0, CPT * (CHUNK // L), g, 0)

    pltpu.sync_copy(hist, out_hbm.at[w])


_deg_call = pl.kernel(
    _sc_deg_body,
    out_type=jax.ShapeDtypeStruct((NW, ACC_ROWS), jnp.float32),
    mesh=plsc.VectorSubcoreMesh(core_axis_name="c", subcore_axis_name="s"),
    compiler_params=pltpu.CompilerParams(needs_layout_passes=False),
    scratch_types=[
        pltpu.VMEM((CPT, CHUNK), jnp.int32),
        pltpu.VMEM((ACC_ROWS,), jnp.float32),
    ],
)


def _sc_agg_body(h_hbm, src_hbm, dst_hbm, out_hbm, srcb, dring, rows0, rows1,
                 accum, sem0, sem1, semd0, semd1):
    c = lax.axis_index("c")
    s = lax.axis_index("s")

    _zero_vmem(rows0, CHUNK, D)
    for k in range(ROWS_PT // CHUNK):
        pltpu.sync_copy(rows0, accum.at[pl.ds(s * ROWS_PT + k * CHUNK, CHUNK)])
    _rem = ROWS_PT % CHUNK
    if _rem:
        pltpu.sync_copy(
            rows0.at[pl.ds(0, _rem)],
            accum.at[pl.ds(s * ROWS_PT + (ROWS_PT // CHUNK) * CHUNK, _rem)])
    plsc.subcore_barrier()

    def run_chunks(base_row, n_chunks):
        pltpu.sync_copy(src_hbm.at[pl.ds(base_row, n_chunks)],
                        srcb.at[pl.ds(0, n_chunks)])

        HC = CHUNK // 2

        def gather(j, rbuf, sem):
            pltpu.async_copy(h_hbm.at[srcb.at[j, pl.ds(0, HC)]],
                             rbuf.at[pl.ds(0, HC)], sem)
            pltpu.async_copy(h_hbm.at[srcb.at[j, pl.ds(HC, HC)]],
                             rbuf.at[pl.ds(HC, HC)], sem)

        def gwait(j, rbuf, sem):
            pltpu.make_async_copy(h_hbm.at[srcb.at[j, pl.ds(0, HC)]],
                                  rbuf.at[pl.ds(0, HC)], sem).wait()
            pltpu.make_async_copy(h_hbm.at[srcb.at[j, pl.ds(HC, HC)]],
                                  rbuf.at[pl.ds(HC, HC)], sem).wait()

        pltpu.async_copy(dst_hbm.at[base_row], dring.at[0], semd0)
        gather(0, rows0, sem0)

        def pair(i, carry):
            j0 = 2 * i
            pltpu.async_copy(dst_hbm.at[base_row + j0 + 1], dring.at[1], semd1)
            gather(j0 + 1, rows1, sem1)

            pltpu.make_async_copy(dst_hbm.at[base_row + j0], dring.at[0], semd0).wait()
            gwait(j0, rows0, sem0)
            pltpu.sync_copy(rows0, accum.at[dring.at[0]], add=True)

            @pl.when(i < n_chunks // 2 - 1)
            def _():
                pltpu.async_copy(dst_hbm.at[base_row + j0 + 2], dring.at[0], semd0)
                gather(j0 + 2, rows0, sem0)

            pltpu.make_async_copy(dst_hbm.at[base_row + j0 + 1], dring.at[1], semd1).wait()
            gwait(j0 + 1, rows1, sem1)
            pltpu.sync_copy(rows1, accum.at[dring.at[1]], add=True)
            return carry

        lax.fori_loop(0, n_chunks // 2, pair, 0)

    @pl.when(c == BIG_CORE)
    def _():
        run_chunks(s * CPP, CPT_BIG)

    @pl.when(c != BIG_CORE)
    def _():
        run_chunks(s * CPP + CPT_BIG, CPT_SMALL)

    plsc.subcore_barrier()

    @pl.when(s < NS - 1)
    def _():
        pltpu.sync_copy(accum.at[pl.ds(s * ROWS_PT, ROWS_PT)],
                        out_hbm.at[c, pl.ds(s * ROWS_PT, ROWS_PT)])

    @pl.when(s == NS - 1)
    def _():
        pltpu.sync_copy(accum.at[pl.ds(s * ROWS_PT, LAST_ROWS)],
                        out_hbm.at[c, pl.ds(s * ROWS_PT, LAST_ROWS)])


_agg_call = pl.kernel(
    _sc_agg_body,
    out_type=jax.ShapeDtypeStruct((NC, N_NODES, D), jnp.float32),
    mesh=plsc.VectorSubcoreMesh(core_axis_name="c", subcore_axis_name="s"),
    scratch_types=[
        pltpu.VMEM((CPT_BIG, CHUNK), jnp.int32),
        pltpu.VMEM((2, CHUNK), jnp.int32),
        pltpu.VMEM((CHUNK, D), jnp.float32),
        pltpu.VMEM((CHUNK, D), jnp.float32),
        pltpu.VMEM_SHARED((ACC_ROWS, D), jnp.float32),
        pltpu.SemaphoreType.DMA,
        pltpu.SemaphoreType.DMA,
        pltpu.SemaphoreType.DMA,
        pltpu.SemaphoreType.DMA,
    ],
)


def _tc1_body(x_ref, w1_ref, degs_ref, h1s_ref, dcol_ref):
    deg = jnp.sum(degs_ref[...], axis=0)[:N_NODES] + 1.0
    d = lax.rsqrt(deg)[:, None]
    dcol_ref[...] = d
    h1s_ref[...] = jnp.dot(x_ref[...], w1_ref[...],
                           preferred_element_type=jnp.float32) * d


def _tc2_body(a_ref, h1s_ref, dcol_ref, b1_ref, w2_ref, h2s_ref):
    d = dcol_ref[...]
    t = (a_ref[0] + a_ref[1] + h1s_ref[...]) * d + b1_ref[...]
    h = jnp.maximum(t, 0.0)
    h2s_ref[...] = jnp.dot(h, w2_ref[...],
                           preferred_element_type=jnp.float32) * d


def _tc3_body(a_ref, h2s_ref, dcol_ref, b2_ref, out_ref):
    d = dcol_ref[...]
    out_ref[...] = (a_ref[0] + a_ref[1] + h2s_ref[...]) * d + b2_ref[...]


def kernel(x, edge_index, W1, b1, W2, b2):
    src = edge_index[0].astype(jnp.int32)
    dst = edge_index[1].astype(jnp.int32)
    pad = EDGES_PAD - src.shape[0]
    src2d = jnp.concatenate(
        [src, jnp.zeros((pad,), jnp.int32)]).reshape(NW * CPT, CHUNK)
    dst2d = jnp.concatenate(
        [dst, jnp.full((pad,), SAC_ROW, jnp.int32)]).reshape(NW * CPT, CHUNK)
    b1r = b1.reshape(1, D)
    b2r = b2.reshape(1, D)

    degs = _deg_call(dst2d)

    f32 = jnp.float32
    h1s, dcol = pl.pallas_call(
        _tc1_body,
        out_shape=(jax.ShapeDtypeStruct((N_NODES, D), f32),
                   jax.ShapeDtypeStruct((N_NODES, 1), f32)),
    )(x, W1, degs)

    agg1 = _agg_call(h1s, src2d, dst2d)

    h2s = pl.pallas_call(
        _tc2_body,
        out_shape=jax.ShapeDtypeStruct((N_NODES, D), f32),
    )(agg1, h1s, dcol, b1r, W2)

    agg2 = _agg_call(h2s, src2d, dst2d)

    out = pl.pallas_call(
        _tc3_body,
        out_shape=jax.ShapeDtypeStruct((N_NODES, D), f32),
    )(agg2, h2s, dcol, b2r)

    return out

# --- scband reference (transcript-rebuilt; emitter-appended) ---
"""Pipeline reference for scband-gcnencoder-2817498546746 (READ-ONLY COPY).

The authoritative reference and input builder live on the scoring server;
editing this copy changes nothing except your own understanding.
"""

import jax, jax.numpy as jnp
import numpy as np

N_NODES = 10000
N_EDGES = 320000
D_IN = 128
D_HID = 128
D_OUT = 128


def setup_inputs(seed: int = 0) -> dict:
    key = jax.random.key(seed)
    k1, k2, k3, k4, k5, k6 = jax.random.split(key, 6)
    x = jax.random.normal(k1, (N_NODES, D_IN), dtype=jnp.float32)
    edge_index = jax.random.randint(k2, (2, N_EDGES), 0, N_NODES, dtype=jnp.int64)
    # glorot-style init for GCNConv linear weights (stored as [in, out])
    s1 = (6.0 / (D_IN + D_HID)) ** 0.5
    W1 = jax.random.uniform(k3, (D_IN, D_HID), dtype=jnp.float32, minval=-s1, maxval=s1)
    b1 = jnp.zeros((D_HID,), dtype=jnp.float32)
    s2 = (6.0 / (D_HID + D_OUT)) ** 0.5
    W2 = jax.random.uniform(k4, (D_HID, D_OUT), dtype=jnp.float32, minval=-s2, maxval=s2)
    b2 = jnp.zeros((D_OUT,), dtype=jnp.float32)
    return {"x": x, "edge_index": edge_index, "W1": W1, "b1": b1, "W2": W2, "b2": b2}


def _gcn_conv(x, src, dst, W, b, num_nodes):
    # PyG GCNConv default: add self-loops, symmetric normalization, linear, sum-aggregate, bias
    loop = jnp.arange(num_nodes, dtype=src.dtype)
    src_sl = jnp.concatenate([src, loop])
    dst_sl = jnp.concatenate([dst, loop])
    deg = jnp.zeros((num_nodes,), dtype=x.dtype).at[dst_sl].add(1.0)
    deg_inv_sqrt = jnp.where(deg > 0, deg ** -0.5, 0.0)
    norm = deg_inv_sqrt[src_sl] * deg_inv_sqrt[dst_sl]
    h = x @ W
    msg = h[src_sl] * norm[:, None]
    out = jnp.zeros((num_nodes, h.shape[1]), dtype=h.dtype).at[dst_sl].add(msg)
    return out + b


def reference(x, edge_index, W1, b1, W2, b2):
    num_nodes = x.shape[0]
    src, dst = edge_index[0], edge_index[1]
    h = _gcn_conv(x, src, dst, W1, b1, num_nodes)
    h = jax.nn.relu(h)
    out = _gcn_conv(h, src, dst, W2, b2, num_nodes)
    return out

if __name__ == "__main__":
    import jax
    _d = setup_inputs()
    print(jax.jit(kernel)(*tuple(_d.values())))

</pallas_src>

<mosaic_0001>
#map = affine_map<(d0, d1) -> (0, 0)>
module attributes {stable_mosaic.version = 14 : i64} {
  func.func @_sc_deg_body(%arg0: i32, %arg1: i32, %arg2: memref<2560x128xi32, #tpu.memory_space<hbm>>, %arg3: memref<32x10112xf32, #tpu.memory_space<hbm>>, %arg4: memref<80x128xi32, #tpu.memory_space<vmem>>, %arg5: memref<10112xf32, #tpu.memory_space<vmem>>) attributes {dimension_semantics = [#tpu.dimension_semantics<core_parallel>, #tpu.dimension_semantics<subcore_parallel>], iteration_bounds = array<i64: 2, 16>, scalar_prefetch = 0 : i64, scratch_operands = 2 : i64, tpu.core_type = #tpu.core_type<sc_vector_subcore>, window_params = [{transform_indices = #map}, {transform_indices = #map}]} {
    %mul3A = arith.constant 16 : i32
    %mul3A_0 = arith.muli %arg0, %mul3A : i32
    %add3A = arith.addi %mul3A_0, %arg1 : i32
    %mul3A_1 = arith.constant 80 : i32
    %mul3A_2 = arith.muli %add3A, %mul3A_1 : i32
    "tpu.region"() ({
      %run_scoped3A = tpu.sem_alloc : memref<!tpu.dma_semaphore, #tpu.memory_space<semaphore_mem>>
      %dma_start3A = arith.constant 0 : i32
      %dma_start3A_17 = tpu.memref_slice %arg2[%mul3A_2, %dma_start3A] : memref<2560x128xi32, #tpu.memory_space<hbm>> -> memref<80x128xi32, #tpu.memory_space<hbm>>
      %dma_start3A_18 = arith.constant 0 : i32
      %dma_start3A_19 = tpu.memref_slice %arg2[%mul3A_2, %dma_start3A_18] : memref<2560x128xi32, #tpu.memory_space<hbm>> -> memref<80x128xi32, #tpu.memory_space<hbm>>
      tpu.enqueue_dma source(%dma_start3A_19 : memref<80x128xi32, #tpu.memory_space<hbm>>) target(%arg4 : memref<80x128xi32, #tpu.memory_space<vmem>>) target_semaphore(%run_scoped3A : memref<!tpu.dma_semaphore, #tpu.memory_space<semaphore_mem>>)
      %dma_wait3A = arith.constant 0 : i32
      %dma_wait3A_20 = tpu.memref_slice %arg2[%mul3A_2, %dma_wait3A] : memref<2560x128xi32, #tpu.memory_space<hbm>> -> memref<80x128xi32, #tpu.memory_space<hbm>>
      %dma_wait3A_21 = arith.constant 0 : i32
      %dma_wait3A_22 = tpu.memref_slice %arg2[%mul3A_2, %dma_wait3A_21] : memref<2560x128xi32, #tpu.memory_space<hbm>> -> memref<80x128xi32, #tpu.memory_space<hbm>>
      tpu.wait_dma2 semaphore(%run_scoped3A : memref<!tpu.dma_semaphore, #tpu.memory_space<semaphore_mem>>) src(%dma_wait3A_22 : memref<80x128xi32, #tpu.memory_space<hbm>>) dst(%arg4 : memref<80x128xi32, #tpu.memory_space<vmem>>)
      tpu.yield
    }) : () -> ()
    %broadcast_in_dim3A = arith.constant 0.000000e+00 : f32
    %broadcast_in_dim3A_3 = vector.broadcast %broadcast_in_dim3A : f32 to vector<16xf32>
    %scan3A = arith.constant 0 : i32
    %scan3A_4 = arith.constant 0 : i32
    %scan3A_5 = arith.constant 632 : i32
    %scan3A_6 = arith.addi %scan3A_4, %scan3A_5 : i32
    %scan3A_7 = arith.constant 1 : i32
    scf.for %scan3A_17 = %scan3A_4 to %scan3A_6 step %scan3A_7  : i32 {
      %mul3A_18 = arith.constant 16 : i32
      %mul3A_19 = arith.muli %scan3A_17, %mul3A_18 : i32
      %swap3A = arith.index_cast %mul3A_19 : i32 to index
      %swap3A_20 = tpu.vector_load %arg5[%swap3A] {strides = array<i32>} : memref<10112xf32, #tpu.memory_space<vmem>>, vector<16xf32>,
      tpu.vector_store %arg5[%swap3A], %broadcast_in_dim3A_3 {strides = array<i32>} : memref<10112xf32, #tpu.memory_space<vmem>>, vector<16xf32>,
    }
    %scan3A_8 = arith.constant 632 : i32
    %broadcast_in_dim3A_9 = arith.constant 1.000000e+00 : f32
    %broadcast_in_dim3A_10 = vector.broadcast %broadcast_in_dim3A_9 : f32 to vector<16xf32>
    %scan3A_11 = arith.constant 0 : i32
    %scan3A_12 = arith.constant 0 : i32
    %scan3A_13 = arith.constant 640 : i32
    %scan3A_14 = arith.addi %scan3A_12, %scan3A_13 : i32
    %scan3A_15 = arith.constant 1 : i32
    scf.for %scan3A_17 = %scan3A_12 to %scan3A_14 step %scan3A_15  : i32 {
      %jit3A = arith.constant 8 : i32
      %div3A = arith.divsi %scan3A_17, %jit3A : i32
      %sign3A = arith.constant 0 : i32
      %sign3A_18 = arith.cmpi sgt, %scan3A_17, %sign3A : i32
      %sign3A_19 = arith.extui %sign3A_18 : i1 to i32
      %sign3A_20 = arith.constant 0 : i32
      %sign3A_21 = arith.cmpi slt, %scan3A_17, %sign3A_20 : i32
      %sign3A_22 = arith.extui %sign3A_21 : i1 to i32
      %sign3A_23 = arith.subi %sign3A_19, %sign3A_22 : i32
      %sign3A_24 = arith.constant 0 : i32
      %sign3A_25 = arith.cmpi sgt, %jit3A, %sign3A_24 : i32
      %sign3A_26 = arith.extui %sign3A_25 : i1 to i32
      %sign3A_27 = arith.constant 0 : i32
      %sign3A_28 = arith.cmpi slt, %jit3A, %sign3A_27 : i32
      %sign3A_29 = arith.extui %sign3A_28 : i1 to i32
      %sign3A_30 = arith.subi %sign3A_26, %sign3A_29 : i32
      %ne3A = arith.cmpi ne, %sign3A_23, %sign3A_30 : i32
      %rem3A = arith.remsi %scan3A_17, %jit3A : i32
      %ne3A_31 = arith.constant 0 : i32
      %ne3A_32 = arith.cmpi ne, %rem3A, %ne3A_31 : i32
      %and3A = arith.andi %ne3A, %ne3A_32 : i1
      %sub3A = arith.constant 1 : i32
      %sub3A_33 = arith.subi %div3A, %sub3A : i32
      %select_n3A = arith.select %and3A, %sub3A_33, %div3A : i32
      %rem3A_34 = arith.constant 8 : i32
      %rem3A_35 = arith.remsi %scan3A_17, %rem3A_34 : i32
      %mul3A_36 = arith.constant 16 : i32
      %mul3A_37 = arith.muli %rem3A_35, %mul3A_36 : i32
      %get3A = arith.index_cast %select_n3A : i32 to index
      %get3A_38 = arith.index_cast %mul3A_37 : i32 to index
      %get3A_39 = tpu.vector_load %arg4[%get3A, %get3A_38] {strides = array<i32>} : memref<80x128xi32, #tpu.memory_space<vmem>>, vector<16xi32>,
      tpu.vector_store_idx %arg5[%get3A_39], %broadcast_in_dim3A_10 {add = true} : memref<10112xf32, #tpu.memory_space<vmem>>[vector<16xi32>], vector<16xf32>,
    }
    %scan3A_16 = arith.constant 640 : i32
    "tpu.region"() ({
      %run_scoped3A = tpu.sem_alloc : memref<!tpu.dma_semaphore, #tpu.memory_space<semaphore_mem>>
      %dma_start3A = arith.constant 0 : i32
      %dma_start3A_17 = tpu.memref_slice %arg3[%add3A, %dma_start3A] : memref<32x10112xf32, #tpu.memory_space<hbm>> -> memref<1x10112xf32, #tpu.memory_space<hbm>>
      %dma_start3A_18 = tpu.memref_squeeze %dma_start3A_17 : memref<1x10112xf32, #tpu.memory_space<hbm>> -> memref<10112xf32, #tpu.memory_space<hbm>>
      %dma_start3A_19 = arith.constant 0 : i32
      %dma_start3A_20 = tpu.memref_slice %arg3[%add3A, %dma_start3A_19] : memref<32x10112xf32, #tpu.memory_space<hbm>> -> memref<1x10112xf32, #tpu.memory_space<hbm>>
      %dma_start3A_21 = tpu.memref_squeeze %dma_start3A_20 : memref<1x10112xf32, #tpu.memory_space<hbm>> -> memref<10112xf32, #tpu.memory_space<hbm>>
      tpu.enqueue_dma source(%arg5 : memref<10112xf32, #tpu.memory_space<vmem>>) target(%dma_start3A_21 : memref<10112xf32, #tpu.memory_space<hbm>>) target_semaphore(%run_scoped3A : memref<!tpu.dma_semaphore, #tpu.memory_space<semaphore_mem>>)
      %dma_wait3A = arith.constant 0 : i32
      %dma_wait3A_22 = tpu.memref_slice %arg3[%add3A, %dma_wait3A] : memref<32x10112xf32, #tpu.memory_space<hbm>> -> memref<1x10112xf32, #tpu.memory_space<hbm>>
      %dma_wait3A_23 = tpu.memref_squeeze %dma_wait3A_22 : memref<1x10112xf32, #tpu.memory_space<hbm>> -> memref<10112xf32, #tpu.memory_space<hbm>>
      %dma_wait3A_24 = arith.constant 0 : i32
      %dma_wait3A_25 = tpu.memref_slice %arg3[%add3A, %dma_wait3A_24] : memref<32x10112xf32, #tpu.memory_space<hbm>> -> memref<1x10112xf32, #tpu.memory_space<hbm>>
      %dma_wait3A_26 = tpu.memref_squeeze %dma_wait3A_25 : memref<1x10112xf32, #tpu.memory_space<hbm>> -> memref<10112xf32, #tpu.memory_space<hbm>>
      tpu.wait_dma2 semaphore(%run_scoped3A : memref<!tpu.dma_semaphore, #tpu.memory_space<semaphore_mem>>) src(%arg5 : memref<10112xf32, #tpu.memory_space<vmem>>) dst(%dma_wait3A_26 : memref<10112xf32, #tpu.memory_space<hbm>>)
      tpu.yield
    }) : () -> ()
    return
  }
}

#map = affine_map<(d0, d1) -> (0, 0)>
#map1 = affine_map<(d0, d1) -> (0, 0, 0)>
module attributes {stable_mosaic.version = 14 : i64} {
  func.func @_sc_agg_body(%arg0: i32, %arg1: i32, %arg2: memref<10000x128xf32, #tpu.memory_space<hbm>>, %arg3: memref<2560x128xi32, #tpu.memory_space<hbm>>, %arg4: memref<2560x128xi32, #tpu.memory_space<hbm>>, %arg5: memref<2x10000x128xf32, #tpu.memory_space<hbm>>, %arg6: memref<128x128xi32, #tpu.memory_space<vmem>>, %arg7: memref<2x128xi32, #tpu.memory_space<vmem>>, %arg8: memref<128x128xf32, #tpu.memory_space<vmem>>, %arg9: memref<128x128xf32, #tpu.memory_space<vmem>>, %arg10: memref<10112x128xf32, #tpu.memory_space<vmem_shared>>, %arg11: memref<!tpu.dma_semaphore, #tpu.memory_space<semaphore_mem>>, %arg12: memref<!tpu.dma_semaphore, #tpu.memory_space<semaphore_mem>>, %arg13: memref<!tpu.dma_semaphore, #tpu.memory_space<semaphore_mem>>, %arg14: memref<!tpu.dma_semaphore, #tpu.memory_space<semaphore_mem>>) attributes {dimension_semantics = [#tpu.dimension_semantics<core_parallel>, #tpu.dimension_semantics<subcore_parallel>], iteration_bounds = array<i64: 2, 16>, scalar_prefetch = 0 : i64, scratch_operands = 9 : i64, tpu.core_type = #tpu.core_type<sc_vector_subcore>, window_params = [{transform_indices = #map}, {transform_indices = #map}, {transform_indices = #map}, {transform_indices = #map1}]} {
    %broadcast_in_dim3A = arith.constant 0.000000e+00 : f32
    %broadcast_in_dim3A_0 = vector.broadcast %broadcast_in_dim3A : f32 to vector<16xf32>
    %scan3A = arith.constant 0 : i32
    %scan3A_1 = arith.constant 0 : i32
    %scan3A_2 = arith.constant 1024 : i32
    %scan3A_3 = arith.addi %scan3A_1, %scan3A_2 : i32
    %scan3A_4 = arith.constant 1 : i32
    scf.for %scan3A_40 = %scan3A_1 to %scan3A_3 step %scan3A_4  : i32 {
      %jit3A = arith.constant 8 : i32
      %div3A = arith.divsi %scan3A_40, %jit3A : i32
      %sign3A = arith.constant 0 : i32
      %sign3A_41 = arith.cmpi sgt, %scan3A_40, %sign3A : i32
      %sign3A_42 = arith.extui %sign3A_41 : i1 to i32
      %sign3A_43 = arith.constant 0 : i32
      %sign3A_44 = arith.cmpi slt, %scan3A_40, %sign3A_43 : i32
      %sign3A_45 = arith.extui %sign3A_44 : i1 to i32
      %sign3A_46 = arith.subi %sign3A_42, %sign3A_45 : i32
      %sign3A_47 = arith.constant 0 : i32
      %sign3A_48 = arith.cmpi sgt, %jit3A, %sign3A_47 : i32
      %sign3A_49 = arith.extui %sign3A_48 : i1 to i32
      %sign3A_50 = arith.constant 0 : i32
      %sign3A_51 = arith.cmpi slt, %jit3A, %sign3A_50 : i32
      %sign3A_52 = arith.extui %sign3A_51 : i1 to i32
      %sign3A_53 = arith.subi %sign3A_49, %sign3A_52 : i32
      %ne3A_54 = arith.cmpi ne, %sign3A_46, %sign3A_53 : i32
      %rem3A = arith.remsi %scan3A_40, %jit3A : i32
      %ne3A_55 = arith.constant 0 : i32
      %ne3A_56 = arith.cmpi ne, %rem3A, %ne3A_55 : i32
      %and3A = arith.andi %ne3A_54, %ne3A_56 : i1
      %sub3A = arith.constant 1 : i32
      %sub3A_57 = arith.subi %div3A, %sub3A : i32
      %select_n3A = arith.select %and3A, %sub3A_57, %div3A : i32
      %rem3A_58 = arith.constant 8 : i32
      %rem3A_59 = arith.remsi %scan3A_40, %rem3A_58 : i32
      %mul3A_60 = arith.constant 16 : i32
      %mul3A_61 = arith.muli %rem3A_59, %mul3A_60 : i32
      %swap3A = arith.index_cast %select_n3A : i32 to index
      %swap3A_62 = arith.index_cast %mul3A_61 : i32 to index
      %swap3A_63 = tpu.vector_load %arg8[%swap3A, %swap3A_62] {strides = array<i32>} : memref<128x128xf32, #tpu.memory_space<vmem>>, vector<1x16xf32>,
      %swap3A_64 = vector.shape_cast %swap3A_63 : vector<1x16xf32> to vector<16xf32>
      %swap3A_65 = vector.shape_cast %broadcast_in_dim3A_0 : vector<16xf32> to vector<1x16xf32>
      tpu.vector_store %arg8[%swap3A, %swap3A_62], %swap3A_65 {strides = array<i32>} : memref<128x128xf32, #tpu.memory_space<vmem>>, vector<1x16xf32>,
    }
    %scan3A_5 = arith.constant 1024 : i32
    %mul3A = arith.constant 632 : i32
    %mul3A_6 = arith.muli %arg1, %mul3A : i32
    %add3A = arith.constant 0 : i32
    %add3A_7 = arith.addi %mul3A_6, %add3A : i32
    "tpu.region"() ({
      %run_scoped3A = tpu.sem_alloc : memref<!tpu.dma_semaphore, #tpu.memory_space<semaphore_mem>>
      %dma_start3A = arith.constant 0 : i32
      %dma_start3A_40 = tpu.memref_slice %arg10[%add3A_7, %dma_start3A] : memref<10112x128xf32, #tpu.memory_space<vmem_shared>> -> memref<128x128xf32, #tpu.memory_space<vmem_shared>>
      %dma_start3A_41 = arith.constant 0 : i32
      %dma_start3A_42 = tpu.memref_slice %arg10[%add3A_7, %dma_start3A_41] : memref<10112x128xf32, #tpu.memory_space<vmem_shared>> -> memref<128x128xf32, #tpu.memory_space<vmem_shared>>
      tpu.enqueue_dma source(%arg8 : memref<128x128xf32, #tpu.memory_space<vmem>>) target(%dma_start3A_42 : memref<128x128xf32, #tpu.memory_space<vmem_shared>>) target_semaphore(%run_scoped3A : memref<!tpu.dma_semaphore, #tpu.memory_space<semaphore_mem>>)
      %dma_wait3A = arith.constant 0 : i32
      %dma_wait3A_43 = tpu.memref_slice %arg10[%add3A_7, %dma_wait3A] : memref<10112x128xf32, #tpu.memory_space<vmem_shared>> -> memref<128x128xf32, #tpu.memory_space<vmem_shared>>
      %dma_wait3A_44 = arith.constant 0 : i32
      %dma_wait3A_45 = tpu.memref_slice %arg10[%add3A_7, %dma_wait3A_44] : memref<10112x128xf32, #tpu.memory_space<vmem_shared>> -> memref<128x128xf32, #tpu.memory_space<vmem_shared>>
      tpu.wait_dma2 semaphore(%run_scoped3A : memref<!tpu.dma_semaphore, #tpu.memory_space<semaphore_mem>>) src(%arg8 : memref<128x128xf32, #tpu.memory_space<vmem>>) dst(%dma_wait3A_45 : memref<128x128xf32, #tpu.memory_space<vmem_shared>>)
      tpu.yield
    }) : () -> ()
    %mul3A_8 = arith.constant 632 : i32
    %mul3A_9 = arith.muli %arg1, %mul3A_8 : i32
    %add3A_10 = arith.constant 128 : i32
    %add3A_11 = arith.addi %mul3A_9, %add3A_10 : i32
    "tpu.region"() ({
      %run_scoped3A = tpu.sem_alloc : memref<!tpu.dma_semaphore, #tpu.memory_space<semaphore_mem>>
      %dma_start3A = arith.constant 0 : i32
      %dma_start3A_40 = tpu.memref_slice %arg10[%add3A_11, %dma_start3A] : memref<10112x128xf32, #tpu.memory_space<vmem_shared>> -> memref<128x128xf32, #tpu.memory_space<vmem_shared>>
      %dma_start3A_41 = arith.constant 0 : i32
      %dma_start3A_42 = tpu.memref_slice %arg10[%add3A_11, %dma_start3A_41] : memref<10112x128xf32, #tpu.memory_space<vmem_shared>> -> memref<128x128xf32, #tpu.memory_space<vmem_shared>>
      tpu.enqueue_dma source(%arg8 : memref<128x128xf32, #tpu.memory_space<vmem>>) target(%dma_start3A_42 : memref<128x128xf32, #tpu.memory_space<vmem_shared>>) target_semaphore(%run_scoped3A : memref<!tpu.dma_semaphore, #tpu.memory_space<semaphore_mem>>)
      %dma_wait3A = arith.constant 0 : i32
      %dma_wait3A_43 = tpu.memref_slice %arg10[%add3A_11, %dma_wait3A] : memref<10112x128xf32, #tpu.memory_space<vmem_shared>> -> memref<128x128xf32, #tpu.memory_space<vmem_shared>>
      %dma_wait3A_44 = arith.constant 0 : i32
      %dma_wait3A_45 = tpu.memref_slice %arg10[%add3A_11, %dma_wait3A_44] : memref<10112x128xf32, #tpu.memory_space<vmem_shared>> -> memref<128x128xf32, #tpu.memory_space<vmem_shared>>
      tpu.wait_dma2 semaphore(%run_scoped3A : memref<!tpu.dma_semaphore, #tpu.memory_space<semaphore_mem>>) src(%arg8 : memref<128x128xf32, #tpu.memory_space<vmem>>) dst(%dma_wait3A_45 : memref<128x128xf32, #tpu.memory_space<vmem_shared>>)
      tpu.yield
    }) : () -> ()
    %mul3A_12 = arith.constant 632 : i32
    %mul3A_13 = arith.muli %arg1, %mul3A_12 : i32
    %add3A_14 = arith.constant 256 : i32
    %add3A_15 = arith.addi %mul3A_13, %add3A_14 : i32
    "tpu.region"() ({
      %run_scoped3A = tpu.sem_alloc : memref<!tpu.dma_semaphore, #tpu.memory_space<semaphore_mem>>
      %dma_start3A = arith.constant 0 : i32
      %dma_start3A_40 = tpu.memref_slice %arg10[%add3A_15, %dma_start3A] : memref<10112x128xf32, #tpu.memory_space<vmem_shared>> -> memref<128x128xf32, #tpu.memory_space<vmem_shared>>
      %dma_start3A_41 = arith.constant 0 : i32
      %dma_start3A_42 = tpu.memref_slice %arg10[%add3A_15, %dma_start3A_41] : memref<10112x128xf32, #tpu.memory_space<vmem_shared>> -> memref<128x128xf32, #tpu.memory_space<vmem_shared>>
      tpu.enqueue_dma source(%arg8 : memref<128x128xf32, #tpu.memory_space<vmem>>) target(%dma_start3A_42 : memref<128x128xf32, #tpu.memory_space<vmem_shared>>) target_semaphore(%run_scoped3A : memref<!tpu.dma_semaphore, #tpu.memory_space<semaphore_mem>>)
      %dma_wait3A = arith.constant 0 : i32
      %dma_wait3A_43 = tpu.memref_slice %arg10[%add3A_15, %dma_wait3A] : memref<10112x128xf32, #tpu.memory_space<vmem_shared>> -> memref<128x128xf32, #tpu.memory_space<vmem_shared>>
      %dma_wait3A_44 = arith.constant 0 : i32
      %dma_wait3A_45 = tpu.memref_slice %arg10[%add3A_15, %dma_wait3A_44] : memref<10112x128xf32, #tpu.memory_space<vmem_shared>> -> memref<128x128xf32, #tpu.memory_space<vmem_shared>>
      tpu.wait_dma2 semaphore(%run_scoped3A : memref<!tpu.dma_semaphore, #tpu.memory_space<semaphore_mem>>) src(%arg8 : memref<128x128xf32, #tpu.memory_space<vmem>>) dst(%dma_wait3A_45 : memref<128x128xf32, #tpu.memory_space<vmem_shared>>)
      tpu.yield
    }) : () -> ()
    %mul3A_16 = arith.constant 632 : i32
    %mul3A_17 = arith.muli %arg1, %mul3A_16 : i32
    %add3A_18 = arith.constant 384 : i32
    %add3A_19 = arith.addi %mul3A_17, %add3A_18 : i32
    "tpu.region"() ({
      %run_scoped3A = tpu.sem_alloc : memref<!tpu.dma_semaphore, #tpu.memory_space<semaphore_mem>>
      %dma_start3A = arith.constant 0 : i32
      %dma_start3A_40 = tpu.memref_slice %arg10[%add3A_19, %dma_start3A] : memref<10112x128xf32, #tpu.memory_space<vmem_shared>> -> memref<128x128xf32, #tpu.memory_space<vmem_shared>>
      %dma_start3A_41 = arith.constant 0 : i32
      %dma_start3A_42 = tpu.memref_slice %arg10[%add3A_19, %dma_start3A_41] : memref<10112x128xf32, #tpu.memory_space<vmem_shared>> -> memref<128x128xf32, #tpu.memory_space<vmem_shared>>
      tpu.enqueue_dma source(%arg8 : memref<128x128xf32, #tpu.memory_space<vmem>>) target(%dma_start3A_42 : memref<128x128xf32, #tpu.memory_space<vmem_shared>>) target_semaphore(%run_scoped3A : memref<!tpu.dma_semaphore, #tpu.memory_space<semaphore_mem>>)
      %dma_wait3A = arith.constant 0 : i32
      %dma_wait3A_43 = tpu.memref_slice %arg10[%add3A_19, %dma_wait3A] : memref<10112x128xf32, #tpu.memory_space<vmem_shared>> -> memref<128x128xf32, #tpu.memory_space<vmem_shared>>
      %dma_wait3A_44 = arith.constant 0 : i32
      %dma_wait3A_45 = tpu.memref_slice %arg10[%add3A_19, %dma_wait3A_44] : memref<10112x128xf32, #tpu.memory_space<vmem_shared>> -> memref<128x128xf32, #tpu.memory_space<vmem_shared>>
      tpu.wait_dma2 semaphore(%run_scoped3A : memref<!tpu.dma_semaphore, #tpu.memory_space<semaphore_mem>>) src(%arg8 : memref<128x128xf32, #tpu.memory_space<vmem>>) dst(%dma_wait3A_45 : memref<128x128xf32, #tpu.memory_space<vmem_shared>>)
      tpu.yield
    }) : () -> ()
    %mul3A_20 = arith.constant 632 : i32
    %mul3A_21 = arith.muli %arg1, %mul3A_20 : i32
    %add3A_22 = arith.constant 512 : i32
    %add3A_23 = arith.addi %mul3A_21, %add3A_22 : i32
    "tpu.region"() ({
      %run_scoped3A = tpu.sem_alloc : memref<!tpu.dma_semaphore, #tpu.memory_space<semaphore_mem>>
      %dma_start3A = arith.constant 0 : i32
      %dma_start3A_40 = arith.constant 0 : i32
      %dma_start3A_41 = tpu.memref_slice %arg8[%dma_start3A, %dma_start3A_40] : memref<128x128xf32, #tpu.memory_space<vmem>> -> memref<120x128xf32, #tpu.memory_space<vmem>>
      %dma_start3A_42 = arith.constant 0 : i32
      %dma_start3A_43 = tpu.memref_slice %arg10[%add3A_23, %dma_start3A_42] : memref<10112x128xf32, #tpu.memory_space<vmem_shared>> -> memref<120x128xf32, #tpu.memory_space<vmem_shared>>
      %dma_start3A_44 = arith.constant 0 : i32
      %dma_start3A_45 = tpu.memref_slice %arg10[%add3A_23, %dma_start3A_44] : memref<10112x128xf32, #tpu.memory_space<vmem_shared>> -> memref<120x128xf32, #tpu.memory_space<vmem_shared>>
      %dma_start3A_46 = arith.constant 0 : i32
      %dma_start3A_47 = arith.constant 0 : i32
      %dma_start3A_48 = tpu.memref_slice %arg8[%dma_start3A_46, %dma_start3A_47] : memref<128x128xf32, #tpu.memory_space<vmem>> -> memref<120x128xf32, #tpu.memory_space<vmem>>
      tpu.enqueue_dma source(%dma_start3A_48 : memref<120x128xf32, #tpu.memory_space<vmem>>) target(%dma_start3A_45 : memref<120x128xf32, #tpu.memory_space<vmem_shared>>) target_semaphore(%run_scoped3A : memref<!tpu.dma_semaphore, #tpu.memory_space<semaphore_mem>>)
      %dma_wait3A = arith.constant 0 : i32
      %dma_wait3A_49 = arith.constant 0 : i32
      %dma_wait3A_50 = tpu.memref_slice %arg8[%dma_wait3A, %dma_wait3A_49] : memref<128x128xf32, #tpu.memory_space<vmem>> -> memref<120x128xf32, #tpu.memory_space<vmem>>
      %dma_wait3A_51 = arith.constant 0 : i32
      %dma_wait3A_52 = tpu.memref_slice %arg10[%add3A_23, %dma_wait3A_51] : memref<10112x128xf32, #tpu.memory_space<vmem_shared>> -> memref<120x128xf32, #tpu.memory_space<vmem_shared>>
      %dma_wait3A_53 = arith.constant 0 : i32
      %dma_wait3A_54 = tpu.memref_slice %arg10[%add3A_23, %dma_wait3A_53] : memref<10112x128xf32, #tpu.memory_space<vmem_shared>> -> memref<120x128xf32, #tpu.memory_space<vmem_shared>>
      %dma_wait3A_55 = arith.constant 0 : i32
      %dma_wait3A_56 = arith.constant 0 : i32
      %dma_wait3A_57 = tpu.memref_slice %arg8[%dma_wait3A_55, %dma_wait3A_56] : memref<128x128xf32, #tpu.memory_space<vmem>> -> memref<120x128xf32, #tpu.memory_space<vmem>>
      tpu.wait_dma2 semaphore(%run_scoped3A : memref<!tpu.dma_semaphore, #tpu.memory_space<semaphore_mem>>) src(%dma_wait3A_57 : memref<120x128xf32, #tpu.memory_space<vmem>>) dst(%dma_wait3A_54 : memref<120x128xf32, #tpu.memory_space<vmem_shared>>)
      tpu.yield
    }) : () -> ()
    %barrier3A = arith.constant 0 : index
    tpu.barrier barrier_id(%barrier3A)
    %eq3A = arith.constant 1 : i32
    %eq3A_24 = arith.cmpi eq, %arg0, %eq3A : i32
    %convert_element_type3A = arith.extui %eq3A_24 : i1 to i32
    %cond3A = arith.constant 0 : i32
    %cond3A_25 = arith.cmpi ne, %convert_element_type3A, %cond3A : i32
    scf.if %cond3A_25 {
      %mul3A_40 = arith.constant 160 : i32
      %mul3A_41 = arith.muli %arg1, %mul3A_40 : i32
      "tpu.region"() ({
        %run_scoped3A = tpu.sem_alloc : memref<!tpu.dma_semaphore, #tpu.memory_space<semaphore_mem>>
        %dma_start3A_80 = arith.constant 0 : i32
        %dma_start3A_81 = arith.constant 0 : i32
        %dma_start3A_82 = tpu.memref_slice %arg6[%dma_start3A_80, %dma_start3A_81] : memref<128x128xi32, #tpu.memory_space<vmem>> -> memref<128x128xi32, #tpu.memory_space<vmem>>
        %dma_start3A_83 = arith.constant 0 : i32
        %dma_start3A_84 = tpu.memref_slice %arg3[%mul3A_41, %dma_start3A_83] : memref<2560x128xi32, #tpu.memory_space<hbm>> -> memref<128x128xi32, #tpu.memory_space<hbm>>
        %dma_start3A_85 = arith.constant 0 : i32
        %dma_start3A_86 = arith.constant 0 : i32
        %dma_start3A_87 = tpu.memref_slice %arg6[%dma_start3A_85, %dma_start3A_86] : memref<128x128xi32, #tpu.memory_space<vmem>> -> memref<128x128xi32, #tpu.memory_space<vmem>>
        %dma_start3A_88 = arith.constant 0 : i32
        %dma_start3A_89 = tpu.memref_slice %arg3[%mul3A_41, %dma_start3A_88] : memref<2560x128xi32, #tpu.memory_space<hbm>> -> memref<128x128xi32, #tpu.memory_space<hbm>>
        tpu.enqueue_dma source(%dma_start3A_89 : memref<128x128xi32, #tpu.memory_space<hbm>>) target(%dma_start3A_87 : memref<128x128xi32, #tpu.memory_space<vmem>>) target_semaphore(%run_scoped3A : memref<!tpu.dma_semaphore, #tpu.memory_space<semaphore_mem>>)
        %dma_wait3A = arith.constant 0 : i32
        %dma_wait3A_90 = arith.constant 0 : i32
        %dma_wait3A_91 = tpu.memref_slice %arg6[%dma_wait3A, %dma_wait3A_90] : memref<128x128xi32, #tpu.memory_space<vmem>> -> memref<128x128xi32, #tpu.memory_space<vmem>>
        %dma_wait3A_92 = arith.constant 0 : i32
        %dma_wait3A_93 = tpu.memref_slice %arg3[%mul3A_41, %dma_wait3A_92] : memref<2560x128xi32, #tpu.memory_space<hbm>> -> memref<128x128xi32, #tpu.memory_space<hbm>>
        %dma_wait3A_94 = arith.constant 0 : i32
        %dma_wait3A_95 = arith.constant 0 : i32
        %dma_wait3A_96 = tpu.memref_slice %arg6[%dma_wait3A_94, %dma_wait3A_95] : memref<128x128xi32, #tpu.memory_space<vmem>> -> memref<128x128xi32, #tpu.memory_space<vmem>>
        %dma_wait3A_97 = arith.constant 0 : i32
        %dma_wait3A_98 = tpu.memref_slice %arg3[%mul3A_41, %dma_wait3A_97] : memref<2560x128xi32, #tpu.memory_space<hbm>> -> memref<128x128xi32, #tpu.memory_space<hbm>>
        tpu.wait_dma2 semaphore(%run_scoped3A : memref<!tpu.dma_semaphore, #tpu.memory_space<semaphore_mem>>) src(%dma_wait3A_98 : memref<128x128xi32, #tpu.memory_space<hbm>>) dst(%dma_wait3A_96 : memref<128x128xi32, #tpu.memory_space<vmem>>)
        tpu.yield
      }) : () -> ()
      %dma_start3A = arith.constant 0 : i32
      %dma_start3A_42 = arith.constant 0 : i32
      %dma_start3A_43 = tpu.memref_slice %arg7[%dma_start3A, %dma_start3A_42] : memref<2x128xi32, #tpu.memory_space<vmem>> -> memref<1x128xi32, #tpu.memory_space<vmem>>
      %dma_start3A_44 = tpu.memref_squeeze %dma_start3A_43 : memref<1x128xi32, #tpu.memory_space<vmem>> -> memref<128xi32, #tpu.memory_space<vmem>>
      %dma_start3A_45 = arith.constant 0 : i32
      %dma_start3A_46 = tpu.memref_slice %arg4[%mul3A_41, %dma_start3A_45] : memref<2560x128xi32, #tpu.memory_space<hbm>> -> memref<1x128xi32, #tpu.memory_space<hbm>>
      %dma_start3A_47 = tpu.memref_squeeze %dma_start3A_46 : memref<1x128xi32, #tpu.memory_space<hbm>> -> memref<128xi32, #tpu.memory_space<hbm>>
      %dma_start3A_48 = arith.constant 0 : i32
      %dma_start3A_49 = tpu.memref_slice %arg7[%dma_start3A, %dma_start3A_48] : memref<2x128xi32, #tpu.memory_space<vmem>> -> memref<1x128xi32, #tpu.memory_space<vmem>>
      %dma_start3A_50 = tpu.memref_squeeze %dma_start3A_49 : memref<1x128xi32, #tpu.memory_space<vmem>> -> memref<128xi32, #tpu.memory_space<vmem>>
      %dma_start3A_51 = arith.constant 0 : i32
      %dma_start3A_52 = tpu.memref_slice %arg4[%mul3A_41, %dma_start3A_51] : memref<2560x128xi32, #tpu.memory_space<hbm>> -> memref<1x128xi32, #tpu.memory_space<hbm>>
      %dma_start3A_53 = tpu.memref_squeeze %dma_start3A_52 : memref<1x128xi32, #tpu.memory_space<hbm>> -> memref<128xi32, #tpu.memory_space<hbm>>
      tpu.enqueue_dma source(%dma_start3A_53 : memref<128xi32, #tpu.memory_space<hbm>>) target(%dma_start3A_50 : memref<128xi32, #tpu.memory_space<vmem>>) target_semaphore(%arg13 : memref<!tpu.dma_semaphore, #tpu.memory_space<semaphore_mem>>)
      %dma_start3A_54 = arith.constant 0 : i32
      %dma_start3A_55 = arith.constant 0 : i32
      %dma_start3A_56 = arith.constant 0 : i32
      %dma_start3A_57 = tpu.memref_slice %arg8[%dma_start3A_55, %dma_start3A_56] : memref<128x128xf32, #tpu.memory_space<vmem>> -> memref<64x128xf32, #tpu.memory_space<vmem>>
      %dma_start3A_58 = arith.constant 0 : i32
      %dma_start3A_59 = tpu.memref_slice %arg6[%dma_start3A_54, %dma_start3A_58] : memref<128x128xi32, #tpu.memory_space<vmem>> -> memref<1x64xi32, #tpu.memory_space<vmem>>
      %dma_start3A_60 = tpu.memref_squeeze %dma_start3A_59 : memref<1x64xi32, #tpu.memory_space<vmem>> -> memref<64xi32, #tpu.memory_space<vmem>>
      %dma_start3A_61 = arith.constant 0 : i32
      %dma_start3A_62 = arith.constant 0 : i32
      %dma_start3A_63 = tpu.memref_slice %arg2[%dma_start3A_61, %dma_start3A_62] : memref<10000x128xf32, #tpu.memory_space<hbm>> -> memref<10000x128xf32, #tpu.memory_space<hbm>>
      tpu.enqueue_indirect_dma source(%dma_start3A_63 : memref<10000x128xf32, #tpu.memory_space<hbm>>) target(%dma_start3A_57 : memref<64x128xf32, #tpu.memory_space<vmem>>) offsets(%dma_start3A_60 : memref<64xi32, #tpu.memory_space<vmem>>) semaphore(%arg11 : memref<!tpu.dma_semaphore, #tpu.memory_space<semaphore_mem>>)
      %dma_start3A_64 = arith.constant 0 : i32
      %dma_start3A_65 = arith.constant 64 : i32
      %dma_start3A_66 = arith.constant 0 : i32
      %dma_start3A_67 = tpu.memref_slice %arg8[%dma_start3A_65, %dma_start3A_66] : memref<128x128xf32, #tpu.memory_space<vmem>> -> memref<64x128xf32, #tpu.memory_space<vmem>>
      %dma_start3A_68 = arith.constant 64 : i32
      %dma_start3A_69 = tpu.memref_slice %arg6[%dma_start3A_64, %dma_start3A_68] : memref<128x128xi32, #tpu.memory_space<vmem>> -> memref<1x64xi32, #tpu.memory_space<vmem>>
      %dma_start3A_70 = tpu.memref_squeeze %dma_start3A_69 : memref<1x64xi32, #tpu.memory_space<vmem>> -> memref<64xi32, #tpu.memory_space<vmem>>
      %dma_start3A_71 = arith.constant 0 : i32
      %dma_start3A_72 = arith.constant 0 : i32
      %dma_start3A_73 = tpu.memref_slice %arg2[%dma_start3A_71, %dma_start3A_72] : memref<10000x128xf32, #tpu.memory_space<hbm>> -> memref<10000x128xf32, #tpu.memory_space<hbm>>
      tpu.enqueue_indirect_dma source(%dma_start3A_73 : memref<10000x128xf32, #tpu.memory_space<hbm>>) target(%dma_start3A_67 : memref<64x128xf32, #tpu.memory_space<vmem>>) offsets(%dma_start3A_70 : memref<64xi32, #tpu.memory_space<vmem>>) semaphore(%arg11 : memref<!tpu.dma_semaphore, #tpu.memory_space<semaphore_mem>>)
      %scan3A_74 = arith.constant 0 : i32
      %scan3A_75 = arith.constant 0 : i32
      %scan3A_76 = arith.constant 64 : i32
      %scan3A_77 = arith.addi %scan3A_75, %scan3A_76 : i32
      %scan3A_78 = arith.constant 1 : i32
      scf.for %scan3A_80 = %scan3A_75 to %scan3A_77 step %scan3A_78  : i32 {
        %mul3A_81 = arith.constant 2 : i32
        %mul3A_82 = arith.muli %mul3A_81, %scan3A_80 : i32
        %add3A_83 = arith.addi %mul3A_41, %mul3A_82 : i32
        %add3A_84 = arith.constant 1 : i32
        %add3A_85 = arith.addi %add3A_83, %add3A_84 : i32
        %dma_start3A_86 = arith.constant 1 : i32
        %dma_start3A_87 = arith.constant 0 : i32
        %dma_start3A_88 = tpu.memref_slice %arg7[%dma_start3A_86, %dma_start3A_87] : memref<2x128xi32, #tpu.memory_space<vmem>> -> memref<1x128xi32, #tpu.memory_space<vmem>>
        %dma_start3A_89 = tpu.memref_squeeze %dma_start3A_88 : memref<1x128xi32, #tpu.memory_space<vmem>> -> memref<128xi32, #tpu.memory_space<vmem>>
        %dma_start3A_90 = arith.constant 0 : i32
        %dma_start3A_91 = tpu.memref_slice %arg4[%add3A_85, %dma_start3A_90] : memref<2560x128xi32, #tpu.memory_space<hbm>> -> memref<1x128xi32, #tpu.memory_space<hbm>>
        %dma_start3A_92 = tpu.memref_squeeze %dma_start3A_91 : memref<1x128xi32, #tpu.memory_space<hbm>> -> memref<128xi32, #tpu.memory_space<hbm>>
        %dma_start3A_93 = arith.constant 0 : i32
        %dma_start3A_94 = tpu.memref_slice %arg7[%dma_start3A_86, %dma_start3A_93] : memref<2x128xi32, #tpu.memory_space<vmem>> -> memref<1x128xi32, #tpu.memory_space<vmem>>
        %dma_start3A_95 = tpu.memref_squeeze %dma_start3A_94 : memref<1x128xi32, #tpu.memory_space<vmem>> -> memref<128xi32, #tpu.memory_space<vmem>>
        %dma_start3A_96 = arith.constant 0 : i32
        %dma_start3A_97 = tpu.memref_slice %arg4[%add3A_85, %dma_start3A_96] : memref<2560x128xi32, #tpu.memory_space<hbm>> -> memref<1x128xi32, #tpu.memory_space<hbm>>
        %dma_start3A_98 = tpu.memref_squeeze %dma_start3A_97 : memref<1x128xi32, #tpu.memory_space<hbm>> -> memref<128xi32, #tpu.memory_space<hbm>>
        tpu.enqueue_dma source(%dma_start3A_98 : memref<128xi32, #tpu.memory_space<hbm>>) target(%dma_start3A_95 : memref<128xi32, #tpu.memory_space<vmem>>) target_semaphore(%arg14 : memref<!tpu.dma_semaphore, #tpu.memory_space<semaphore_mem>>)
        %add3A_99 = arith.constant 1 : i32
        %add3A_100 = arith.addi %mul3A_82, %add3A_99 : i32
        %dma_start3A_101 = arith.constant 0 : i32
        %dma_start3A_102 = arith.constant 0 : i32
        %dma_start3A_103 = tpu.memref_slice %arg9[%dma_start3A_101, %dma_start3A_102] : memref<128x128xf32, #tpu.memory_space<vmem>> -> memref<64x128xf32, #tpu.memory_space<vmem>>
        %dma_start3A_104 = arith.constant 0 : i32
        %dma_start3A_105 = tpu.memref_slice %arg6[%add3A_100, %dma_start3A_104] : memref<128x128xi32, #tpu.memory_space<vmem>> -> memref<1x64xi32, #tpu.memory_space<vmem>>
        %dma_start3A_106 = tpu.memref_squeeze %dma_start3A_105 : memref<1x64xi32, #tpu.memory_space<vmem>> -> memref<64xi32, #tpu.memory_space<vmem>>
        %dma_start3A_107 = arith.constant 0 : i32
        %dma_start3A_108 = arith.constant 0 : i32
        %dma_start3A_109 = tpu.memref_slice %arg2[%dma_start3A_107, %dma_start3A_108] : memref<10000x128xf32, #tpu.memory_space<hbm>> -> memref<10000x128xf32, #tpu.memory_space<hbm>>
        tpu.enqueue_indirect_dma source(%dma_start3A_109 : memref<10000x128xf32, #tpu.memory_space<hbm>>) target(%dma_start3A_103 : memref<64x128xf32, #tpu.memory_space<vmem>>) offsets(%dma_start3A_106 : memref<64xi32, #tpu.memory_space<vmem>>) semaphore(%arg12 : memref<!tpu.dma_semaphore, #tpu.memory_space<semaphore_mem>>)
        %dma_start3A_110 = arith.constant 64 : i32
        %dma_start3A_111 = arith.constant 0 : i32
        %dma_start3A_112 = tpu.memref_slice %arg9[%dma_start3A_110, %dma_start3A_111] : memref<128x128xf32, #tpu.memory_space<vmem>> -> memref<64x128xf32, #tpu.memory_space<vmem>>
        %dma_start3A_113 = arith.constant 64 : i32
        %dma_start3A_114 = tpu.memref_slice %arg6[%add3A_100, %dma_start3A_113] : memref<128x128xi32, #tpu.memory_space<vmem>> -> memref<1x64xi32, #tpu.memory_space<vmem>>
        %dma_start3A_115 = tpu.memref_squeeze %dma_start3A_114 : memref<1x64xi32, #tpu.memory_space<vmem>> -> memref<64xi32, #tpu.memory_space<vmem>>
        %dma_start3A_116 = arith.constant 0 : i32
        %dma_start3A_117 = arith.constant 0 : i32
        %dma_start3A_118 = tpu.memref_slice %arg2[%dma_start3A_116, %dma_start3A_117] : memref<10000x128xf32, #tpu.memory_space<hbm>> -> memref<10000x128xf32, #tpu.memory_space<hbm>>
        tpu.enqueue_indirect_dma source(%dma_start3A_118 : memref<10000x128xf32, #tpu.memory_space<hbm>>) target(%dma_start3A_112 : memref<64x128xf32, #tpu.memory_space<vmem>>) offsets(%dma_start3A_115 : memref<64xi32, #tpu.memory_space<vmem>>) semaphore(%arg12 : memref<!tpu.dma_semaphore, #tpu.memory_space<semaphore_mem>>)
        %add3A_119 = arith.addi %mul3A_41, %mul3A_82 : i32
        %dma_wait3A = arith.constant 0 : i32
        %dma_wait3A_120 = arith.constant 0 : i32
        %dma_wait3A_121 = tpu.memref_slice %arg7[%dma_wait3A, %dma_wait3A_120] : memref<2x128xi32, #tpu.memory_space<vmem>> -> memref<1x128xi32, #tpu.memory_space<vmem>>
        %dma_wait3A_122 = tpu.memref_squeeze %dma_wait3A_121 : memref<1x128xi32, #tpu.memory_space<vmem>> -> memref<128xi32, #tpu.memory_space<vmem>>
        %dma_wait3A_123 = arith.constant 0 : i32
        %dma_wait3A_124 = tpu.memref_slice %arg4[%add3A_119, %dma_wait3A_123] : memref<2560x128xi32, #tpu.memory_space<hbm>> -> memref<1x128xi32, #tpu.memory_space<hbm>>
        %dma_wait3A_125 = tpu.memref_squeeze %dma_wait3A_124 : memref<1x128xi32, #tpu.memory_space<hbm>> -> memref<128xi32, #tpu.memory_space<hbm>>
        %dma_wait3A_126 = arith.constant 0 : i32
        %dma_wait3A_127 = tpu.memref_slice %arg7[%dma_wait3A, %dma_wait3A_126] : memref<2x128xi32, #tpu.memory_space<vmem>> -> memref<1x128xi32, #tpu.memory_space<vmem>>
        %dma_wait3A_128 = tpu.memref_squeeze %dma_wait3A_127 : memref<1x128xi32, #tpu.memory_space<vmem>> -> memref<128xi32, #tpu.memory_space<vmem>>
        %dma_wait3A_129 = arith.constant 0 : i32
        %dma_wait3A_130 = tpu.memref_slice %arg4[%add3A_119, %dma_wait3A_129] : memref<2560x128xi32, #tpu.memory_space<hbm>> -> memref<1x128xi32, #tpu.memory_space<hbm>>
        %dma_wait3A_131 = tpu.memref_squeeze %dma_wait3A_130 : memref<1x128xi32, #tpu.memory_space<hbm>> -> memref<128xi32, #tpu.memory_space<hbm>>
        tpu.wait_dma2 semaphore(%arg13 : memref<!tpu.dma_semaphore, #tpu.memory_space<semaphore_mem>>) src(%dma_wait3A_131 : memref<128xi32, #tpu.memory_space<hbm>>) dst(%dma_wait3A_128 : memref<128xi32, #tpu.memory_space<vmem>>)
        %dma_wait3A_132 = arith.constant 0 : i32
        %dma_wait3A_133 = arith.constant 0 : i32
        %dma_wait3A_134 = tpu.memref_slice %arg8[%dma_wait3A_132, %dma_wait3A_133] : memref<128x128xf32, #tpu.memory_space<vmem>> -> memref<64x128xf32, #tpu.memory_space<vmem>>
        %dma_wait3A_135 = arith.constant 0 : i32
        %dma_wait3A_136 = tpu.memref_slice %arg6[%mul3A_82, %dma_wait3A_135] : memref<128x128xi32, #tpu.memory_space<vmem>> -> memref<1x64xi32, #tpu.memory_space<vmem>>
        %dma_wait3A_137 = tpu.memref_squeeze %dma_wait3A_136 : memref<1x64xi32, #tpu.memory_space<vmem>> -> memref<64xi32, #tpu.memory_space<vmem>>
        %dma_wait3A_138 = arith.constant 0 : i32
        %dma_wait3A_139 = arith.constant 0 : i32
        %dma_wait3A_140 = tpu.memref_slice %arg2[%dma_wait3A_138, %dma_wait3A_139] : memref<10000x128xf32, #tpu.memory_space<hbm>> -> memref<10000x128xf32, #tpu.memory_space<hbm>>
        tpu.wait_indirect_dma semaphore(%arg11 : memref<!tpu.dma_semaphore, #tpu.memory_space<semaphore_mem>>) src(%dma_wait3A_140 : memref<10000x128xf32, #tpu.memory_space<hbm>>) dst(%dma_wait3A_134 : memref<64x128xf32, #tpu.memory_space<vmem>>)
        %dma_wait3A_141 = arith.constant 64 : i32
        %dma_wait3A_142 = arith.constant 0 : i32
        %dma_wait3A_143 = tpu.memref_slice %arg8[%dma_wait3A_141, %dma_wait3A_142] : memref<128x128xf32, #tpu.memory_space<vmem>> -> memref<64x128xf32, #tpu.memory_space<vmem>>
        %dma_wait3A_144 = arith.constant 64 : i32
        %dma_wait3A_145 = tpu.memref_slice %arg6[%mul3A_82, %dma_wait3A_144] : memref<128x128xi32, #tpu.memory_space<vmem>> -> memref<1x64xi32, #tpu.memory_space<vmem>>
        %dma_wait3A_146 = tpu.memref_squeeze %dma_wait3A_145 : memref<1x64xi32, #tpu.memory_space<vmem>> -> memref<64xi32, #tpu.memory_space<vmem>>
        %dma_wait3A_147 = arith.constant 0 : i32
        %dma_wait3A_148 = arith.constant 0 : i32
        %dma_wait3A_149 = tpu.memref_slice %arg2[%dma_wait3A_147, %dma_wait3A_148] : memref<10000x128xf32, #tpu.memory_space<hbm>> -> memref<10000x128xf32, #tpu.memory_space<hbm>>
        tpu.wait_indirect_dma semaphore(%arg11 : memref<!tpu.dma_semaphore, #tpu.memory_space<semaphore_mem>>) src(%dma_wait3A_149 : memref<10000x128xf32, #tpu.memory_space<hbm>>) dst(%dma_wait3A_143 : memref<64x128xf32, #tpu.memory_space<vmem>>)
        %run_scoped3A = arith.constant 0 : i32
        "tpu.region"() ({
          %run_scoped3A_192 = tpu.sem_alloc : memref<!tpu.dma_semaphore, #tpu.memory_space<semaphore_mem>>
          %dma_start3A_193 = arith.constant 0 : i32
          %dma_start3A_194 = tpu.memref_slice %arg7[%run_scoped3A, %dma_start3A_193] : memref<2x128xi32, #tpu.memory_space<vmem>> -> memref<1x128xi32, #tpu.memory_space<vmem>>
          %dma_start3A_195 = tpu.memref_squeeze %dma_start3A_194 : memref<1x128xi32, #tpu.memory_space<vmem>> -> memref<128xi32, #tpu.memory_space<vmem>>
          %dma_start3A_196 = arith.constant 0 : i32
          %dma_start3A_197 = arith.constant 0 : i32
          %dma_start3A_198 = tpu.memref_slice %arg10[%dma_start3A_196, %dma_start3A_197] : memref<10112x128xf32, #tpu.memory_space<vmem_shared>> -> memref<10112x128xf32, #tpu.memory_space<vmem_shared>>
          tpu.enqueue_indirect_dma source(%arg8 : memref<128x128xf32, #tpu.memory_space<vmem>>) target(%dma_start3A_198 : memref<10112x128xf32, #tpu.memory_space<vmem_shared>>) offsets(%dma_start3A_195 : memref<128xi32, #tpu.memory_space<vmem>>) semaphore(%run_scoped3A_192 : memref<!tpu.dma_semaphore, #tpu.memory_space<semaphore_mem>>) {add = true}
          %dma_wait3A_199 = arith.constant 0 : i32
          %dma_wait3A_200 = tpu.memref_slice %arg7[%run_scoped3A, %dma_wait3A_199] : memref<2x128xi32, #tpu.memory_space<vmem>> -> memref<1x128xi32, #tpu.memory_space<vmem>>
          %dma_wait3A_201 = tpu.memref_squeeze %dma_wait3A_200 : memref<1x128xi32, #tpu.memory_space<vmem>> -> memref<128xi32, #tpu.memory_space<vmem>>
          %dma_wait3A_202 = arith.constant 0 : i32
          %dma_wait3A_203 = arith.constant 0 : i32
          %dma_wait3A_204 = tpu.memref_slice %arg10[%dma_wait3A_202, %dma_wait3A_203] : memref<10112x128xf32, #tpu.memory_space<vmem_shared>> -> memref<10112x128xf32, #tpu.memory_space<vmem_shared>>
          tpu.wait_indirect_dma semaphore(%run_scoped3A_192 : memref<!tpu.dma_semaphore, #tpu.memory_space<semaphore_mem>>) src(%arg8 : memref<128x128xf32, #tpu.memory_space<vmem>>) dst(%dma_wait3A_204 : memref<10112x128xf32, #tpu.memory_space<vmem_shared>>)
          tpu.yield
        }) : () -> ()
        %lt3A_150 = arith.constant 63 : i32
        %lt3A_151 = arith.cmpi slt, %scan3A_80, %lt3A_150 : i32
        %convert_element_type3A_152 = arith.extui %lt3A_151 : i1 to i32
        %cond3A_153 = arith.constant 0 : i32
        %cond3A_154 = arith.cmpi ne, %convert_element_type3A_152, %cond3A_153 : i32
        scf.if %cond3A_154 {
          %add3A_192 = arith.addi %mul3A_41, %mul3A_82 : i32
          %add3A_193 = arith.constant 2 : i32
          %add3A_194 = arith.addi %add3A_192, %add3A_193 : i32
          %dma_start3A_195 = arith.constant 0 : i32
          %dma_start3A_196 = arith.constant 0 : i32
          %dma_start3A_197 = tpu.memref_slice %arg7[%dma_start3A_195, %dma_start3A_196] : memref<2x128xi32, #tpu.memory_space<vmem>> -> memref<1x128xi32, #tpu.memory_space<vmem>>
          %dma_start3A_198 = tpu.memref_squeeze %dma_start3A_197 : memref<1x128xi32, #tpu.memory_space<vmem>> -> memref<128xi32, #tpu.memory_space<vmem>>
          %dma_start3A_199 = arith.constant 0 : i32
          %dma_start3A_200 = tpu.memref_slice %arg4[%add3A_194, %dma_start3A_199] : memref<2560x128xi32, #tpu.memory_space<hbm>> -> memref<1x128xi32, #tpu.memory_space<hbm>>
          %dma_start3A_201 = tpu.memref_squeeze %dma_start3A_200 : memref<1x128xi32, #tpu.memory_space<hbm>> -> memref<128xi32, #tpu.memory_space<hbm>>
          %dma_start3A_202 = arith.constant 0 : i32
          %dma_start3A_203 = tpu.memref_slice %arg7[%dma_start3A_195, %dma_start3A_202] : memref<2x128xi32, #tpu.memory_space<vmem>> -> memref<1x128xi32, #tpu.memory_space<vmem>>
          %dma_start3A_204 = tpu.memref_squeeze %dma_start3A_203 : memref<1x128xi32, #tpu.memory_space<vmem>> -> memref<128xi32, #tpu.memory_space<vmem>>
          %dma_start3A_205 = arith.constant 0 : i32
          %dma_start3A_206 = tpu.memref_slice %arg4[%add3A_194, %dma_start3A_205] : memref<2560x128xi32, #tpu.memory_space<hbm>> -> memref<1x128xi32, #tpu.memory_space<hbm>>
          %dma_start3A_207 = tpu.memref_squeeze %dma_start3A_206 : memref<1x128xi32, #tpu.memory_space<hbm>> -> memref<128xi32, #tpu.memory_space<hbm>>
          tpu.enqueue_dma source(%dma_start3A_207 : memref<128xi32, #tpu.memory_space<hbm>>) target(%dma_start3A_204 : memref<128xi32, #tpu.memory_space<vmem>>) target_semaphore(%arg13 : memref<!tpu.dma_semaphore, #tpu.memory_space<semaphore_mem>>)
          %add3A_208 = arith.constant 2 : i32
          %add3A_209 = arith.addi %mul3A_82, %add3A_208 : i32
          %dma_start3A_210 = arith.constant 0 : i32
          %dma_start3A_211 = arith.constant 0 : i32
          %dma_start3A_212 = tpu.memref_slice %arg8[%dma_start3A_210, %dma_start3A_211] : memref<128x128xf32, #tpu.memory_space<vmem>> -> memref<64x128xf32, #tpu.memory_space<vmem>>
          %dma_start3A_213 = arith.constant 0 : i32
          %dma_start3A_214 = tpu.memref_slice %arg6[%add3A_209, %dma_start3A_213] : memref<128x128xi32, #tpu.memory_space<vmem>> -> memref<1x64xi32, #tpu.memory_space<vmem>>
          %dma_start3A_215 = tpu.memref_squeeze %dma_start3A_214 : memref<1x64xi32, #tpu.memory_space<vmem>> -> memref<64xi32, #tpu.memory_space<vmem>>
          %dma_start3A_216 = arith.constant 0 : i32
          %dma_start3A_217 = arith.constant 0 : i32
          %dma_start3A_218 = tpu.memref_slice %arg2[%dma_start3A_216, %dma_start3A_217] : memref<10000x128xf32, #tpu.memory_space<hbm>> -> memref<10000x128xf32, #tpu.memory_space<hbm>>
          tpu.enqueue_indirect_dma source(%dma_start3A_218 : memref<10000x128xf32, #tpu.memory_space<hbm>>) target(%dma_start3A_212 : memref<64x128xf32, #tpu.memory_space<vmem>>) offsets(%dma_start3A_215 : memref<64xi32, #tpu.memory_space<vmem>>) semaphore(%arg11 : memref<!tpu.dma_semaphore, #tpu.memory_space<semaphore_mem>>)
          %dma_start3A_219 = arith.constant 64 : i32
          %dma_start3A_220 = arith.constant 0 : i32
          %dma_start3A_221 = tpu.memref_slice %arg8[%dma_start3A_219, %dma_start3A_220] : memref<128x128xf32, #tpu.memory_space<vmem>> -> memref<64x128xf32, #tpu.memory_space<vmem>>
          %dma_start3A_222 = arith.constant 64 : i32
          %dma_start3A_223 = tpu.memref_slice %arg6[%add3A_209, %dma_start3A_222] : memref<128x128xi32, #tpu.memory_space<vmem>> -> memref<1x64xi32, #tpu.memory_space<vmem>>
          %dma_start3A_224 = tpu.memref_squeeze %dma_start3A_223 : memref<1x64xi32, #tpu.memory_space<vmem>> -> memref<64xi32, #tpu.memory_space<vmem>>
          %dma_start3A_225 = arith.constant 0 : i32
          %dma_start3A_226 = arith.constant 0 : i32
          %dma_start3A_227 = tpu.memref_slice %arg2[%dma_start3A_225, %dma_start3A_226] : memref<10000x128xf32, #tpu.memory_space<hbm>> -> memref<10000x128xf32, #tpu.memory_space<hbm>>
          tpu.enqueue_indirect_dma source(%dma_start3A_227 : memref<10000x128xf32, #tpu.memory_space<hbm>>) target(%dma_start3A_221 : memref<64x128xf32, #tpu.memory_space<vmem>>) offsets(%dma_start3A_224 : memref<64xi32, #tpu.memory_space<vmem>>) semaphore(%arg11 : memref<!tpu.dma_semaphore, #tpu.memory_space<semaphore_mem>>)
        } else {
        }
        %add3A_155 = arith.addi %mul3A_41, %mul3A_82 : i32
        %add3A_156 = arith.constant 1 : i32
        %add3A_157 = arith.addi %add3A_155, %add3A_156 : i32
        %dma_wait3A_158 = arith.constant 1 : i32
        %dma_wait3A_159 = arith.constant 0 : i32
        %dma_wait3A_160 = tpu.memref_slice %arg7[%dma_wait3A_158, %dma_wait3A_159] : memref<2x128xi32, #tpu.memory_space<vmem>> -> memref<1x128xi32, #tpu.memory_space<vmem>>
        %dma_wait3A_161 = tpu.memref_squeeze %dma_wait3A_160 : memref<1x128xi32, #tpu.memory_space<vmem>> -> memref<128xi32, #tpu.memory_space<vmem>>
        %dma_wait3A_162 = arith.constant 0 : i32
        %dma_wait3A_163 = tpu.memref_slice %arg4[%add3A_157, %dma_wait3A_162] : memref<2560x128xi32, #tpu.memory_space<hbm>> -> memref<1x128xi32, #tpu.memory_space<hbm>>
        %dma_wait3A_164 = tpu.memref_squeeze %dma_wait3A_163 : memref<1x128xi32, #tpu.memory_space<hbm>> -> memref<128xi32, #tpu.memory_space<hbm>>
        %dma_wait3A_165 = arith.constant 0 : i32
        %dma_wait3A_166 = tpu.memref_slice %arg7[%dma_wait3A_158, %dma_wait3A_165] : memref<2x128xi32, #tpu.memory_space<vmem>> -> memref<1x128xi32, #tpu.memory_space<vmem>>
        %dma_wait3A_167 = tpu.memref_squeeze %dma_wait3A_166 : memref<1x128xi32, #tpu.memory_space<vmem>> -> memref<128xi32, #tpu.memory_space<vmem>>
        %dma_wait3A_168 = arith.constant 0 : i32
        %dma_wait3A_169 = tpu.memref_slice %arg4[%add3A_157, %dma_wait3A_168] : memref<2560x128xi32, #tpu.memory_space<hbm>> -> memref<1x128xi32, #tpu.memory_space<hbm>>
        %dma_wait3A_170 = tpu.memref_squeeze %dma_wait3A_169 : memref<1x128xi32, #tpu.memory_space<hbm>> -> memref<128xi32, #tpu.memory_space<hbm>>
        tpu.wait_dma2 semaphore(%arg14 : memref<!tpu.dma_semaphore, #tpu.memory_space<semaphore_mem>>) src(%dma_wait3A_170 : memref<128xi32, #tpu.memory_space<hbm>>) dst(%dma_wait3A_167 : memref<128xi32, #tpu.memory_space<vmem>>)
        %add3A_171 = arith.constant 1 : i32
        %add3A_172 = arith.addi %mul3A_82, %add3A_171 : i32
        %dma_wait3A_173 = arith.constant 0 : i32
        %dma_wait3A_174 = arith.constant 0 : i32
        %dma_wait3A_175 = tpu.memref_slice %arg9[%dma_wait3A_173, %dma_wait3A_174] : memref<128x128xf32, #tpu.memory_space<vmem>> -> memref<64x128xf32, #tpu.memory_space<vmem>>
        %dma_wait3A_176 = arith.constant 0 : i32
        %dma_wait3A_177 = tpu.memref_slice %arg6[%add3A_172, %dma_wait3A_176] : memref<128x128xi32, #tpu.memory_space<vmem>> -> memref<1x64xi32, #tpu.memory_space<vmem>>
        %dma_wait3A_178 = tpu.memref_squeeze %dma_wait3A_177 : memref<1x64xi32, #tpu.memory_space<vmem>> -> memref<64xi32, #tpu.memory_space<vmem>>
        %dma_wait3A_179 = arith.constant 0 : i32
        %dma_wait3A_180 = arith.constant 0 : i32
        %dma_wait3A_181 = tpu.memref_slice %arg2[%dma_wait3A_179, %dma_wait3A_180] : memref<10000x128xf32, #tpu.memory_space<hbm>> -> memref<10000x128xf32, #tpu.memory_space<hbm>>
        tpu.wait_indirect_dma semaphore(%arg12 : memref<!tpu.dma_semaphore, #tpu.memory_space<semaphore_mem>>) src(%dma_wait3A_181 : memref<10000x128xf32, #tpu.memory_space<hbm>>) dst(%dma_wait3A_175 : memref<64x128xf32, #tpu.memory_space<vmem>>)
        %dma_wait3A_182 = arith.constant 64 : i32
        %dma_wait3A_183 = arith.constant 0 : i32
        %dma_wait3A_184 = tpu.memref_slice %arg9[%dma_wait3A_182, %dma_wait3A_183] : memref<128x128xf32, #tpu.memory_space<vmem>> -> memref<64x128xf32, #tpu.memory_space<vmem>>
        %dma_wait3A_185 = arith.constant 64 : i32
        %dma_wait3A_186 = tpu.memref_slice %arg6[%add3A_172, %dma_wait3A_185] : memref<128x128xi32, #tpu.memory_space<vmem>> -> memref<1x64xi32, #tpu.memory_space<vmem>>
        %dma_wait3A_187 = tpu.memref_squeeze %dma_wait3A_186 : memref<1x64xi32, #tpu.memory_space<vmem>> -> memref<64xi32, #tpu.memory_space<vmem>>
        %dma_wait3A_188 = arith.constant 0 : i32
        %dma_wait3A_189 = arith.constant 0 : i32
        %dma_wait3A_190 = tpu.memref_slice %arg2[%dma_wait3A_188, %dma_wait3A_189] : memref<10000x128xf32, #tpu.memory_space<hbm>> -> memref<10000x128xf32, #tpu.memory_space<hbm>>
        tpu.wait_indirect_dma semaphore(%arg12 : memref<!tpu.dma_semaphore, #tpu.memory_space<semaphore_mem>>) src(%dma_wait3A_190 : memref<10000x128xf32, #tpu.memory_space<hbm>>) dst(%dma_wait3A_184 : memref<64x128xf32, #tpu.memory_space<vmem>>)
        %run_scoped3A_191 = arith.constant 1 : i32
        "tpu.region"() ({
          %run_scoped3A_192 = tpu.sem_alloc : memref<!tpu.dma_semaphore, #tpu.memory_space<semaphore_mem>>
          %dma_start3A_193 = arith.constant 0 : i32
          %dma_start3A_194 = tpu.memref_slice %arg7[%run_scoped3A_191, %dma_start3A_193] : memref<2x128xi32, #tpu.memory_space<vmem>> -> memref<1x128xi32, #tpu.memory_space<vmem>>
          %dma_start3A_195 = tpu.memref_squeeze %dma_start3A_194 : memref<1x128xi32, #tpu.memory_space<vmem>> -> memref<128xi32, #tpu.memory_space<vmem>>
          %dma_start3A_196 = arith.constant 0 : i32
          %dma_start3A_197 = arith.constant 0 : i32
          %dma_start3A_198 = tpu.memref_slice %arg10[%dma_start3A_196, %dma_start3A_197] : memref<10112x128xf32, #tpu.memory_space<vmem_shared>> -> memref<10112x128xf32, #tpu.memory_space<vmem_shared>>
          tpu.enqueue_indirect_dma source(%arg9 : memref<128x128xf32, #tpu.memory_space<vmem>>) target(%dma_start3A_198 : memref<10112x128xf32, #tpu.memory_space<vmem_shared>>) offsets(%dma_start3A_195 : memref<128xi32, #tpu.memory_space<vmem>>) semaphore(%run_scoped3A_192 : memref<!tpu.dma_semaphore, #tpu.memory_space<semaphore_mem>>) {add = true}
          %dma_wait3A_199 = arith.constant 0 : i32
          %dma_wait3A_200 = tpu.memref_slice %arg7[%run_scoped3A_191, %dma_wait3A_199] : memref<2x128xi32, #tpu.memory_space<vmem>> -> memref<1x128xi32, #tpu.memory_space<vmem>>
          %dma_wait3A_201 = tpu.memref_squeeze %dma_wait3A_200 : memref<1x128xi32, #tpu.memory_space<vmem>> -> memref<128xi32, #tpu.memory_space<vmem>>
          %dma_wait3A_202 = arith.constant 0 : i32
          %dma_wait3A_203 = arith.constant 0 : i32
          %dma_wait3A_204 = tpu.memref_slice %arg10[%dma_wait3A_202, %dma_wait3A_203] : memref<10112x128xf32, #tpu.memory_space<vmem_shared>> -> memref<10112x128xf32, #tpu.memory_space<vmem_shared>>
          tpu.wait_indirect_dma semaphore(%run_scoped3A_192 : memref<!tpu.dma_semaphore, #tpu.memory_space<semaphore_mem>>) src(%arg9 : memref<128x128xf32, #tpu.memory_space<vmem>>) dst(%dma_wait3A_204 : memref<10112x128xf32, #tpu.memory_space<vmem_shared>>)
          tpu.yield
        }) : () -> ()
      }
      %scan3A_79 = arith.constant 64 : i32
    } else {
    }
    %ne3A = arith.constant 1 : i32
    %ne3A_26 = arith.cmpi ne, %arg0, %ne3A : i32
    %convert_element_type3A_27 = arith.extui %ne3A_26 : i1 to i32
    %cond3A_28 = arith.constant 0 : i32
    %cond3A_29 = arith.cmpi ne, %convert_element_type3A_27, %cond3A_28 : i32
    scf.if %cond3A_29 {
      %mul3A_40 = arith.constant 160 : i32
      %mul3A_41 = arith.muli %arg1, %mul3A_40 : i32
      %add3A_42 = arith.constant 128 : i32
      %add3A_43 = arith.addi %mul3A_41, %add3A_42 : i32
      "tpu.region"() ({
        %run_scoped3A = tpu.sem_alloc : memref<!tpu.dma_semaphore, #tpu.memory_space<semaphore_mem>>
        %dma_start3A_82 = arith.constant 0 : i32
        %dma_start3A_83 = arith.constant 0 : i32
        %dma_start3A_84 = tpu.memref_slice %arg6[%dma_start3A_82, %dma_start3A_83] : memref<128x128xi32, #tpu.memory_space<vmem>> -> memref<32x128xi32, #tpu.memory_space<vmem>>
        %dma_start3A_85 = arith.constant 0 : i32
        %dma_start3A_86 = tpu.memref_slice %arg3[%add3A_43, %dma_start3A_85] : memref<2560x128xi32, #tpu.memory_space<hbm>> -> memref<32x128xi32, #tpu.memory_space<hbm>>
        %dma_start3A_87 = arith.constant 0 : i32
        %dma_start3A_88 = arith.constant 0 : i32
        %dma_start3A_89 = tpu.memref_slice %arg6[%dma_start3A_87, %dma_start3A_88] : memref<128x128xi32, #tpu.memory_space<vmem>> -> memref<32x128xi32, #tpu.memory_space<vmem>>
        %dma_start3A_90 = arith.constant 0 : i32
        %dma_start3A_91 = tpu.memref_slice %arg3[%add3A_43, %dma_start3A_90] : memref<2560x128xi32, #tpu.memory_space<hbm>> -> memref<32x128xi32, #tpu.memory_space<hbm>>
        tpu.enqueue_dma source(%dma_start3A_91 : memref<32x128xi32, #tpu.memory_space<hbm>>) target(%dma_start3A_89 : memref<32x128xi32, #tpu.memory_space<vmem>>) target_semaphore(%run_scoped3A : memref<!tpu.dma_semaphore, #tpu.memory_space<semaphore_mem>>)
        %dma_wait3A = arith.constant 0 : i32
        %dma_wait3A_92 = arith.constant 0 : i32
        %dma_wait3A_93 = tpu.memref_slice %arg6[%dma_wait3A, %dma_wait3A_92] : memref<128x128xi32, #tpu.memory_space<vmem>> -> memref<32x128xi32, #tpu.memory_space<vmem>>
        %dma_wait3A_94 = arith.constant 0 : i32
        %dma_wait3A_95 = tpu.memref_slice %arg3[%add3A_43, %dma_wait3A_94] : memref<2560x128xi32, #tpu.memory_space<hbm>> -> memref<32x128xi32, #tpu.memory_space<hbm>>
        %dma_wait3A_96 = arith.constant 0 : i32
        %dma_wait3A_97 = arith.constant 0 : i32
        %dma_wait3A_98 = tpu.memref_slice %arg6[%dma_wait3A_96, %dma_wait3A_97] : memref<128x128xi32, #tpu.memory_space<vmem>> -> memref<32x128xi32, #tpu.memory_space<vmem>>
        %dma_wait3A_99 = arith.constant 0 : i32
        %dma_wait3A_100 = tpu.memref_slice %arg3[%add3A_43, %dma_wait3A_99] : memref<2560x128xi32, #tpu.memory_space<hbm>> -> memref<32x128xi32, #tpu.memory_space<hbm>>
        tpu.wait_dma2 semaphore(%run_scoped3A : memref<!tpu.dma_semaphore, #tpu.memory_space<semaphore_mem>>) src(%dma_wait3A_100 : memref<32x128xi32, #tpu.memory_space<hbm>>) dst(%dma_wait3A_98 : memref<32x128xi32, #tpu.memory_space<vmem>>)
        tpu.yield
      }) : () -> ()
      %dma_start3A = arith.constant 0 : i32
      %dma_start3A_44 = arith.constant 0 : i32
      %dma_start3A_45 = tpu.memref_slice %arg7[%dma_start3A, %dma_start3A_44] : memref<2x128xi32, #tpu.memory_space<vmem>> -> memref<1x128xi32, #tpu.memory_space<vmem>>
      %dma_start3A_46 = tpu.memref_squeeze %dma_start3A_45 : memref<1x128xi32, #tpu.memory_space<vmem>> -> memref<128xi32, #tpu.memory_space<vmem>>
      %dma_start3A_47 = arith.constant 0 : i32
      %dma_start3A_48 = tpu.memref_slice %arg4[%add3A_43, %dma_start3A_47] : memref<2560x128xi32, #tpu.memory_space<hbm>> -> memref<1x128xi32, #tpu.memory_space<hbm>>
      %dma_start3A_49 = tpu.memref_squeeze %dma_start3A_48 : memref<1x128xi32, #tpu.memory_space<hbm>> -> memref<128xi32, #tpu.memory_space<hbm>>
      %dma_start3A_50 = arith.constant 0 : i32
      %dma_start3A_51 = tpu.memref_slice %arg7[%dma_start3A, %dma_start3A_50] : memref<2x128xi32, #tpu.memory_space<vmem>> -> memref<1x128xi32, #tpu.memory_space<vmem>>
      %dma_start3A_52 = tpu.memref_squeeze %dma_start3A_51 : memref<1x128xi32, #tpu.memory_space<vmem>> -> memref<128xi32, #tpu.memory_space<vmem>>
      %dma_start3A_53 = arith.constant 0 : i32
      %dma_start3A_54 = tpu.memref_slice %arg4[%add3A_43, %dma_start3A_53] : memref<2560x128xi32, #tpu.memory_space<hbm>> -> memref<1x128xi32, #tpu.memory_space<hbm>>
      %dma_start3A_55 = tpu.memref_squeeze %dma_start3A_54 : memref<1x128xi32, #tpu.memory_space<hbm>> -> memref<128xi32, #tpu.memory_space<hbm>>
      tpu.enqueue_dma source(%dma_start3A_55 : memref<128xi32, #tpu.memory_space<hbm>>) target(%dma_start3A_52 : memref<128xi32, #tpu.memory_space<vmem>>) target_semaphore(%arg13 : memref<!tpu.dma_semaphore, #tpu.memory_space<semaphore_mem>>)
      %dma_start3A_56 = arith.constant 0 : i32
      %dma_start3A_57 = arith.constant 0 : i32
      %dma_start3A_58 = arith.constant 0 : i32
      %dma_start3A_59 = tpu.memref_slice %arg8[%dma_start3A_57, %dma_start3A_58] : memref<128x128xf32, #tpu.memory_space<vmem>> -> memref<64x128xf32, #tpu.memory_space<vmem>>
      %dma_start3A_60 = arith.constant 0 : i32
      %dma_start3A_61 = tpu.memref_slice %arg6[%dma_start3A_56, %dma_start3A_60] : memref<128x128xi32, #tpu.memory_space<vmem>> -> memref<1x64xi32, #tpu.memory_space<vmem>>
      %dma_start3A_62 = tpu.memref_squeeze %dma_start3A_61 : memref<1x64xi32, #tpu.memory_space<vmem>> -> memref<64xi32, #tpu.memory_space<vmem>>
      %dma_start3A_63 = arith.constant 0 : i32
      %dma_start3A_64 = arith.constant 0 : i32
      %dma_start3A_65 = tpu.memref_slice %arg2[%dma_start3A_63, %dma_start3A_64] : memref<10000x128xf32, #tpu.memory_space<hbm>> -> memref<10000x128xf32, #tpu.memory_space<hbm>>
      tpu.enqueue_indirect_dma source(%dma_start3A_65 : memref<10000x128xf32, #tpu.memory_space<hbm>>) target(%dma_start3A_59 : memref<64x128xf32, #tpu.memory_space<vmem>>) offsets(%dma_start3A_62 : memref<64xi32, #tpu.memory_space<vmem>>) semaphore(%arg11 : memref<!tpu.dma_semaphore, #tpu.memory_space<semaphore_mem>>)
      %dma_start3A_66 = arith.constant 0 : i32
      %dma_start3A_67 = arith.constant 64 : i32
      %dma_start3A_68 = arith.constant 0 : i32
      %dma_start3A_69 = tpu.memref_slice %arg8[%dma_start3A_67, %dma_start3A_68] : memref<128x128xf32, #tpu.memory_space<vmem>> -> memref<64x128xf32, #tpu.memory_space<vmem>>
      %dma_start3A_70 = arith.constant 64 : i32
      %dma_start3A_71 = tpu.memref_slice %arg6[%dma_start3A_66, %dma_start3A_70] : memref<128x128xi32, #tpu.memory_space<vmem>> -> memref<1x64xi32, #tpu.memory_space<vmem>>
      %dma_start3A_72 = tpu.memref_squeeze %dma_start3A_71 : memref<1x64xi32, #tpu.memory_space<vmem>> -> memref<64xi32, #tpu.memory_space<vmem>>
      %dma_start3A_73 = arith.constant 0 : i32
      %dma_start3A_74 = arith.constant 0 : i32
      %dma_start3A_75 = tpu.memref_slice %arg2[%dma_start3A_73, %dma_start3A_74] : memref<10000x128xf32, #tpu.memory_space<hbm>> -> memref<10000x128xf32, #tpu.memory_space<hbm>>
      tpu.enqueue_indirect_dma source(%dma_start3A_75 : memref<10000x128xf32, #tpu.memory_space<hbm>>) target(%dma_start3A_69 : memref<64x128xf32, #tpu.memory_space<vmem>>) offsets(%dma_start3A_72 : memref<64xi32, #tpu.memory_space<vmem>>) semaphore(%arg11 : memref<!tpu.dma_semaphore, #tpu.memory_space<semaphore_mem>>)
      %scan3A_76 = arith.constant 0 : i32
      %scan3A_77 = arith.constant 0 : i32
      %scan3A_78 = arith.constant 16 : i32
      %scan3A_79 = arith.addi %scan3A_77, %scan3A_78 : i32
      %scan3A_80 = arith.constant 1 : i32
      scf.for %scan3A_82 = %scan3A_77 to %scan3A_79 step %scan3A_80  : i32 {
        %mul3A_83 = arith.constant 2 : i32
        %mul3A_84 = arith.muli %mul3A_83, %scan3A_82 : i32
        %add3A_85 = arith.addi %add3A_43, %mul3A_84 : i32
        %add3A_86 = arith.constant 1 : i32
        %add3A_87 = arith.addi %add3A_85, %add3A_86 : i32
        %dma_start3A_88 = arith.constant 1 : i32
        %dma_start3A_89 = arith.constant 0 : i32
        %dma_start3A_90 = tpu.memref_slice %arg7[%dma_start3A_88, %dma_start3A_89] : memref<2x128xi32, #tpu.memory_space<vmem>> -> memref<1x128xi32, #tpu.memory_space<vmem>>
        %dma_start3A_91 = tpu.memref_squeeze %dma_start3A_90 : memref<1x128xi32, #tpu.memory_space<vmem>> -> memref<128xi32, #tpu.memory_space<vmem>>
        %dma_start3A_92 = arith.constant 0 : i32
        %dma_start3A_93 = tpu.memref_slice %arg4[%add3A_87, %dma_start3A_92] : memref<2560x128xi32, #tpu.memory_space<hbm>> -> memref<1x128xi32, #tpu.memory_space<hbm>>
        %dma_start3A_94 = tpu.memref_squeeze %dma_start3A_93 : memref<1x128xi32, #tpu.memory_space<hbm>> -> memref<128xi32, #tpu.memory_space<hbm>>
        %dma_start3A_95 = arith.constant 0 : i32
        %dma_start3A_96 = tpu.memref_slice %arg7[%dma_start3A_88, %dma_start3A_95] : memref<2x128xi32, #tpu.memory_space<vmem>> -> memref<1x128xi32, #tpu.memory_space<vmem>>
        %dma_start3A_97 = tpu.memref_squeeze %dma_start3A_96 : memref<1x128xi32, #tpu.memory_space<vmem>> -> memref<128xi32, #tpu.memory_space<vmem>>
        %dma_start3A_98 = arith.constant 0 : i32
        %dma_start3A_99 = tpu.memref_slice %arg4[%add3A_87, %dma_start3A_98] : memref<2560x128xi32, #tpu.memory_space<hbm>> -> memref<1x128xi32, #tpu.memory_space<hbm>>
        %dma_start3A_100 = tpu.memref_squeeze %dma_start3A_99 : memref<1x128xi32, #tpu.memory_space<hbm>> -> memref<128xi32, #tpu.memory_space<hbm>>
        tpu.enqueue_dma source(%dma_start3A_100 : memref<128xi32, #tpu.memory_space<hbm>>) target(%dma_start3A_97 : memref<128xi32, #tpu.memory_space<vmem>>) target_semaphore(%arg14 : memref<!tpu.dma_semaphore, #tpu.memory_space<semaphore_mem>>)
        %add3A_101 = arith.constant 1 : i32
        %add3A_102 = arith.addi %mul3A_84, %add3A_101 : i32
        %dma_start3A_103 = arith.constant 0 : i32
        %dma_start3A_104 = arith.constant 0 : i32
        %dma_start3A_105 = tpu.memref_slice %arg9[%dma_start3A_103, %dma_start3A_104] : memref<128x128xf32, #tpu.memory_space<vmem>> -> memref<64x128xf32, #tpu.memory_space<vmem>>
        %dma_start3A_106 = arith.constant 0 : i32
        %dma_start3A_107 = tpu.memref_slice %arg6[%add3A_102, %dma_start3A_106] : memref<128x128xi32, #tpu.memory_space<vmem>> -> memref<1x64xi32, #tpu.memory_space<vmem>>
        %dma_start3A_108 = tpu.memref_squeeze %dma_start3A_107 : memref<1x64xi32, #tpu.memory_space<vmem>> -> memref<64xi32, #tpu.memory_space<vmem>>
        %dma_start3A_109 = arith.constant 0 : i32
        %dma_start3A_110 = arith.constant 0 : i32
        %dma_start3A_111 = tpu.memref_slice %arg2[%dma_start3A_109, %dma_start3A_110] : memref<10000x128xf32, #tpu.memory_space<hbm>> -> memref<10000x128xf32, #tpu.memory_space<hbm>>
        tpu.enqueue_indirect_dma source(%dma_start3A_111 : memref<10000x128xf32, #tpu.memory_space<hbm>>) target(%dma_start3A_105 : memref<64x128xf32, #tpu.memory_space<vmem>>) offsets(%dma_start3A_108 : memref<64xi32, #tpu.memory_space<vmem>>) semaphore(%arg12 : memref<!tpu.dma_semaphore, #tpu.memory_space<semaphore_mem>>)
        %dma_start3A_112 = arith.constant 64 : i32
        %dma_start3A_113 = arith.constant 0 : i32
        %dma_start3A_114 = tpu.memref_slice %arg9[%dma_start3A_112, %dma_start3A_113] : memref<128x128xf32, #tpu.memory_space<vmem>> -> memref<64x128xf32, #tpu.memory_space<vmem>>
        %dma_start3A_115 = arith.constant 64 : i32
        %dma_start3A_116 = tpu.memref_slice %arg6[%add3A_102, %dma_start3A_115] : memref<128x128xi32, #tpu.memory_space<vmem>> -> memref<1x64xi32, #tpu.memory_space<vmem>>
        %dma_start3A_117 = tpu.memref_squeeze %dma_start3A_116 : memref<1x64xi32, #tpu.memory_space<vmem>> -> memref<64xi32, #tpu.memory_space<vmem>>
        %dma_start3A_118 = arith.constant 0 : i32
        %dma_start3A_119 = arith.constant 0 : i32
        %dma_start3A_120 = tpu.memref_slice %arg2[%dma_start3A_118, %dma_start3A_119] : memref<10000x128xf32, #tpu.memory_space<hbm>> -> memref<10000x128xf32, #tpu.memory_space<hbm>>
        tpu.enqueue_indirect_dma source(%dma_start3A_120 : memref<10000x128xf32, #tpu.memory_space<hbm>>) target(%dma_start3A_114 : memref<64x128xf32, #tpu.memory_space<vmem>>) offsets(%dma_start3A_117 : memref<64xi32, #tpu.memory_space<vmem>>) semaphore(%arg12 : memref<!tpu.dma_semaphore, #tpu.memory_space<semaphore_mem>>)
        %add3A_121 = arith.addi %add3A_43, %mul3A_84 : i32
        %dma_wait3A = arith.constant 0 : i32
        %dma_wait3A_122 = arith.constant 0 : i32
        %dma_wait3A_123 = tpu.memref_slice %arg7[%dma_wait3A, %dma_wait3A_122] : memref<2x128xi32, #tpu.memory_space<vmem>> -> memref<1x128xi32, #tpu.memory_space<vmem>>
        %dma_wait3A_124 = tpu.memref_squeeze %dma_wait3A_123 : memref<1x128xi32, #tpu.memory_space<vmem>> -> memref<128xi32, #tpu.memory_space<vmem>>
        %dma_wait3A_125 = arith.constant 0 : i32
        %dma_wait3A_126 = tpu.memref_slice %arg4[%add3A_121, %dma_wait3A_125] : memref<2560x128xi32, #tpu.memory_space<hbm>> -> memref<1x128xi32, #tpu.memory_space<hbm>>
        %dma_wait3A_127 = tpu.memref_squeeze %dma_wait3A_126 : memref<1x128xi32, #tpu.memory_space<hbm>> -> memref<128xi32, #tpu.memory_space<hbm>>
        %dma_wait3A_128 = arith.constant 0 : i32
        %dma_wait3A_129 = tpu.memref_slice %arg7[%dma_wait3A, %dma_wait3A_128] : memref<2x128xi32, #tpu.memory_space<vmem>> -> memref<1x128xi32, #tpu.memory_space<vmem>>
        %dma_wait3A_130 = tpu.memref_squeeze %dma_wait3A_129 : memref<1x128xi32, #tpu.memory_space<vmem>> -> memref<128xi32, #tpu.memory_space<vmem>>
        %dma_wait3A_131 = arith.constant 0 : i32
        %dma_wait3A_132 = tpu.memref_slice %arg4[%add3A_121, %dma_wait3A_131] : memref<2560x128xi32, #tpu.memory_space<hbm>> -> memref<1x128xi32, #tpu.memory_space<hbm>>
        %dma_wait3A_133 = tpu.memref_squeeze %dma_wait3A_132 : memref<1x128xi32, #tpu.memory_space<hbm>> -> memref<128xi32, #tpu.memory_space<hbm>>
        tpu.wait_dma2 semaphore(%arg13 : memref<!tpu.dma_semaphore, #tpu.memory_space<semaphore_mem>>) src(%dma_wait3A_133 : memref<128xi32, #tpu.memory_space<hbm>>) dst(%dma_wait3A_130 : memref<128xi32, #tpu.memory_space<vmem>>)
        %dma_wait3A_134 = arith.constant 0 : i32
        %dma_wait3A_135 = arith.constant 0 : i32
        %dma_wait3A_136 = tpu.memref_slice %arg8[%dma_wait3A_134, %dma_wait3A_135] : memref<128x128xf32, #tpu.memory_space<vmem>> -> memref<64x128xf32, #tpu.memory_space<vmem>>
        %dma_wait3A_137 = arith.constant 0 : i32
        %dma_wait3A_138 = tpu.memref_slice %arg6[%mul3A_84, %dma_wait3A_137] : memref<128x128xi32, #tpu.memory_space<vmem>> -> memref<1x64xi32, #tpu.memory_space<vmem>>
        %dma_wait3A_139 = tpu.memref_squeeze %dma_wait3A_138 : memref<1x64xi32, #tpu.memory_space<vmem>> -> memref<64xi32, #tpu.memory_space<vmem>>
        %dma_wait3A_140 = arith.constant 0 : i32
        %dma_wait3A_141 = arith.constant 0 : i32
        %dma_wait3A_142 = tpu.memref_slice %arg2[%dma_wait3A_140, %dma_wait3A_141] : memref<10000x128xf32, #tpu.memory_space<hbm>> -> memref<10000x128xf32, #tpu.memory_space<hbm>>
        tpu.wait_indirect_dma semaphore(%arg11 : memref<!tpu.dma_semaphore, #tpu.memory_space<semaphore_mem>>) src(%dma_wait3A_142 : memref<10000x128xf32, #tpu.memory_space<hbm>>) dst(%dma_wait3A_136 : memref<64x128xf32, #tpu.memory_space<vmem>>)
        %dma_wait3A_143 = arith.constant 64 : i32
        %dma_wait3A_144 = arith.constant 0 : i32
        %dma_wait3A_145 = tpu.memref_slice %arg8[%dma_wait3A_143, %dma_wait3A_144] : memref<128x128xf32, #tpu.memory_space<vmem>> -> memref<64x128xf32, #tpu.memory_space<vmem>>
        %dma_wait3A_146 = arith.constant 64 : i32
        %dma_wait3A_147 = tpu.memref_slice %arg6[%mul3A_84, %dma_wait3A_146] : memref<128x128xi32, #tpu.memory_space<vmem>> -> memref<1x64xi32, #tpu.memory_space<vmem>>
        %dma_wait3A_148 = tpu.memref_squeeze %dma_wait3A_147 : memref<1x64xi32, #tpu.memory_space<vmem>> -> memref<64xi32, #tpu.memory_space<vmem>>
        %dma_wait3A_149 = arith.constant 0 : i32
        %dma_wait3A_150 = arith.constant 0 : i32
        %dma_wait3A_151 = tpu.memref_slice %arg2[%dma_wait3A_149, %dma_wait3A_150] : memref<10000x128xf32, #tpu.memory_space<hbm>> -> memref<10000x128xf32, #tpu.memory_space<hbm>>
        tpu.wait_indirect_dma semaphore(%arg11 : memref<!tpu.dma_semaphore, #tpu.memory_space<semaphore_mem>>) src(%dma_wait3A_151 : memref<10000x128xf32, #tpu.memory_space<hbm>>) dst(%dma_wait3A_145 : memref<64x128xf32, #tpu.memory_space<vmem>>)
        %run_scoped3A = arith.constant 0 : i32
        "tpu.region"() ({
          %run_scoped3A_194 = tpu.sem_alloc : memref<!tpu.dma_semaphore, #tpu.memory_space<semaphore_mem>>
          %dma_start3A_195 = arith.constant 0 : i32
          %dma_start3A_196 = tpu.memref_slice %arg7[%run_scoped3A, %dma_start3A_195] : memref<2x128xi32, #tpu.memory_space<vmem>> -> memref<1x128xi32, #tpu.memory_space<vmem>>
          %dma_start3A_197 = tpu.memref_squeeze %dma_start3A_196 : memref<1x128xi32, #tpu.memory_space<vmem>> -> memref<128xi32, #tpu.memory_space<vmem>>
          %dma_start3A_198 = arith.constant 0 : i32
          %dma_start3A_199 = arith.constant 0 : i32
          %dma_start3A_200 = tpu.memref_slice %arg10[%dma_start3A_198, %dma_start3A_199] : memref<10112x128xf32, #tpu.memory_space<vmem_shared>> -> memref<10112x128xf32, #tpu.memory_space<vmem_shared>>
          tpu.enqueue_indirect_dma source(%arg8 : memref<128x128xf32, #tpu.memory_space<vmem>>) target(%dma_start3A_200 : memref<10112x128xf32, #tpu.memory_space<vmem_shared>>) offsets(%dma_start3A_197 : memref<128xi32, #tpu.memory_space<vmem>>) semaphore(%run_scoped3A_194 : memref<!tpu.dma_semaphore, #tpu.memory_space<semaphore_mem>>) {add = true}
          %dma_wait3A_201 = arith.constant 0 : i32
          %dma_wait3A_202 = tpu.memref_slice %arg7[%run_scoped3A, %dma_wait3A_201] : memref<2x128xi32, #tpu.memory_space<vmem>> -> memref<1x128xi32, #tpu.memory_space<vmem>>
          %dma_wait3A_203 = tpu.memref_squeeze %dma_wait3A_202 : memref<1x128xi32, #tpu.memory_space<vmem>> -> memref<128xi32, #tpu.memory_space<vmem>>
          %dma_wait3A_204 = arith.constant 0 : i32
          %dma_wait3A_205 = arith.constant 0 : i32
          %dma_wait3A_206 = tpu.memref_slice %arg10[%dma_wait3A_204, %dma_wait3A_205] : memref<10112x128xf32, #tpu.memory_space<vmem_shared>> -> memref<10112x128xf32, #tpu.memory_space<vmem_shared>>
          tpu.wait_indirect_dma semaphore(%run_scoped3A_194 : memref<!tpu.dma_semaphore, #tpu.memory_space<semaphore_mem>>) src(%arg8 : memref<128x128xf32, #tpu.memory_space<vmem>>) dst(%dma_wait3A_206 : memref<10112x128xf32, #tpu.memory_space<vmem_shared>>)
          tpu.yield
        }) : () -> ()
        %lt3A_152 = arith.constant 15 : i32
        %lt3A_153 = arith.cmpi slt, %scan3A_82, %lt3A_152 : i32
        %convert_element_type3A_154 = arith.extui %lt3A_153 : i1 to i32
        %cond3A_155 = arith.constant 0 : i32
        %cond3A_156 = arith.cmpi ne, %convert_element_type3A_154, %cond3A_155 : i32
        scf.if %cond3A_156 {
          %add3A_194 = arith.addi %add3A_43, %mul3A_84 : i32
          %add3A_195 = arith.constant 2 : i32
          %add3A_196 = arith.addi %add3A_194, %add3A_195 : i32
          %dma_start3A_197 = arith.constant 0 : i32
          %dma_start3A_198 = arith.constant 0 : i32
          %dma_start3A_199 = tpu.memref_slice %arg7[%dma_start3A_197, %dma_start3A_198] : memref<2x128xi32, #tpu.memory_space<vmem>> -> memref<1x128xi32, #tpu.memory_space<vmem>>
          %dma_start3A_200 = tpu.memref_squeeze %dma_start3A_199 : memref<1x128xi32, #tpu.memory_space<vmem>> -> memref<128xi32, #tpu.memory_space<vmem>>
          %dma_start3A_201 = arith.constant 0 : i32
          %dma_start3A_202 = tpu.memref_slice %arg4[%add3A_196, %dma_start3A_201] : memref<2560x128xi32, #tpu.memory_space<hbm>> -> memref<1x128xi32, #tpu.memory_space<hbm>>
          %dma_start3A_203 = tpu.memref_squeeze %dma_start3A_202 : memref<1x128xi32, #tpu.memory_space<hbm>> -> memref<128xi32, #tpu.memory_space<hbm>>
          %dma_start3A_204 = arith.constant 0 : i32
          %dma_start3A_205 = tpu.memref_slice %arg7[%dma_start3A_197, %dma_start3A_204] : memref<2x128xi32, #tpu.memory_space<vmem>> -> memref<1x128xi32, #tpu.memory_space<vmem>>
          %dma_start3A_206 = tpu.memref_squeeze %dma_start3A_205 : memref<1x128xi32, #tpu.memory_space<vmem>> -> memref<128xi32, #tpu.memory_space<vmem>>
          %dma_start3A_207 = arith.constant 0 : i32
          %dma_start3A_208 = tpu.memref_slice %arg4[%add3A_196, %dma_start3A_207] : memref<2560x128xi32, #tpu.memory_space<hbm>> -> memref<1x128xi32, #tpu.memory_space<hbm>>
          %dma_start3A_209 = tpu.memref_squeeze %dma_start3A_208 : memref<1x128xi32, #tpu.memory_space<hbm>> -> memref<128xi32, #tpu.memory_space<hbm>>
          tpu.enqueue_dma source(%dma_start3A_209 : memref<128xi32, #tpu.memory_space<hbm>>) target(%dma_start3A_206 : memref<128xi32, #tpu.memory_space<vmem>>) target_semaphore(%arg13 : memref<!tpu.dma_semaphore, #tpu.memory_space<semaphore_mem>>)
          %add3A_210 = arith.constant 2 : i32
          %add3A_211 = arith.addi %mul3A_84, %add3A_210 : i32
          %dma_start3A_212 = arith.constant 0 : i32
          %dma_start3A_213 = arith.constant 0 : i32
          %dma_start3A_214 = tpu.memref_slice %arg8[%dma_start3A_212, %dma_start3A_213] : memref<128x128xf32, #tpu.memory_space<vmem>> -> memref<64x128xf32, #tpu.memory_space<vmem>>
          %dma_start3A_215 = arith.constant 0 : i32
          %dma_start3A_216 = tpu.memref_slice %arg6[%add3A_211, %dma_start3A_215] : memref<128x128xi32, #tpu.memory_space<vmem>> -> memref<1x64xi32, #tpu.memory_space<vmem>>
          %dma_start3A_217 = tpu.memref_squeeze %dma_start3A_216 : memref<1x64xi32, #tpu.memory_space<vmem>> -> memref<64xi32, #tpu.memory_space<vmem>>
          %dma_start3A_218 = arith.constant 0 : i32
          %dma_start3A_219 = arith.constant 0 : i32
          %dma_start3A_220 = tpu.memref_slice %arg2[%dma_start3A_218, %dma_start3A_219] : memref<10000x128xf32, #tpu.memory_space<hbm>> -> memref<10000x128xf32, #tpu.memory_space<hbm>>
          tpu.enqueue_indirect_dma source(%dma_start3A_220 : memref<10000x128xf32, #tpu.memory_space<hbm>>) target(%dma_start3A_214 : memref<64x128xf32, #tpu.memory_space<vmem>>) offsets(%dma_start3A_217 : memref<64xi32, #tpu.memory_space<vmem>>) semaphore(%arg11 : memref<!tpu.dma_semaphore, #tpu.memory_space<semaphore_mem>>)
          %dma_start3A_221 = arith.constant 64 : i32
          %dma_start3A_222 = arith.constant 0 : i32
          %dma_start3A_223 = tpu.memref_slice %arg8[%dma_start3A_221, %dma_start3A_222] : memref<128x128xf32, #tpu.memory_space<vmem>> -> memref<64x128xf32, #tpu.memory_space<vmem>>
          %dma_start3A_224 = arith.constant 64 : i32
          %dma_start3A_225 = tpu.memref_slice %arg6[%add3A_211, %dma_start3A_224] : memref<128x128xi32, #tpu.memory_space<vmem>> -> memref<1x64xi32, #tpu.memory_space<vmem>>
          %dma_start3A_226 = tpu.memref_squeeze %dma_start3A_225 : memref<1x64xi32, #tpu.memory_space<vmem>> -> memref<64xi32, #tpu.memory_space<vmem>>
          %dma_start3A_227 = arith.constant 0 : i32
          %dma_start3A_228 = arith.constant 0 : i32
          %dma_start3A_229 = tpu.memref_slice %arg2[%dma_start3A_227, %dma_start3A_228] : memref<10000x128xf32, #tpu.memory_space<hbm>> -> memref<10000x128xf32, #tpu.memory_space<hbm>>
          tpu.enqueue_indirect_dma source(%dma_start3A_229 : memref<10000x128xf32, #tpu.memory_space<hbm>>) target(%dma_start3A_223 : memref<64x128xf32, #tpu.memory_space<vmem>>) offsets(%dma_start3A_226 : memref<64xi32, #tpu.memory_space<vmem>>) semaphore(%arg11 : memref<!tpu.dma_semaphore, #tpu.memory_space<semaphore_mem>>)
        } else {
        }
        %add3A_157 = arith.addi %add3A_43, %mul3A_84 : i32
        %add3A_158 = arith.constant 1 : i32
        %add3A_159 = arith.addi %add3A_157, %add3A_158 : i32
        %dma_wait3A_160 = arith.constant 1 : i32
        %dma_wait3A_161 = arith.constant 0 : i32
        %dma_wait3A_162 = tpu.memref_slice %arg7[%dma_wait3A_160, %dma_wait3A_161] : memref<2x128xi32, #tpu.memory_space<vmem>> -> memref<1x128xi32, #tpu.memory_space<vmem>>
        %dma_wait3A_163 = tpu.memref_squeeze %dma_wait3A_162 : memref<1x128xi32, #tpu.memory_space<vmem>> -> memref<128xi32, #tpu.memory_space<vmem>>
        %dma_wait3A_164 = arith.constant 0 : i32
        %dma_wait3A_165 = tpu.memref_slice %arg4[%add3A_159, %dma_wait3A_164] : memref<2560x128xi32, #tpu.memory_space<hbm>> -> memref<1x128xi32, #tpu.memory_space<hbm>>
        %dma_wait3A_166 = tpu.memref_squeeze %dma_wait3A_165 : memref<1x128xi32, #tpu.memory_space<hbm>> -> memref<128xi32, #tpu.memory_space<hbm>>
        %dma_wait3A_167 = arith.constant 0 : i32
        %dma_wait3A_168 = tpu.memref_slice %arg7[%dma_wait3A_160, %dma_wait3A_167] : memref<2x128xi32, #tpu.memory_space<vmem>> -> memref<1x128xi32, #tpu.memory_space<vmem>>
        %dma_wait3A_169 = tpu.memref_squeeze %dma_wait3A_168 : memref<1x128xi32, #tpu.memory_space<vmem>> -> memref<128xi32, #tpu.memory_space<vmem>>
        %dma_wait3A_170 = arith.constant 0 : i32
        %dma_wait3A_171 = tpu.memref_slice %arg4[%add3A_159, %dma_wait3A_170] : memref<2560x128xi32, #tpu.memory_space<hbm>> -> memref<1x128xi32, #tpu.memory_space<hbm>>
        %dma_wait3A_172 = tpu.memref_squeeze %dma_wait3A_171 : memref<1x128xi32, #tpu.memory_space<hbm>> -> memref<128xi32, #tpu.memory_space<hbm>>
        tpu.wait_dma2 semaphore(%arg14 : memref<!tpu.dma_semaphore, #tpu.memory_space<semaphore_mem>>) src(%dma_wait3A_172 : memref<128xi32, #tpu.memory_space<hbm>>) dst(%dma_wait3A_169 : memref<128xi32, #tpu.memory_space<vmem>>)
        %add3A_173 = arith.constant 1 : i32
        %add3A_174 = arith.addi %mul3A_84, %add3A_173 : i32
        %dma_wait3A_175 = arith.constant 0 : i32
        %dma_wait3A_176 = arith.constant 0 : i32
        %dma_wait3A_177 = tpu.memref_slice %arg9[%dma_wait3A_175, %dma_wait3A_176] : memref<128x128xf32, #tpu.memory_space<vmem>> -> memref<64x128xf32, #tpu.memory_space<vmem>>
        %dma_wait3A_178 = arith.constant 0 : i32
        %dma_wait3A_179 = tpu.memref_slice %arg6[%add3A_174, %dma_wait3A_178] : memref<128x128xi32, #tpu.memory_space<vmem>> -> memref<1x64xi32, #tpu.memory_space<vmem>>
        %dma_wait3A_180 = tpu.memref_squeeze %dma_wait3A_179 : memref<1x64xi32, #tpu.memory_space<vmem>> -> memref<64xi32, #tpu.memory_space<vmem>>
        %dma_wait3A_181 = arith.constant 0 : i32
        %dma_wait3A_182 = arith.constant 0 : i32
        %dma_wait3A_183 = tpu.memref_slice %arg2[%dma_wait3A_181, %dma_wait3A_182] : memref<10000x128xf32, #tpu.memory_space<hbm>> -> memref<10000x128xf32, #tpu.memory_space<hbm>>
        tpu.wait_indirect_dma semaphore(%arg12 : memref<!tpu.dma_semaphore, #tpu.memory_space<semaphore_mem>>) src(%dma_wait3A_183 : memref<10000x128xf32, #tpu.memory_space<hbm>>) dst(%dma_wait3A_177 : memref<64x128xf32, #tpu.memory_space<vmem>>)
        %dma_wait3A_184 = arith.constant 64 : i32
        %dma_wait3A_185 = arith.constant 0 : i32
        %dma_wait3A_186 = tpu.memref_slice %arg9[%dma_wait3A_184, %dma_wait3A_185] : memref<128x128xf32, #tpu.memory_space<vmem>> -> memref<64x128xf32, #tpu.memory_space<vmem>>
        %dma_wait3A_187 = arith.constant 64 : i32
        %dma_wait3A_188 = tpu.memref_slice %arg6[%add3A_174, %dma_wait3A_187] : memref<128x128xi32, #tpu.memory_space<vmem>> -> memref<1x64xi32, #tpu.memory_space<vmem>>
        %dma_wait3A_189 = tpu.memref_squeeze %dma_wait3A_188 : memref<1x64xi32, #tpu.memory_space<vmem>> -> memref<64xi32, #tpu.memory_space<vmem>>
        %dma_wait3A_190 = arith.constant 0 : i32
        %dma_wait3A_191 = arith.constant 0 : i32
        %dma_wait3A_192 = tpu.memref_slice %arg2[%dma_wait3A_190, %dma_wait3A_191] : memref<10000x128xf32, #tpu.memory_space<hbm>> -> memref<10000x128xf32, #tpu.memory_space<hbm>>
        tpu.wait_indirect_dma semaphore(%arg12 : memref<!tpu.dma_semaphore, #tpu.memory_space<semaphore_mem>>) src(%dma_wait3A_192 : memref<10000x128xf32, #tpu.memory_space<hbm>>) dst(%dma_wait3A_186 : memref<64x128xf32, #tpu.memory_space<vmem>>)
        %run_scoped3A_193 = arith.constant 1 : i32
        "tpu.region"() ({
          %run_scoped3A_194 = tpu.sem_alloc : memref<!tpu.dma_semaphore, #tpu.memory_space<semaphore_mem>>
          %dma_start3A_195 = arith.constant 0 : i32
          %dma_start3A_196 = tpu.memref_slice %arg7[%run_scoped3A_193, %dma_start3A_195] : memref<2x128xi32, #tpu.memory_space<vmem>> -> memref<1x128xi32, #tpu.memory_space<vmem>>
          %dma_start3A_197 = tpu.memref_squeeze %dma_start3A_196 : memref<1x128xi32, #tpu.memory_space<vmem>> -> memref<128xi32, #tpu.memory_space<vmem>>
          %dma_start3A_198 = arith.constant 0 : i32
          %dma_start3A_199 = arith.constant 0 : i32
          %dma_start3A_200 = tpu.memref_slice %arg10[%dma_start3A_198, %dma_start3A_199] : memref<10112x128xf32, #tpu.memory_space<vmem_shared>> -> memref<10112x128xf32, #tpu.memory_space<vmem_shared>>
          tpu.enqueue_indirect_dma source(%arg9 : memref<128x128xf32, #tpu.memory_space<vmem>>) target(%dma_start3A_200 : memref<10112x128xf32, #tpu.memory_space<vmem_shared>>) offsets(%dma_start3A_197 : memref<128xi32, #tpu.memory_space<vmem>>) semaphore(%run_scoped3A_194 : memref<!tpu.dma_semaphore, #tpu.memory_space<semaphore_mem>>) {add = true}
          %dma_wait3A_201 = arith.constant 0 : i32
          %dma_wait3A_202 = tpu.memref_slice %arg7[%run_scoped3A_193, %dma_wait3A_201] : memref<2x128xi32, #tpu.memory_space<vmem>> -> memref<1x128xi32, #tpu.memory_space<vmem>>
          %dma_wait3A_203 = tpu.memref_squeeze %dma_wait3A_202 : memref<1x128xi32, #tpu.memory_space<vmem>> -> memref<128xi32, #tpu.memory_space<vmem>>
          %dma_wait3A_204 = arith.constant 0 : i32
          %dma_wait3A_205 = arith.constant 0 : i32
          %dma_wait3A_206 = tpu.memref_slice %arg10[%dma_wait3A_204, %dma_wait3A_205] : memref<10112x128xf32, #tpu.memory_space<vmem_shared>> -> memref<10112x128xf32, #tpu.memory_space<vmem_shared>>
          tpu.wait_indirect_dma semaphore(%run_scoped3A_194 : memref<!tpu.dma_semaphore, #tpu.memory_space<semaphore_mem>>) src(%arg9 : memref<128x128xf32, #tpu.memory_space<vmem>>) dst(%dma_wait3A_206 : memref<10112x128xf32, #tpu.memory_space<vmem_shared>>)
          tpu.yield
        }) : () -> ()
      }
      %scan3A_81 = arith.constant 16 : i32
    } else {
    }
    %barrier3A_30 = arith.constant 0 : index
    tpu.barrier barrier_id(%barrier3A_30)
    %lt3A = arith.constant 15 : i32
    %lt3A_31 = arith.cmpi slt, %arg1, %lt3A : i32
    %convert_element_type3A_32 = arith.extui %lt3A_31 : i1 to i32
    %cond3A_33 = arith.constant 0 : i32
    %cond3A_34 = arith.cmpi ne, %convert_element_type3A_32, %cond3A_33 : i32
    scf.if %cond3A_34 {
      %mul3A_40 = arith.constant 632 : i32
      %mul3A_41 = arith.muli %arg1, %mul3A_40 : i32
      %mul3A_42 = arith.constant 632 : i32
      %mul3A_43 = arith.muli %arg1, %mul3A_42 : i32
      "tpu.region"() ({
        %run_scoped3A = tpu.sem_alloc : memref<!tpu.dma_semaphore, #tpu.memory_space<semaphore_mem>>
        %dma_start3A = arith.constant 0 : i32
        %dma_start3A_44 = tpu.memref_slice %arg5[%arg0, %mul3A_43, %dma_start3A] : memref<2x10000x128xf32, #tpu.memory_space<hbm>> -> memref<1x632x128xf32, #tpu.memory_space<hbm>>
        %dma_start3A_45 = tpu.memref_squeeze %dma_start3A_44 : memref<1x632x128xf32, #tpu.memory_space<hbm>> -> memref<632x128xf32, #tpu.memory_space<hbm>>
        %dma_start3A_46 = arith.constant 0 : i32
        %dma_start3A_47 = tpu.memref_slice %arg10[%mul3A_41, %dma_start3A_46] : memref<10112x128xf32, #tpu.memory_space<vmem_shared>> -> memref<632x128xf32, #tpu.memory_space<vmem_shared>>
        tpu.enqueue_dma source(%dma_start3A_47 : memref<632x128xf32, #tpu.memory_space<vmem_shared>>) target(%dma_start3A_45 : memref<632x128xf32, #tpu.memory_space<hbm>>) target_semaphore(%run_scoped3A : memref<!tpu.dma_semaphore, #tpu.memory_space<semaphore_mem>>)
        %dma_wait3A = arith.constant 0 : i32
        %dma_wait3A_48 = tpu.memref_slice %arg5[%arg0, %mul3A_43, %dma_wait3A] : memref<2x10000x128xf32, #tpu.memory_space<hbm>> -> memref<1x632x128xf32, #tpu.memory_space<hbm>>
        %dma_wait3A_49 = tpu.memref_squeeze %dma_wait3A_48 : memref<1x632x128xf32, #tpu.memory_space<hbm>> -> memref<632x128xf32, #tpu.memory_space<hbm>>
        %dma_wait3A_50 = arith.constant 0 : i32
        %dma_wait3A_51 = tpu.memref_slice %arg10[%mul3A_41, %dma_wait3A_50] : memref<10112x128xf32, #tpu.memory_space<vmem_shared>> -> memref<632x128xf32, #tpu.memory_space<vmem_shared>>
        tpu.wait_dma2 semaphore(%run_scoped3A : memref<!tpu.dma_semaphore, #tpu.memory_space<semaphore_mem>>) src(%dma_wait3A_51 : memref<632x128xf32, #tpu.memory_space<vmem_shared>>) dst(%dma_wait3A_49 : memref<632x128xf32, #tpu.memory_space<hbm>>)
        tpu.yield
      }) : () -> ()
    } else {
    }
    %eq3A_35 = arith.constant 15 : i32
    %eq3A_36 = arith.cmpi eq, %arg1, %eq3A_35 : i32
    %convert_element_type3A_37 = arith.extui %eq3A_36 : i1 to i32
    %cond3A_38 = arith.constant 0 : i32
    %cond3A_39 = arith.cmpi ne, %convert_element_type3A_37, %cond3A_38 : i32
    scf.if %cond3A_39 {
      %mul3A_40 = arith.constant 632 : i32
      %mul3A_41 = arith.muli %arg1, %mul3A_40 : i32
      %mul3A_42 = arith.constant 632 : i32
      %mul3A_43 = arith.muli %arg1, %mul3A_42 : i32
      "tpu.region"() ({
        %run_scoped3A = tpu.sem_alloc : memref<!tpu.dma_semaphore, #tpu.memory_space<semaphore_mem>>
        %dma_start3A = arith.constant 0 : i32
        %dma_start3A_44 = tpu.memref_slice %arg5[%arg0, %mul3A_43, %dma_start3A] : memref<2x10000x128xf32, #tpu.memory_space<hbm>> -> memref<1x520x128xf32, #tpu.memory_space<hbm>>
        %dma_start3A_45 = tpu.memref_squeeze %dma_start3A_44 : memref<1x520x128xf32, #tpu.memory_space<hbm>> -> memref<520x128xf32, #tpu.memory_space<hbm>>
        %dma_start3A_46 = arith.constant 0 : i32
        %dma_start3A_47 = tpu.memref_slice %arg10[%mul3A_41, %dma_start3A_46] : memref<10112x128xf32, #tpu.memory_space<vmem_shared>> -> memref<520x128xf32, #tpu.memory_space<vmem_shared>>
        tpu.enqueue_dma source(%dma_start3A_47 : memref<520x128xf32, #tpu.memory_space<vmem_shared>>) target(%dma_start3A_45 : memref<520x128xf32, #tpu.memory_space<hbm>>) target_semaphore(%run_scoped3A : memref<!tpu.dma_semaphore, #tpu.memory_space<semaphore_mem>>)
        %dma_wait3A = arith.constant 0 : i32
        %dma_wait3A_48 = tpu.memref_slice %arg5[%arg0, %mul3A_43, %dma_wait3A] : memref<2x10000x128xf32, #tpu.memory_space<hbm>> -> memref<1x520x128xf32, #tpu.memory_space<hbm>>
        %dma_wait3A_49 = tpu.memref_squeeze %dma_wait3A_48 : memref<1x520x128xf32, #tpu.memory_space<hbm>> -> memref<520x128xf32, #tpu.memory_space<hbm>>
        %dma_wait3A_50 = arith.constant 0 : i32
        %dma_wait3A_51 = tpu.memref_slice %arg10[%mul3A_41, %dma_wait3A_50] : memref<10112x128xf32, #tpu.memory_space<vmem_shared>> -> memref<520x128xf32, #tpu.memory_space<vmem_shared>>
        tpu.wait_dma2 semaphore(%run_scoped3A : memref<!tpu.dma_semaphore, #tpu.memory_space<semaphore_mem>>) src(%dma_wait3A_51 : memref<520x128xf32, #tpu.memory_space<vmem_shared>>) dst(%dma_wait3A_49 : memref<520x128xf32, #tpu.memory_space<hbm>>)
        tpu.yield
      }) : () -> ()
    } else {
    }
    return
  }
}

#map = affine_map<(d0, d1) -> (0, 0)>
#map1 = affine_map<(d0, d1) -> (0, 0, 0)>
module attributes {stable_mosaic.version = 14 : i64} {
  func.func @_sc_agg_body(%arg0: i32, %arg1: i32, %arg2: memref<10000x128xf32, #tpu.memory_space<hbm>>, %arg3: memref<2560x128xi32, #tpu.memory_space<hbm>>, %arg4: memref<2560x128xi32, #tpu.memory_space<hbm>>, %arg5: memref<2x10000x128xf32, #tpu.memory_space<hbm>>, %arg6: memref<128x128xi32, #tpu.memory_space<vmem>>, %arg7: memref<2x128xi32, #tpu.memory_space<vmem>>, %arg8: memref<128x128xf32, #tpu.memory_space<vmem>>, %arg9: memref<128x128xf32, #tpu.memory_space<vmem>>, %arg10: memref<10112x128xf32, #tpu.memory_space<vmem_shared>>, %arg11: memref<!tpu.dma_semaphore, #tpu.memory_space<semaphore_mem>>, %arg12: memref<!tpu.dma_semaphore, #tpu.memory_space<semaphore_mem>>, %arg13: memref<!tpu.dma_semaphore, #tpu.memory_space<semaphore_mem>>, %arg14: memref<!tpu.dma_semaphore, #tpu.memory_space<semaphore_mem>>) attributes {dimension_semantics = [#tpu.dimension_semantics<core_parallel>, #tpu.dimension_semantics<subcore_parallel>], iteration_bounds = array<i64: 2, 16>, scalar_prefetch = 0 : i64, scratch_operands = 9 : i64, tpu.core_type = #tpu.core_type<sc_vector_subcore>, window_params = [{transform_indices = #map}, {transform_indices = #map}, {transform_indices = #map}, {transform_indices = #map1}]} {
    %broadcast_in_dim3A = arith.constant 0.000000e+00 : f32
    %broadcast_in_dim3A_0 = vector.broadcast %broadcast_in_dim3A : f32 to vector<16xf32>
    %scan3A = arith.constant 0 : i32
    %scan3A_1 = arith.constant 0 : i32
    %scan3A_2 = arith.constant 1024 : i32
    %scan3A_3 = arith.addi %scan3A_1, %scan3A_2 : i32
    %scan3A_4 = arith.constant 1 : i32
    scf.for %scan3A_40 = %scan3A_1 to %scan3A_3 step %scan3A_4  : i32 {
      %jit3A = arith.constant 8 : i32
      %div3A = arith.divsi %scan3A_40, %jit3A : i32
      %sign3A = arith.constant 0 : i32
      %sign3A_41 = arith.cmpi sgt, %scan3A_40, %sign3A : i32
      %sign3A_42 = arith.extui %sign3A_41 : i1 to i32
      %sign3A_43 = arith.constant 0 : i32
      %sign3A_44 = arith.cmpi slt, %scan3A_40, %sign3A_43 : i32
      %sign3A_45 = arith.extui %sign3A_44 : i1 to i32
      %sign3A_46 = arith.subi %sign3A_42, %sign3A_45 : i32
      %sign3A_47 = arith.constant 0 : i32
      %sign3A_48 = arith.cmpi sgt, %jit3A, %sign3A_47 : i32
      %sign3A_49 = arith.extui %sign3A_48 : i1 to i32
      %sign3A_50 = arith.constant 0 : i32
      %sign3A_51 = arith.cmpi slt, %jit3A, %sign3A_50 : i32
      %sign3A_52 = arith.extui %sign3A_51 : i1 to i32
      %sign3A_53 = arith.subi %sign3A_49, %sign3A_52 : i32
      %ne3A_54 = arith.cmpi ne, %sign3A_46, %sign3A_53 : i32
      %rem3A = arith.remsi %scan3A_40, %jit3A : i32
      %ne3A_55 = arith.constant 0 : i32
      %ne3A_56 = arith.cmpi ne, %rem3A, %ne3A_55 : i32
      %and3A = arith.andi %ne3A_54, %ne3A_56 : i1
      %sub3A = arith.constant 1 : i32
      %sub3A_57 = arith.subi %div3A, %sub3A : i32
      %select_n3A = arith.select %and3A, %sub3A_57, %div3A : i32
      %rem3A_58 = arith.constant 8 : i32
      %rem3A_59 = arith.remsi %scan3A_40, %rem3A_58 : i32
      %mul3A_60 = arith.constant 16 : i32
      %mul3A_61 = arith.muli %rem3A_59, %mul3A_60 : i32
      %swap3A = arith.index_cast %select_n3A : i32 to index
      %swap3A_62 = arith.index_cast %mul3A_61 : i32 to index
      %swap3A_63 = tpu.vector_load %arg8[%swap3A, %swap3A_62] {strides = array<i32>} : memref<128x128xf32, #tpu.memory_space<vmem>>, vector<1x16xf32>,
      %swap3A_64 = vector.shape_cast %swap3A_63 : vector<1x16xf32> to vector<16xf32>
      %swap3A_65 = vector.shape_cast %broadcast_in_dim3A_0 : vector<16xf32> to vector<1x16xf32>
      tpu.vector_store %arg8[%swap3A, %swap3A_62], %swap3A_65 {strides = array<i32>} : memref<128x128xf32, #tpu.memory_space<vmem>>, vector<1x16xf32>,
    }
    %scan3A_5 = arith.constant 1024 : i32
    %mul3A = arith.constant 632 : i32
    %mul3A_6 = arith.muli %arg1, %mul3A : i32
    %add3A = arith.constant 0 : i32
    %add3A_7 = arith.addi %mul3A_6, %add3A : i32
    "tpu.region"() ({
      %run_scoped3A = tpu.sem_alloc : memref<!tpu.dma_semaphore, #tpu.memory_space<semaphore_mem>>
      %dma_start3A = arith.constant 0 : i32
      %dma_start3A_40 = tpu.memref_slice %arg10[%add3A_7, %dma_start3A] : memref<10112x128xf32, #tpu.memory_space<vmem_shared>> -> memref<128x128xf32, #tpu.memory_space<vmem_shared>>
      %dma_start3A_41 = arith.constant 0 : i32
      %dma_start3A_42 = tpu.memref_slice %arg10[%add3A_7, %dma_start3A_41] : memref<10112x128xf32, #tpu.memory_space<vmem_shared>> -> memref<128x128xf32, #tpu.memory_space<vmem_shared>>
      tpu.enqueue_dma source(%arg8 : memref<128x128xf32, #tpu.memory_space<vmem>>) target(%dma_start3A_42 : memref<128x128xf32, #tpu.memory_space<vmem_shared>>) target_semaphore(%run_scoped3A : memref<!tpu.dma_semaphore, #tpu.memory_space<semaphore_mem>>)
      %dma_wait3A = arith.constant 0 : i32
      %dma_wait3A_43 = tpu.memref_slice %arg10[%add3A_7, %dma_wait3A] : memref<10112x128xf32, #tpu.memory_space<vmem_shared>> -> memref<128x128xf32, #tpu.memory_space<vmem_shared>>
      %dma_wait3A_44 = arith.constant 0 : i32
      %dma_wait3A_45 = tpu.memref_slice %arg10[%add3A_7, %dma_wait3A_44] : memref<10112x128xf32, #tpu.memory_space<vmem_shared>> -> memref<128x128xf32, #tpu.memory_space<vmem_shared>>
      tpu.wait_dma2 semaphore(%run_scoped3A : memref<!tpu.dma_semaphore, #tpu.memory_space<semaphore_mem>>) src(%arg8 : memref<128x128xf32, #tpu.memory_space<vmem>>) dst(%dma_wait3A_45 : memref<128x128xf32, #tpu.memory_space<vmem_shared>>)
      tpu.yield
    }) : () -> ()
    %mul3A_8 = arith.constant 632 : i32
    %mul3A_9 = arith.muli %arg1, %mul3A_8 : i32
    %add3A_10 = arith.constant 128 : i32
    %add3A_11 = arith.addi %mul3A_9, %add3A_10 : i32
    "tpu.region"() ({
      %run_scoped3A = tpu.sem_alloc : memref<!tpu.dma_semaphore, #tpu.memory_space<semaphore_mem>>
      %dma_start3A = arith.constant 0 : i32
      %dma_start3A_40 = tpu.memref_slice %arg10[%add3A_11, %dma_start3A] : memref<10112x128xf32, #tpu.memory_space<vmem_shared>> -> memref<128x128xf32, #tpu.memory_space<vmem_shared>>
      %dma_start3A_41 = arith.constant 0 : i32
      %dma_start3A_42 = tpu.memref_slice %arg10[%add3A_11, %dma_start3A_41] : memref<10112x128xf32, #tpu.memory_space<vmem_shared>> -> memref<128x128xf32, #tpu.memory_space<vmem_shared>>
      tpu.enqueue_dma source(%arg8 : memref<128x128xf32, #tpu.memory_space<vmem>>) target(%dma_start3A_42 : memref<128x128xf32, #tpu.memory_space<vmem_shared>>) target_semaphore(%run_scoped3A : memref<!tpu.dma_semaphore, #tpu.memory_space<semaphore_mem>>)
      %dma_wait3A = arith.constant 0 : i32
      %dma_wait3A_43 = tpu.memref_slice %arg10[%add3A_11, %dma_wait3A] : memref<10112x128xf32, #tpu.memory_space<vmem_shared>> -> memref<128x128xf32, #tpu.memory_space<vmem_shared>>
      %dma_wait3A_44 = arith.constant 0 : i32
      %dma_wait3A_45 = tpu.memref_slice %arg10[%add3A_11, %dma_wait3A_44] : memref<10112x128xf32, #tpu.memory_space<vmem_shared>> -> memref<128x128xf32, #tpu.memory_space<vmem_shared>>
      tpu.wait_dma2 semaphore(%run_scoped3A : memref<!tpu.dma_semaphore, #tpu.memory_space<semaphore_mem>>) src(%arg8 : memref<128x128xf32, #tpu.memory_space<vmem>>) dst(%dma_wait3A_45 : memref<128x128xf32, #tpu.memory_space<vmem_shared>>)
      tpu.yield
    }) : () -> ()
    %mul3A_12 = arith.constant 632 : i32
    %mul3A_13 = arith.muli %arg1, %mul3A_12 : i32
    %add3A_14 = arith.constant 256 : i32
    %add3A_15 = arith.addi %mul3A_13, %add3A_14 : i32
    "tpu.region"() ({
      %run_scoped3A = tpu.sem_alloc : memref<!tpu.dma_semaphore, #tpu.memory_space<semaphore_mem>>
      %dma_start3A = arith.constant 0 : i32
      %dma_start3A_40 = tpu.memref_slice %arg10[%add3A_15, %dma_start3A] : memref<10112x128xf32, #tpu.memory_space<vmem_shared>> -> memref<128x128xf32, #tpu.memory_space<vmem_shared>>
      %dma_start3A_41 = arith.constant 0 : i32
      %dma_start3A_42 = tpu.memref_slice %arg10[%add3A_15, %dma_start3A_41] : memref<10112x128xf32, #tpu.memory_space<vmem_shared>> -> memref<128x128xf32, #tpu.memory_space<vmem_shared>>
      tpu.enqueue_dma source(%arg8 : memref<128x128xf32, #tpu.memory_space<vmem>>) target(%dma_start3A_42 : memref<128x128xf32, #tpu.memory_space<vmem_shared>>) target_semaphore(%run_scoped3A : memref<!tpu.dma_semaphore, #tpu.memory_space<semaphore_mem>>)
      %dma_wait3A = arith.constant 0 : i32
      %dma_wait3A_43 = tpu.memref_slice %arg10[%add3A_15, %dma_wait3A] : memref<10112x128xf32, #tpu.memory_space<vmem_shared>> -> memref<128x128xf32, #tpu.memory_space<vmem_shared>>
      %dma_wait3A_44 = arith.constant 0 : i32
      %dma_wait3A_45 = tpu.memref_slice %arg10[%add3A_15, %dma_wait3A_44] : memref<10112x128xf32, #tpu.memory_space<vmem_shared>> -> memref<128x128xf32, #tpu.memory_space<vmem_shared>>
      tpu.wait_dma2 semaphore(%run_scoped3A : memref<!tpu.dma_semaphore, #tpu.memory_space<semaphore_mem>>) src(%arg8 : memref<128x128xf32, #tpu.memory_space<vmem>>) dst(%dma_wait3A_45 : memref<128x128xf32, #tpu.memory_space<vmem_shared>>)
      tpu.yield
    }) : () -> ()
    %mul3A_16 = arith.constant 632 : i32
    %mul3A_17 = arith.muli %arg1, %mul3A_16 : i32
    %add3A_18 = arith.constant 384 : i32
    %add3A_19 = arith.addi %mul3A_17, %add3A_18 : i32
    "tpu.region"() ({
      %run_scoped3A = tpu.sem_alloc : memref<!tpu.dma_semaphore, #tpu.memory_space<semaphore_mem>>
      %dma_start3A = arith.constant 0 : i32
      %dma_start3A_40 = tpu.memref_slice %arg10[%add3A_19, %dma_start3A] : memref<10112x128xf32, #tpu.memory_space<vmem_shared>> -> memref<128x128xf32, #tpu.memory_space<vmem_shared>>
      %dma_start3A_41 = arith.constant 0 : i32
      %dma_start3A_42 = tpu.memref_slice %arg10[%add3A_19, %dma_start3A_41] : memref<10112x128xf32, #tpu.memory_space<vmem_shared>> -> memref<128x128xf32, #tpu.memory_space<vmem_shared>>
      tpu.enqueue_dma source(%arg8 : memref<128x128xf32, #tpu.memory_space<vmem>>) target(%dma_start3A_42 : memref<128x128xf32, #tpu.memory_space<vmem_shared>>) target_semaphore(%run_scoped3A : memref<!tpu.dma_semaphore, #tpu.memory_space<semaphore_mem>>)
      %dma_wait3A = arith.constant 0 : i32
      %dma_wait3A_43 = tpu.memref_slice %arg10[%add3A_19, %dma_wait3A] : memref<10112x128xf32, #tpu.memory_space<vmem_shared>> -> memref<128x128xf32, #tpu.memory_space<vmem_shared>>
      %dma_wait3A_44 = arith.constant 0 : i32
      %dma_wait3A_45 = tpu.memref_slice %arg10[%add3A_19, %dma_wait3A_44] : memref<10112x128xf32, #tpu.memory_space<vmem_shared>> -> memref<128x128xf32, #tpu.memory_space<vmem_shared>>
      tpu.wait_dma2 semaphore(%run_scoped3A : memref<!tpu.dma_semaphore, #tpu.memory_space<semaphore_mem>>) src(%arg8 : memref<128x128xf32, #tpu.memory_space<vmem>>) dst(%dma_wait3A_45 : memref<128x128xf32, #tpu.memory_space<vmem_shared>>)
      tpu.yield
    }) : () -> ()
    %mul3A_20 = arith.constant 632 : i32
    %mul3A_21 = arith.muli %arg1, %mul3A_20 : i32
    %add3A_22 = arith.constant 512 : i32
    %add3A_23 = arith.addi %mul3A_21, %add3A_22 : i32
    "tpu.region"() ({
      %run_scoped3A = tpu.sem_alloc : memref<!tpu.dma_semaphore, #tpu.memory_space<semaphore_mem>>
      %dma_start3A = arith.constant 0 : i32
      %dma_start3A_40 = arith.constant 0 : i32
      %dma_start3A_41 = tpu.memref_slice %arg8[%dma_start3A, %dma_start3A_40] : memref<128x128xf32, #tpu.memory_space<vmem>> -> memref<120x128xf32, #tpu.memory_space<vmem>>
      %dma_start3A_42 = arith.constant 0 : i32
      %dma_start3A_43 = tpu.memref_slice %arg10[%add3A_23, %dma_start3A_42] : memref<10112x128xf32, #tpu.memory_space<vmem_shared>> -> memref<120x128xf32, #tpu.memory_space<vmem_shared>>
      %dma_start3A_44 = arith.constant 0 : i32
      %dma_start3A_45 = tpu.memref_slice %arg10[%add3A_23, %dma_start3A_44] : memref<10112x128xf32, #tpu.memory_space<vmem_shared>> -> memref<120x128xf32, #tpu.memory_space<vmem_shared>>
      %dma_start3A_46 = arith.constant 0 : i32
      %dma_start3A_47 = arith.constant 0 : i32
      %dma_start3A_48 = tpu.memref_slice %arg8[%dma_start3A_46, %dma_start3A_47] : memref<128x128xf32, #tpu.memory_space<vmem>> -> memref<120x128xf32, #tpu.memory_space<vmem>>
      tpu.enqueue_dma source(%dma_start3A_48 : memref<120x128xf32, #tpu.memory_space<vmem>>) target(%dma_start3A_45 : memref<120x128xf32, #tpu.memory_space<vmem_shared>>) target_semaphore(%run_scoped3A : memref<!tpu.dma_semaphore, #tpu.memory_space<semaphore_mem>>)
      %dma_wait3A = arith.constant 0 : i32
      %dma_wait3A_49 = arith.constant 0 : i32
      %dma_wait3A_50 = tpu.memref_slice %arg8[%dma_wait3A, %dma_wait3A_49] : memref<128x128xf32, #tpu.memory_space<vmem>> -> memref<120x128xf32, #tpu.memory_space<vmem>>
      %dma_wait3A_51 = arith.constant 0 : i32
      %dma_wait3A_52 = tpu.memref_slice %arg10[%add3A_23, %dma_wait3A_51] : memref<10112x128xf32, #tpu.memory_space<vmem_shared>> -> memref<120x128xf32, #tpu.memory_space<vmem_shared>>
      %dma_wait3A_53 = arith.constant 0 : i32
      %dma_wait3A_54 = tpu.memref_slice %arg10[%add3A_23, %dma_wait3A_53] : memref<10112x128xf32, #tpu.memory_space<vmem_shared>> -> memref<120x128xf32, #tpu.memory_space<vmem_shared>>
      %dma_wait3A_55 = arith.constant 0 : i32
      %dma_wait3A_56 = arith.constant 0 : i32
      %dma_wait3A_57 = tpu.memref_slice %arg8[%dma_wait3A_55, %dma_wait3A_56] : memref<128x128xf32, #tpu.memory_space<vmem>> -> memref<120x128xf32, #tpu.memory_space<vmem>>
      tpu.wait_dma2 semaphore(%run_scoped3A : memref<!tpu.dma_semaphore, #tpu.memory_space<semaphore_mem>>) src(%dma_wait3A_57 : memref<120x128xf32, #tpu.memory_space<vmem>>) dst(%dma_wait3A_54 : memref<120x128xf32, #tpu.memory_space<vmem_shared>>)
      tpu.yield
    }) : () -> ()
    %barrier3A = arith.constant 0 : index
    tpu.barrier barrier_id(%barrier3A)
    %eq3A = arith.constant 1 : i32
    %eq3A_24 = arith.cmpi eq, %arg0, %eq3A : i32
    %convert_element_type3A = arith.extui %eq3A_24 : i1 to i32
    %cond3A = arith.constant 0 : i32
    %cond3A_25 = arith.cmpi ne, %convert_element_type3A, %cond3A : i32
    scf.if %cond3A_25 {
      %mul3A_40 = arith.constant 160 : i32
      %mul3A_41 = arith.muli %arg1, %mul3A_40 : i32
      "tpu.region"() ({
        %run_scoped3A = tpu.sem_alloc : memref<!tpu.dma_semaphore, #tpu.memory_space<semaphore_mem>>
        %dma_start3A_80 = arith.constant 0 : i32
        %dma_start3A_81 = arith.constant 0 : i32
        %dma_start3A_82 = tpu.memref_slice %arg6[%dma_start3A_80, %dma_start3A_81] : memref<128x128xi32, #tpu.memory_space<vmem>> -> memref<128x128xi32, #tpu.memory_space<vmem>>
        %dma_start3A_83 = arith.constant 0 : i32
        %dma_start3A_84 = tpu.memref_slice %arg3[%mul3A_41, %dma_start3A_83] : memref<2560x128xi32, #tpu.memory_space<hbm>> -> memref<128x128xi32, #tpu.memory_space<hbm>>
        %dma_start3A_85 = arith.constant 0 : i32
        %dma_start3A_86 = arith.constant 0 : i32
        %dma_start3A_87 = tpu.memref_slice %arg6[%dma_start3A_85, %dma_start3A_86] : memref<128x128xi32, #tpu.memory_space<vmem>> -> memref<128x128xi32, #tpu.memory_space<vmem>>
        %dma_start3A_88 = arith.constant 0 : i32
        %dma_start3A_89 = tpu.memref_slice %arg3[%mul3A_41, %dma_start3A_88] : memref<2560x128xi32, #tpu.memory_space<hbm>> -> memref<128x128xi32, #tpu.memory_space<hbm>>
        tpu.enqueue_dma source(%dma_start3A_89 : memref<128x128xi32, #tpu.memory_space<hbm>>) target(%dma_start3A_87 : memref<128x128xi32, #tpu.memory_space<vmem>>) target_semaphore(%run_scoped3A : memref<!tpu.dma_semaphore, #tpu.memory_space<semaphore_mem>>)
        %dma_wait3A = arith.constant 0 : i32
        %dma_wait3A_90 = arith.constant 0 : i32
        %dma_wait3A_91 = tpu.memref_slice %arg6[%dma_wait3A, %dma_wait3A_90] : memref<128x128xi32, #tpu.memory_space<vmem>> -> memref<128x128xi32, #tpu.memory_space<vmem>>
        %dma_wait3A_92 = arith.constant 0 : i32
        %dma_wait3A_93 = tpu.memref_slice %arg3[%mul3A_41, %dma_wait3A_92] : memref<2560x128xi32, #tpu.memory_space<hbm>> -> memref<128x128xi32, #tpu.memory_space<hbm>>
        %dma_wait3A_94 = arith.constant 0 : i32
        %dma_wait3A_95 = arith.constant 0 : i32
        %dma_wait3A_96 = tpu.memref_slice %arg6[%dma_wait3A_94, %dma_wait3A_95] : memref<128x128xi32, #tpu.memory_space<vmem>> -> memref<128x128xi32, #tpu.memory_space<vmem>>
        %dma_wait3A_97 = arith.constant 0 : i32
        %dma_wait3A_98 = tpu.memref_slice %arg3[%mul3A_41, %dma_wait3A_97] : memref<2560x128xi32, #tpu.memory_space<hbm>> -> memref<128x128xi32, #tpu.memory_space<hbm>>
        tpu.wait_dma2 semaphore(%run_scoped3A : memref<!tpu.dma_semaphore, #tpu.memory_space<semaphore_mem>>) src(%dma_wait3A_98 : memref<128x128xi32, #tpu.memory_space<hbm>>) dst(%dma_wait3A_96 : memref<128x128xi32, #tpu.memory_space<vmem>>)
        tpu.yield
      }) : () -> ()
      %dma_start3A = arith.constant 0 : i32
      %dma_start3A_42 = arith.constant 0 : i32
      %dma_start3A_43 = tpu.memref_slice %arg7[%dma_start3A, %dma_start3A_42] : memref<2x128xi32, #tpu.memory_space<vmem>> -> memref<1x128xi32, #tpu.memory_space<vmem>>
      %dma_start3A_44 = tpu.memref_squeeze %dma_start3A_43 : memref<1x128xi32, #tpu.memory_space<vmem>> -> memref<128xi32, #tpu.memory_space<vmem>>
      %dma_start3A_45 = arith.constant 0 : i32
      %dma_start3A_46 = tpu.memref_slice %arg4[%mul3A_41, %dma_start3A_45] : memref<2560x128xi32, #tpu.memory_space<hbm>> -> memref<1x128xi32, #tpu.memory_space<hbm>>
      %dma_start3A_47 = tpu.memref_squeeze %dma_start3A_46 : memref<1x128xi32, #tpu.memory_space<hbm>> -> memref<128xi32, #tpu.memory_space<hbm>>
      %dma_start3A_48 = arith.constant 0 : i32
      %dma_start3A_49 = tpu.memref_slice %arg7[%dma_start3A, %dma_start3A_48] : memref<2x128xi32, #tpu.memory_space<vmem>> -> memref<1x128xi32, #tpu.memory_space<vmem>>
      %dma_start3A_50 = tpu.memref_squeeze %dma_start3A_49 : memref<1x128xi32, #tpu.memory_space<vmem>> -> memref<128xi32, #tpu.memory_space<vmem>>
      %dma_start3A_51 = arith.constant 0 : i32
      %dma_start3A_52 = tpu.memref_slice %arg4[%mul3A_41, %dma_start3A_51] : memref<2560x128xi32, #tpu.memory_space<hbm>> -> memref<1x128xi32, #tpu.memory_space<hbm>>
      %dma_start3A_53 = tpu.memref_squeeze %dma_start3A_52 : memref<1x128xi32, #tpu.memory_space<hbm>> -> memref<128xi32, #tpu.memory_space<hbm>>
      tpu.enqueue_dma source(%dma_start3A_53 : memref<128xi32, #tpu.memory_space<hbm>>) target(%dma_start3A_50 : memref<128xi32, #tpu.memory_space<vmem>>) target_semaphore(%arg13 : memref<!tpu.dma_semaphore, #tpu.memory_space<semaphore_mem>>)
      %dma_start3A_54 = arith.constant 0 : i32
      %dma_start3A_55 = arith.constant 0 : i32
      %dma_start3A_56 = arith.constant 0 : i32
      %dma_start3A_57 = tpu.memref_slice %arg8[%dma_start3A_55, %dma_start3A_56] : memref<128x128xf32, #tpu.memory_space<vmem>> -> memref<64x128xf32, #tpu.memory_space<vmem>>
      %dma_start3A_58 = arith.constant 0 : i32
      %dma_start3A_59 = tpu.memref_slice %arg6[%dma_start3A_54, %dma_start3A_58] : memref<128x128xi32, #tpu.memory_space<vmem>> -> memref<1x64xi32, #tpu.memory_space<vmem>>
      %dma_start3A_60 = tpu.memref_squeeze %dma_start3A_59 : memref<1x64xi32, #tpu.memory_space<vmem>> -> memref<64xi32, #tpu.memory_space<vmem>>
      %dma_start3A_61 = arith.constant 0 : i32
      %dma_start3A_62 = arith.constant 0 : i32
      %dma_start3A_63 = tpu.memref_slice %arg2[%dma_start3A_61, %dma_start3A_62] : memref<10000x128xf32, #tpu.memory_space<hbm>> -> memref<10000x128xf32, #tpu.memory_space<hbm>>
      tpu.enqueue_indirect_dma source(%dma_start3A_63 : memref<10000x128xf32, #tpu.memory_space<hbm>>) target(%dma_start3A_57 : memref<64x128xf32, #tpu.memory_space<vmem>>) offsets(%dma_start3A_60 : memref<64xi32, #tpu.memory_space<vmem>>) semaphore(%arg11 : memref<!tpu.dma_semaphore, #tpu.memory_space<semaphore_mem>>)
      %dma_start3A_64 = arith.constant 0 : i32
      %dma_start3A_65 = arith.constant 64 : i32
      %dma_start3A_66 = arith.constant 0 : i32
      %dma_start3A_67 = tpu.memref_slice %arg8[%dma_start3A_65, %dma_start3A_66] : memref<128x128xf32, #tpu.memory_space<vmem>> -> memref<64x128xf32, #tpu.memory_space<vmem>>
      %dma_start3A_68 = arith.constant 64 : i32
      %dma_start3A_69 = tpu.memref_slice %arg6[%dma_start3A_64, %dma_start3A_68] : memref<128x128xi32, #tpu.memory_space<vmem>> -> memref<1x64xi32, #tpu.memory_space<vmem>>
      %dma_start3A_70 = tpu.memref_squeeze %dma_start3A_69 : memref<1x64xi32, #tpu.memory_space<vmem>> -> memref<64xi32, #tpu.memory_space<vmem>>
      %dma_start3A_71 = arith.constant 0 : i32
      %dma_start3A_72 = arith.constant 0 : i32
      %dma_start3A_73 = tpu.memref_slice %arg2[%dma_start3A_71, %dma_start3A_72] : memref<10000x128xf32, #tpu.memory_space<hbm>> -> memref<10000x128xf32, #tpu.memory_space<hbm>>
      tpu.enqueue_indirect_dma source(%dma_start3A_73 : memref<10000x128xf32, #tpu.memory_space<hbm>>) target(%dma_start3A_67 : memref<64x128xf32, #tpu.memory_space<vmem>>) offsets(%dma_start3A_70 : memref<64xi32, #tpu.memory_space<vmem>>) semaphore(%arg11 : memref<!tpu.dma_semaphore, #tpu.memory_space<semaphore_mem>>)
      %scan3A_74 = arith.constant 0 : i32
      %scan3A_75 = arith.constant 0 : i32
      %scan3A_76 = arith.constant 64 : i32
      %scan3A_77 = arith.addi %scan3A_75, %scan3A_76 : i32
      %scan3A_78 = arith.constant 1 : i32
      scf.for %scan3A_80 = %scan3A_75 to %scan3A_77 step %scan3A_78  : i32 {
        %mul3A_81 = arith.constant 2 : i32
        %mul3A_82 = arith.muli %mul3A_81, %scan3A_80 : i32
        %add3A_83 = arith.addi %mul3A_41, %mul3A_82 : i32
        %add3A_84 = arith.constant 1 : i32
        %add3A_85 = arith.addi %add3A_83, %add3A_84 : i32
        %dma_start3A_86 = arith.constant 1 : i32
        %dma_start3A_87 = arith.constant 0 : i32
        %dma_start3A_88 = tpu.memref_slice %arg7[%dma_start3A_86, %dma_start3A_87] : memref<2x128xi32, #tpu.memory_space<vmem>> -> memref<1x128xi32, #tpu.memory_space<vmem>>
        %dma_start3A_89 = tpu.memref_squeeze %dma_start3A_88 : memref<1x128xi32, #tpu.memory_space<vmem>> -> memref<128xi32, #tpu.memory_space<vmem>>
        %dma_start3A_90 = arith.constant 0 : i32
        %dma_start3A_91 = tpu.memref_slice %arg4[%add3A_85, %dma_start3A_90] : memref<2560x128xi32, #tpu.memory_space<hbm>> -> memref<1x128xi32, #tpu.memory_space<hbm>>
        %dma_start3A_92 = tpu.memref_squeeze %dma_start3A_91 : memref<1x128xi32, #tpu.memory_space<hbm>> -> memref<128xi32, #tpu.memory_space<hbm>>
        %dma_start3A_93 = arith.constant 0 : i32
        %dma_start3A_94 = tpu.memref_slice %arg7[%dma_start3A_86, %dma_start3A_93] : memref<2x128xi32, #tpu.memory_space<vmem>> -> memref<1x128xi32, #tpu.memory_space<vmem>>
        %dma_start3A_95 = tpu.memref_squeeze %dma_start3A_94 : memref<1x128xi32, #tpu.memory_space<vmem>> -> memref<128xi32, #tpu.memory_space<vmem>>
        %dma_start3A_96 = arith.constant 0 : i32
        %dma_start3A_97 = tpu.memref_slice %arg4[%add3A_85, %dma_start3A_96] : memref<2560x128xi32, #tpu.memory_space<hbm>> -> memref<1x128xi32, #tpu.memory_space<hbm>>
        %dma_start3A_98 = tpu.memref_squeeze %dma_start3A_97 : memref<1x128xi32, #tpu.memory_space<hbm>> -> memref<128xi32, #tpu.memory_space<hbm>>
        tpu.enqueue_dma source(%dma_start3A_98 : memref<128xi32, #tpu.memory_space<hbm>>) target(%dma_start3A_95 : memref<128xi32, #tpu.memory_space<vmem>>) target_semaphore(%arg14 : memref<!tpu.dma_semaphore, #tpu.memory_space<semaphore_mem>>)
        %add3A_99 = arith.constant 1 : i32
        %add3A_100 = arith.addi %mul3A_82, %add3A_99 : i32
        %dma_start3A_101 = arith.constant 0 : i32
        %dma_start3A_102 = arith.constant 0 : i32
        %dma_start3A_103 = tpu.memref_slice %arg9[%dma_start3A_101, %dma_start3A_102] : memref<128x128xf32, #tpu.memory_space<vmem>> -> memref<64x128xf32, #tpu.memory_space<vmem>>
        %dma_start3A_104 = arith.constant 0 : i32
        %dma_start3A_105 = tpu.memref_slice %arg6[%add3A_100, %dma_start3A_104] : memref<128x128xi32, #tpu.memory_space<vmem>> -> memref<1x64xi32, #tpu.memory_space<vmem>>
        %dma_start3A_106 = tpu.memref_squeeze %dma_start3A_105 : memref<1x64xi32, #tpu.memory_space<vmem>> -> memref<64xi32, #tpu.memory_space<vmem>>
        %dma_start3A_107 = arith.constant 0 : i32
        %dma_start3A_108 = arith.constant 0 : i32
        %dma_start3A_109 = tpu.memref_slice %arg2[%dma_start3A_107, %dma_start3A_108] : memref<10000x128xf32, #tpu.memory_space<hbm>> -> memref<10000x128xf32, #tpu.memory_space<hbm>>
        tpu.enqueue_indirect_dma source(%dma_start3A_109 : memref<10000x128xf32, #tpu.memory_space<hbm>>) target(%dma_start3A_103 : memref<64x128xf32, #tpu.memory_space<vmem>>) offsets(%dma_start3A_106 : memref<64xi32, #tpu.memory_space<vmem>>) semaphore(%arg12 : memref<!tpu.dma_semaphore, #tpu.memory_space<semaphore_mem>>)
        %dma_start3A_110 = arith.constant 64 : i32
        %dma_start3A_111 = arith.constant 0 : i32
        %dma_start3A_112 = tpu.memref_slice %arg9[%dma_start3A_110, %dma_start3A_111] : memref<128x128xf32, #tpu.memory_space<vmem>> -> memref<64x128xf32, #tpu.memory_space<vmem>>
        %dma_start3A_113 = arith.constant 64 : i32
        %dma_start3A_114 = tpu.memref_slice %arg6[%add3A_100, %dma_start3A_113] : memref<128x128xi32, #tpu.memory_space<vmem>> -> memref<1x64xi32, #tpu.memory_space<vmem>>
        %dma_start3A_115 = tpu.memref_squeeze %dma_start3A_114 : memref<1x64xi32, #tpu.memory_space<vmem>> -> memref<64xi32, #tpu.memory_space<vmem>>
        %dma_start3A_116 = arith.constant 0 : i32
        %dma_start3A_117 = arith.constant 0 : i32
        %dma_start3A_118 = tpu.memref_slice %arg2[%dma_start3A_116, %dma_start3A_117] : memref<10000x128xf32, #tpu.memory_space<hbm>> -> memref<10000x128xf32, #tpu.memory_space<hbm>>
        tpu.enqueue_indirect_dma source(%dma_start3A_118 : memref<10000x128xf32, #tpu.memory_space<hbm>>) target(%dma_start3A_112 : memref<64x128xf32, #tpu.memory_space<vmem>>) offsets(%dma_start3A_115 : memref<64xi32, #tpu.memory_space<vmem>>) semaphore(%arg12 : memref<!tpu.dma_semaphore, #tpu.memory_space<semaphore_mem>>)
        %add3A_119 = arith.addi %mul3A_41, %mul3A_82 : i32
        %dma_wait3A = arith.constant 0 : i32
        %dma_wait3A_120 = arith.constant 0 : i32
        %dma_wait3A_121 = tpu.memref_slice %arg7[%dma_wait3A, %dma_wait3A_120] : memref<2x128xi32, #tpu.memory_space<vmem>> -> memref<1x128xi32, #tpu.memory_space<vmem>>
        %dma_wait3A_122 = tpu.memref_squeeze %dma_wait3A_121 : memref<1x128xi32, #tpu.memory_space<vmem>> -> memref<128xi32, #tpu.memory_space<vmem>>
        %dma_wait3A_123 = arith.constant 0 : i32
        %dma_wait3A_124 = tpu.memref_slice %arg4[%add3A_119, %dma_wait3A_123] : memref<2560x128xi32, #tpu.memory_space<hbm>> -> memref<1x128xi32, #tpu.memory_space<hbm>>
        %dma_wait3A_125 = tpu.memref_squeeze %dma_wait3A_124 : memref<1x128xi32, #tpu.memory_space<hbm>> -> memref<128xi32, #tpu.memory_space<hbm>>
        %dma_wait3A_126 = arith.constant 0 : i32
        %dma_wait3A_127 = tpu.memref_slice %arg7[%dma_wait3A, %dma_wait3A_126] : memref<2x128xi32, #tpu.memory_space<vmem>> -> memref<1x128xi32, #tpu.memory_space<vmem>>
        %dma_wait3A_128 = tpu.memref_squeeze %dma_wait3A_127 : memref<1x128xi32, #tpu.memory_space<vmem>> -> memref<128xi32, #tpu.memory_space<vmem>>
        %dma_wait3A_129 = arith.constant 0 : i32
        %dma_wait3A_130 = tpu.memref_slice %arg4[%add3A_119, %dma_wait3A_129] : memref<2560x128xi32, #tpu.memory_space<hbm>> -> memref<1x128xi32, #tpu.memory_space<hbm>>
        %dma_wait3A_131 = tpu.memref_squeeze %dma_wait3A_130 : memref<1x128xi32, #tpu.memory_space<hbm>> -> memref<128xi32, #tpu.memory_space<hbm>>
        tpu.wait_dma2 semaphore(%arg13 : memref<!tpu.dma_semaphore, #tpu.memory_space<semaphore_mem>>) src(%dma_wait3A_131 : memref<128xi32, #tpu.memory_space<hbm>>) dst(%dma_wait3A_128 : memref<128xi32, #tpu.memory_space<vmem>>)
        %dma_wait3A_132 = arith.constant 0 : i32
        %dma_wait3A_133 = arith.constant 0 : i32
        %dma_wait3A_134 = tpu.memref_slice %arg8[%dma_wait3A_132, %dma_wait3A_133] : memref<128x128xf32, #tpu.memory_space<vmem>> -> memref<64x128xf32, #tpu.memory_space<vmem>>
        %dma_wait3A_135 = arith.constant 0 : i32
        %dma_wait3A_136 = tpu.memref_slice %arg6[%mul3A_82, %dma_wait3A_135] : memref<128x128xi32, #tpu.memory_space<vmem>> -> memref<1x64xi32, #tpu.memory_space<vmem>>
        %dma_wait3A_137 = tpu.memref_squeeze %dma_wait3A_136 : memref<1x64xi32, #tpu.memory_space<vmem>> -> memref<64xi32, #tpu.memory_space<vmem>>
        %dma_wait3A_138 = arith.constant 0 : i32
        %dma_wait3A_139 = arith.constant 0 : i32
        %dma_wait3A_140 = tpu.memref_slice %arg2[%dma_wait3A_138, %dma_wait3A_139] : memref<10000x128xf32, #tpu.memory_space<hbm>> -> memref<10000x128xf32, #tpu.memory_space<hbm>>
        tpu.wait_indirect_dma semaphore(%arg11 : memref<!tpu.dma_semaphore, #tpu.memory_space<semaphore_mem>>) src(%dma_wait3A_140 : memref<10000x128xf32, #tpu.memory_space<hbm>>) dst(%dma_wait3A_134 : memref<64x128xf32, #tpu.memory_space<vmem>>)
        %dma_wait3A_141 = arith.constant 64 : i32
        %dma_wait3A_142 = arith.constant 0 : i32
        %dma_wait3A_143 = tpu.memref_slice %arg8[%dma_wait3A_141, %dma_wait3A_142] : memref<128x128xf32, #tpu.memory_space<vmem>> -> memref<64x128xf32, #tpu.memory_space<vmem>>
        %dma_wait3A_144 = arith.constant 64 : i32
        %dma_wait3A_145 = tpu.memref_slice %arg6[%mul3A_82, %dma_wait3A_144] : memref<128x128xi32, #tpu.memory_space<vmem>> -> memref<1x64xi32, #tpu.memory_space<vmem>>
        %dma_wait3A_146 = tpu.memref_squeeze %dma_wait3A_145 : memref<1x64xi32, #tpu.memory_space<vmem>> -> memref<64xi32, #tpu.memory_space<vmem>>
        %dma_wait3A_147 = arith.constant 0 : i32
        %dma_wait3A_148 = arith.constant 0 : i32
        %dma_wait3A_149 = tpu.memref_slice %arg2[%dma_wait3A_147, %dma_wait3A_148] : memref<10000x128xf32, #tpu.memory_space<hbm>> -> memref<10000x128xf32, #tpu.memory_space<hbm>>
        tpu.wait_indirect_dma semaphore(%arg11 : memref<!tpu.dma_semaphore, #tpu.memory_space<semaphore_mem>>) src(%dma_wait3A_149 : memref<10000x128xf32, #tpu.memory_space<hbm>>) dst(%dma_wait3A_143 : memref<64x128xf32, #tpu.memory_space<vmem>>)
        %run_scoped3A = arith.constant 0 : i32
        "tpu.region"() ({
          %run_scoped3A_192 = tpu.sem_alloc : memref<!tpu.dma_semaphore, #tpu.memory_space<semaphore_mem>>
          %dma_start3A_193 = arith.constant 0 : i32
          %dma_start3A_194 = tpu.memref_slice %arg7[%run_scoped3A, %dma_start3A_193] : memref<2x128xi32, #tpu.memory_space<vmem>> -> memref<1x128xi32, #tpu.memory_space<vmem>>
          %dma_start3A_195 = tpu.memref_squeeze %dma_start3A_194 : memref<1x128xi32, #tpu.memory_space<vmem>> -> memref<128xi32, #tpu.memory_space<vmem>>
          %dma_start3A_196 = arith.constant 0 : i32
          %dma_start3A_197 = arith.constant 0 : i32
          %dma_start3A_198 = tpu.memref_slice %arg10[%dma_start3A_196, %dma_start3A_197] : memref<10112x128xf32, #tpu.memory_space<vmem_shared>> -> memref<10112x128xf32, #tpu.memory_space<vmem_shared>>
          tpu.enqueue_indirect_dma source(%arg8 : memref<128x128xf32, #tpu.memory_space<vmem>>) target(%dma_start3A_198 : memref<10112x128xf32, #tpu.memory_space<vmem_shared>>) offsets(%dma_start3A_195 : memref<128xi32, #tpu.memory_space<vmem>>) semaphore(%run_scoped3A_192 : memref<!tpu.dma_semaphore, #tpu.memory_space<semaphore_mem>>) {add = true}
          %dma_wait3A_199 = arith.constant 0 : i32
          %dma_wait3A_200 = tpu.memref_slice %arg7[%run_scoped3A, %dma_wait3A_199] : memref<2x128xi32, #tpu.memory_space<vmem>> -> memref<1x128xi32, #tpu.memory_space<vmem>>
          %dma_wait3A_201 = tpu.memref_squeeze %dma_wait3A_200 : memref<1x128xi32, #tpu.memory_space<vmem>> -> memref<128xi32, #tpu.memory_space<vmem>>
          %dma_wait3A_202 = arith.constant 0 : i32
          %dma_wait3A_203 = arith.constant 0 : i32
          %dma_wait3A_204 = tpu.memref_slice %arg10[%dma_wait3A_202, %dma_wait3A_203] : memref<10112x128xf32, #tpu.memory_space<vmem_shared>> -> memref<10112x128xf32, #tpu.memory_space<vmem_shared>>
          tpu.wait_indirect_dma semaphore(%run_scoped3A_192 : memref<!tpu.dma_semaphore, #tpu.memory_space<semaphore_mem>>) src(%arg8 : memref<128x128xf32, #tpu.memory_space<vmem>>) dst(%dma_wait3A_204 : memref<10112x128xf32, #tpu.memory_space<vmem_shared>>)
          tpu.yield
        }) : () -> ()
        %lt3A_150 = arith.constant 63 : i32
        %lt3A_151 = arith.cmpi slt, %scan3A_80, %lt3A_150 : i32
        %convert_element_type3A_152 = arith.extui %lt3A_151 : i1 to i32
        %cond3A_153 = arith.constant 0 : i32
        %cond3A_154 = arith.cmpi ne, %convert_element_type3A_152, %cond3A_153 : i32
        scf.if %cond3A_154 {
          %add3A_192 = arith.addi %mul3A_41, %mul3A_82 : i32
          %add3A_193 = arith.constant 2 : i32
          %add3A_194 = arith.addi %add3A_192, %add3A_193 : i32
          %dma_start3A_195 = arith.constant 0 : i32
          %dma_start3A_196 = arith.constant 0 : i32
          %dma_start3A_197 = tpu.memref_slice %arg7[%dma_start3A_195, %dma_start3A_196] : memref<2x128xi32, #tpu.memory_space<vmem>> -> memref<1x128xi32, #tpu.memory_space<vmem>>
          %dma_start3A_198 = tpu.memref_squeeze %dma_start3A_197 : memref<1x128xi32, #tpu.memory_space<vmem>> -> memref<128xi32, #tpu.memory_space<vmem>>
          %dma_start3A_199 = arith.constant 0 : i32
          %dma_start3A_200 = tpu.memref_slice %arg4[%add3A_194, %dma_start3A_199] : memref<2560x128xi32, #tpu.memory_space<hbm>> -> memref<1x128xi32, #tpu.memory_space<hbm>>
          %dma_start3A_201 = tpu.memref_squeeze %dma_start3A_200 : memref<1x128xi32, #tpu.memory_space<hbm>> -> memref<128xi32, #tpu.memory_space<hbm>>
          %dma_start3A_202 = arith.constant 0 : i32
          %dma_start3A_203 = tpu.memref_slice %arg7[%dma_start3A_195, %dma_start3A_202] : memref<2x128xi32, #tpu.memory_space<vmem>> -> memref<1x128xi32, #tpu.memory_space<vmem>>
          %dma_start3A_204 = tpu.memref_squeeze %dma_start3A_203 : memref<1x128xi32, #tpu.memory_space<vmem>> -> memref<128xi32, #tpu.memory_space<vmem>>
          %dma_start3A_205 = arith.constant 0 : i32
          %dma_start3A_206 = tpu.memref_slice %arg4[%add3A_194, %dma_start3A_205] : memref<2560x128xi32, #tpu.memory_space<hbm>> -> memref<1x128xi32, #tpu.memory_space<hbm>>
          %dma_start3A_207 = tpu.memref_squeeze %dma_start3A_206 : memref<1x128xi32, #tpu.memory_space<hbm>> -> memref<128xi32, #tpu.memory_space<hbm>>
          tpu.enqueue_dma source(%dma_start3A_207 : memref<128xi32, #tpu.memory_space<hbm>>) target(%dma_start3A_204 : memref<128xi32, #tpu.memory_space<vmem>>) target_semaphore(%arg13 : memref<!tpu.dma_semaphore, #tpu.memory_space<semaphore_mem>>)
          %add3A_208 = arith.constant 2 : i32
          %add3A_209 = arith.addi %mul3A_82, %add3A_208 : i32
          %dma_start3A_210 = arith.constant 0 : i32
          %dma_start3A_211 = arith.constant 0 : i32
          %dma_start3A_212 = tpu.memref_slice %arg8[%dma_start3A_210, %dma_start3A_211] : memref<128x128xf32, #tpu.memory_space<vmem>> -> memref<64x128xf32, #tpu.memory_space<vmem>>
          %dma_start3A_213 = arith.constant 0 : i32
          %dma_start3A_214 = tpu.memref_slice %arg6[%add3A_209, %dma_start3A_213] : memref<128x128xi32, #tpu.memory_space<vmem>> -> memref<1x64xi32, #tpu.memory_space<vmem>>
          %dma_start3A_215 = tpu.memref_squeeze %dma_start3A_214 : memref<1x64xi32, #tpu.memory_space<vmem>> -> memref<64xi32, #tpu.memory_space<vmem>>
          %dma_start3A_216 = arith.constant 0 : i32
          %dma_start3A_217 = arith.constant 0 : i32
          %dma_start3A_218 = tpu.memref_slice %arg2[%dma_start3A_216, %dma_start3A_217] : memref<10000x128xf32, #tpu.memory_space<hbm>> -> memref<10000x128xf32, #tpu.memory_space<hbm>>
          tpu.enqueue_indirect_dma source(%dma_start3A_218 : memref<10000x128xf32, #tpu.memory_space<hbm>>) target(%dma_start3A_212 : memref<64x128xf32, #tpu.memory_space<vmem>>) offsets(%dma_start3A_215 : memref<64xi32, #tpu.memory_space<vmem>>) semaphore(%arg11 : memref<!tpu.dma_semaphore, #tpu.memory_space<semaphore_mem>>)
          %dma_start3A_219 = arith.constant 64 : i32
          %dma_start3A_220 = arith.constant 0 : i32
          %dma_start3A_221 = tpu.memref_slice %arg8[%dma_start3A_219, %dma_start3A_220] : memref<128x128xf32, #tpu.memory_space<vmem>> -> memref<64x128xf32, #tpu.memory_space<vmem>>
          %dma_start3A_222 = arith.constant 64 : i32
          %dma_start3A_223 = tpu.memref_slice %arg6[%add3A_209, %dma_start3A_222] : memref<128x128xi32, #tpu.memory_space<vmem>> -> memref<1x64xi32, #tpu.memory_space<vmem>>
          %dma_start3A_224 = tpu.memref_squeeze %dma_start3A_223 : memref<1x64xi32, #tpu.memory_space<vmem>> -> memref<64xi32, #tpu.memory_space<vmem>>
          %dma_start3A_225 = arith.constant 0 : i32
          %dma_start3A_226 = arith.constant 0 : i32
          %dma_start3A_227 = tpu.memref_slice %arg2[%dma_start3A_225, %dma_start3A_226] : memref<10000x128xf32, #tpu.memory_space<hbm>> -> memref<10000x128xf32, #tpu.memory_space<hbm>>
          tpu.enqueue_indirect_dma source(%dma_start3A_227 : memref<10000x128xf32, #tpu.memory_space<hbm>>) target(%dma_start3A_221 : memref<64x128xf32, #tpu.memory_space<vmem>>) offsets(%dma_start3A_224 : memref<64xi32, #tpu.memory_space<vmem>>) semaphore(%arg11 : memref<!tpu.dma_semaphore, #tpu.memory_space<semaphore_mem>>)
        } else {
        }
        %add3A_155 = arith.addi %mul3A_41, %mul3A_82 : i32
        %add3A_156 = arith.constant 1 : i32
        %add3A_157 = arith.addi %add3A_155, %add3A_156 : i32
        %dma_wait3A_158 = arith.constant 1 : i32
        %dma_wait3A_159 = arith.constant 0 : i32
        %dma_wait3A_160 = tpu.memref_slice %arg7[%dma_wait3A_158, %dma_wait3A_159] : memref<2x128xi32, #tpu.memory_space<vmem>> -> memref<1x128xi32, #tpu.memory_space<vmem>>
        %dma_wait3A_161 = tpu.memref_squeeze %dma_wait3A_160 : memref<1x128xi32, #tpu.memory_space<vmem>> -> memref<128xi32, #tpu.memory_space<vmem>>
        %dma_wait3A_162 = arith.constant 0 : i32
        %dma_wait3A_163 = tpu.memref_slice %arg4[%add3A_157, %dma_wait3A_162] : memref<2560x128xi32, #tpu.memory_space<hbm>> -> memref<1x128xi32, #tpu.memory_space<hbm>>
        %dma_wait3A_164 = tpu.memref_squeeze %dma_wait3A_163 : memref<1x128xi32, #tpu.memory_space<hbm>> -> memref<128xi32, #tpu.memory_space<hbm>>
        %dma_wait3A_165 = arith.constant 0 : i32
        %dma_wait3A_166 = tpu.memref_slice %arg7[%dma_wait3A_158, %dma_wait3A_165] : memref<2x128xi32, #tpu.memory_space<vmem>> -> memref<1x128xi32, #tpu.memory_space<vmem>>
        %dma_wait3A_167 = tpu.memref_squeeze %dma_wait3A_166 : memref<1x128xi32, #tpu.memory_space<vmem>> -> memref<128xi32, #tpu.memory_space<vmem>>
        %dma_wait3A_168 = arith.constant 0 : i32
        %dma_wait3A_169 = tpu.memref_slice %arg4[%add3A_157, %dma_wait3A_168] : memref<2560x128xi32, #tpu.memory_space<hbm>> -> memref<1x128xi32, #tpu.memory_space<hbm>>
        %dma_wait3A_170 = tpu.memref_squeeze %dma_wait3A_169 : memref<1x128xi32, #tpu.memory_space<hbm>> -> memref<128xi32, #tpu.memory_space<hbm>>
        tpu.wait_dma2 semaphore(%arg14 : memref<!tpu.dma_semaphore, #tpu.memory_space<semaphore_mem>>) src(%dma_wait3A_170 : memref<128xi32, #tpu.memory_space<hbm>>) dst(%dma_wait3A_167 : memref<128xi32, #tpu.memory_space<vmem>>)
        %add3A_171 = arith.constant 1 : i32
        %add3A_172 = arith.addi %mul3A_82, %add3A_171 : i32
        %dma_wait3A_173 = arith.constant 0 : i32
        %dma_wait3A_174 = arith.constant 0 : i32
        %dma_wait3A_175 = tpu.memref_slice %arg9[%dma_wait3A_173, %dma_wait3A_174] : memref<128x128xf32, #tpu.memory_space<vmem>> -> memref<64x128xf32, #tpu.memory_space<vmem>>
        %dma_wait3A_176 = arith.constant 0 : i32
        %dma_wait3A_177 = tpu.memref_slice %arg6[%add3A_172, %dma_wait3A_176] : memref<128x128xi32, #tpu.memory_space<vmem>> -> memref<1x64xi32, #tpu.memory_space<vmem>>
        %dma_wait3A_178 = tpu.memref_squeeze %dma_wait3A_177 : memref<1x64xi32, #tpu.memory_space<vmem>> -> memref<64xi32, #tpu.memory_space<vmem>>
        %dma_wait3A_179 = arith.constant 0 : i32
        %dma_wait3A_180 = arith.constant 0 : i32
        %dma_wait3A_181 = tpu.memref_slice %arg2[%dma_wait3A_179, %dma_wait3A_180] : memref<10000x128xf32, #tpu.memory_space<hbm>> -> memref<10000x128xf32, #tpu.memory_space<hbm>>
        tpu.wait_indirect_dma semaphore(%arg12 : memref<!tpu.dma_semaphore, #tpu.memory_space<semaphore_mem>>) src(%dma_wait3A_181 : memref<10000x128xf32, #tpu.memory_space<hbm>>) dst(%dma_wait3A_175 : memref<64x128xf32, #tpu.memory_space<vmem>>)
        %dma_wait3A_182 = arith.constant 64 : i32
        %dma_wait3A_183 = arith.constant 0 : i32
        %dma_wait3A_184 = tpu.memref_slice %arg9[%dma_wait3A_182, %dma_wait3A_183] : memref<128x128xf32, #tpu.memory_space<vmem>> -> memref<64x128xf32, #tpu.memory_space<vmem>>
        %dma_wait3A_185 = arith.constant 64 : i32
        %dma_wait3A_186 = tpu.memref_slice %arg6[%add3A_172, %dma_wait3A_185] : memref<128x128xi32, #tpu.memory_space<vmem>> -> memref<1x64xi32, #tpu.memory_space<vmem>>
        %dma_wait3A_187 = tpu.memref_squeeze %dma_wait3A_186 : memref<1x64xi32, #tpu.memory_space<vmem>> -> memref<64xi32, #tpu.memory_space<vmem>>
        %dma_wait3A_188 = arith.constant 0 : i32
        %dma_wait3A_189 = arith.constant 0 : i32
        %dma_wait3A_190 = tpu.memref_slice %arg2[%dma_wait3A_188, %dma_wait3A_189] : memref<10000x128xf32, #tpu.memory_space<hbm>> -> memref<10000x128xf32, #tpu.memory_space<hbm>>
        tpu.wait_indirect_dma semaphore(%arg12 : memref<!tpu.dma_semaphore, #tpu.memory_space<semaphore_mem>>) src(%dma_wait3A_190 : memref<10000x128xf32, #tpu.memory_space<hbm>>) dst(%dma_wait3A_184 : memref<64x128xf32, #tpu.memory_space<vmem>>)
        %run_scoped3A_191 = arith.constant 1 : i32
        "tpu.region"() ({
          %run_scoped3A_192 = tpu.sem_alloc : memref<!tpu.dma_semaphore, #tpu.memory_space<semaphore_mem>>
          %dma_start3A_193 = arith.constant 0 : i32
          %dma_start3A_194 = tpu.memref_slice %arg7[%run_scoped3A_191, %dma_start3A_193] : memref<2x128xi32, #tpu.memory_space<vmem>> -> memref<1x128xi32, #tpu.memory_space<vmem>>
          %dma_start3A_195 = tpu.memref_squeeze %dma_start3A_194 : memref<1x128xi32, #tpu.memory_space<vmem>> -> memref<128xi32, #tpu.memory_space<vmem>>
          %dma_start3A_196 = arith.constant 0 : i32
          %dma_start3A_197 = arith.constant 0 : i32
          %dma_start3A_198 = tpu.memref_slice %arg10[%dma_start3A_196, %dma_start3A_197] : memref<10112x128xf32, #tpu.memory_space<vmem_shared>> -> memref<10112x128xf32, #tpu.memory_space<vmem_shared>>
          tpu.enqueue_indirect_dma source(%arg9 : memref<128x128xf32, #tpu.memory_space<vmem>>) target(%dma_start3A_198 : memref<10112x128xf32, #tpu.memory_space<vmem_shared>>) offsets(%dma_start3A_195 : memref<128xi32, #tpu.memory_space<vmem>>) semaphore(%run_scoped3A_192 : memref<!tpu.dma_semaphore, #tpu.memory_space<semaphore_mem>>) {add = true}
          %dma_wait3A_199 = arith.constant 0 : i32
          %dma_wait3A_200 = tpu.memref_slice %arg7[%run_scoped3A_191, %dma_wait3A_199] : memref<2x128xi32, #tpu.memory_space<vmem>> -> memref<1x128xi32, #tpu.memory_space<vmem>>
          %dma_wait3A_201 = tpu.memref_squeeze %dma_wait3A_200 : memref<1x128xi32, #tpu.memory_space<vmem>> -> memref<128xi32, #tpu.memory_space<vmem>>
          %dma_wait3A_202 = arith.constant 0 : i32
          %dma_wait3A_203 = arith.constant 0 : i32
          %dma_wait3A_204 = tpu.memref_slice %arg10[%dma_wait3A_202, %dma_wait3A_203] : memref<10112x128xf32, #tpu.memory_space<vmem_shared>> -> memref<10112x128xf32, #tpu.memory_space<vmem_shared>>
          tpu.wait_indirect_dma semaphore(%run_scoped3A_192 : memref<!tpu.dma_semaphore, #tpu.memory_space<semaphore_mem>>) src(%arg9 : memref<128x128xf32, #tpu.memory_space<vmem>>) dst(%dma_wait3A_204 : memref<10112x128xf32, #tpu.memory_space<vmem_shared>>)
          tpu.yield
        }) : () -> ()
      }
      %scan3A_79 = arith.constant 64 : i32
    } else {
    }
    %ne3A = arith.constant 1 : i32
    %ne3A_26 = arith.cmpi ne, %arg0, %ne3A : i32
    %convert_element_type3A_27 = arith.extui %ne3A_26 : i1 to i32
    %cond3A_28 = arith.constant 0 : i32
    %cond3A_29 = arith.cmpi ne, %convert_element_type3A_27, %cond3A_28 : i32
    scf.if %cond3A_29 {
      %mul3A_40 = arith.constant 160 : i32
      %mul3A_41 = arith.muli %arg1, %mul3A_40 : i32
      %add3A_42 = arith.constant 128 : i32
      %add3A_43 = arith.addi %mul3A_41, %add3A_42 : i32
      "tpu.region"() ({
        %run_scoped3A = tpu.sem_alloc : memref<!tpu.dma_semaphore, #tpu.memory_space<semaphore_mem>>
        %dma_start3A_82 = arith.constant 0 : i32
        %dma_start3A_83 = arith.constant 0 : i32
        %dma_start3A_84 = tpu.memref_slice %arg6[%dma_start3A_82, %dma_start3A_83] : memref<128x128xi32, #tpu.memory_space<vmem>> -> memref<32x128xi32, #tpu.memory_space<vmem>>
        %dma_start3A_85 = arith.constant 0 : i32
        %dma_start3A_86 = tpu.memref_slice %arg3[%add3A_43, %dma_start3A_85] : memref<2560x128xi32, #tpu.memory_space<hbm>> -> memref<32x128xi32, #tpu.memory_space<hbm>>
        %dma_start3A_87 = arith.constant 0 : i32
        %dma_start3A_88 = arith.constant 0 : i32
        %dma_start3A_89 = tpu.memref_slice %arg6[%dma_start3A_87, %dma_start3A_88] : memref<128x128xi32, #tpu.memory_space<vmem>> -> memref<32x128xi32, #tpu.memory_space<vmem>>
        %dma_start3A_90 = arith.constant 0 : i32
        %dma_start3A_91 = tpu.memref_slice %arg3[%add3A_43, %dma_start3A_90] : memref<2560x128xi32, #tpu.memory_space<hbm>> -> memref<32x128xi32, #tpu.memory_space<hbm>>
        tpu.enqueue_dma source(%dma_start3A_91 : memref<32x128xi32, #tpu.memory_space<hbm>>) target(%dma_start3A_89 : memref<32x128xi32, #tpu.memory_space<vmem>>) target_semaphore(%run_scoped3A : memref<!tpu.dma_semaphore, #tpu.memory_space<semaphore_mem>>)
        %dma_wait3A = arith.constant 0 : i32
        %dma_wait3A_92 = arith.constant 0 : i32
        %dma_wait3A_93 = tpu.memref_slice %arg6[%dma_wait3A, %dma_wait3A_92] : memref<128x128xi32, #tpu.memory_space<vmem>> -> memref<32x128xi32, #tpu.memory_space<vmem>>
        %dma_wait3A_94 = arith.constant 0 : i32
        %dma_wait3A_95 = tpu.memref_slice %arg3[%add3A_43, %dma_wait3A_94] : memref<2560x128xi32, #tpu.memory_space<hbm>> -> memref<32x128xi32, #tpu.memory_space<hbm>>
        %dma_wait3A_96 = arith.constant 0 : i32
        %dma_wait3A_97 = arith.constant 0 : i32
        %dma_wait3A_98 = tpu.memref_slice %arg6[%dma_wait3A_96, %dma_wait3A_97] : memref<128x128xi32, #tpu.memory_space<vmem>> -> memref<32x128xi32, #tpu.memory_space<vmem>>
        %dma_wait3A_99 = arith.constant 0 : i32
        %dma_wait3A_100 = tpu.memref_slice %arg3[%add3A_43, %dma_wait3A_99] : memref<2560x128xi32, #tpu.memory_space<hbm>> -> memref<32x128xi32, #tpu.memory_space<hbm>>
        tpu.wait_dma2 semaphore(%run_scoped3A : memref<!tpu.dma_semaphore, #tpu.memory_space<semaphore_mem>>) src(%dma_wait3A_100 : memref<32x128xi32, #tpu.memory_space<hbm>>) dst(%dma_wait3A_98 : memref<32x128xi32, #tpu.memory_space<vmem>>)
        tpu.yield
      }) : () -> ()
      %dma_start3A = arith.constant 0 : i32
      %dma_start3A_44 = arith.constant 0 : i32
      %dma_start3A_45 = tpu.memref_slice %arg7[%dma_start3A, %dma_start3A_44] : memref<2x128xi32, #tpu.memory_space<vmem>> -> memref<1x128xi32, #tpu.memory_space<vmem>>
      %dma_start3A_46 = tpu.memref_squeeze %dma_start3A_45 : memref<1x128xi32, #tpu.memory_space<vmem>> -> memref<128xi32, #tpu.memory_space<vmem>>
      %dma_start3A_47 = arith.constant 0 : i32
      %dma_start3A_48 = tpu.memref_slice %arg4[%add3A_43, %dma_start3A_47] : memref<2560x128xi32, #tpu.memory_space<hbm>> -> memref<1x128xi32, #tpu.memory_space<hbm>>
      %dma_start3A_49 = tpu.memref_squeeze %dma_start3A_48 : memref<1x128xi32, #tpu.memory_space<hbm>> -> memref<128xi32, #tpu.memory_space<hbm>>
      %dma_start3A_50 = arith.constant 0 : i32
      %dma_start3A_51 = tpu.memref_slice %arg7[%dma_start3A, %dma_start3A_50] : memref<2x128xi32, #tpu.memory_space<vmem>> -> memref<1x128xi32, #tpu.memory_space<vmem>>
      %dma_start3A_52 = tpu.memref_squeeze %dma_start3A_51 : memref<1x128xi32, #tpu.memory_space<vmem>> -> memref<128xi32, #tpu.memory_space<vmem>>
      %dma_start3A_53 = arith.constant 0 : i32
      %dma_start3A_54 = tpu.memref_slice %arg4[%add3A_43, %dma_start3A_53] : memref<2560x128xi32, #tpu.memory_space<hbm>> -> memref<1x128xi32, #tpu.memory_space<hbm>>
      %dma_start3A_55 = tpu.memref_squeeze %dma_start3A_54 : memref<1x128xi32, #tpu.memory_space<hbm>> -> memref<128xi32, #tpu.memory_space<hbm>>
      tpu.enqueue_dma source(%dma_start3A_55 : memref<128xi32, #tpu.memory_space<hbm>>) target(%dma_start3A_52 : memref<128xi32, #tpu.memory_space<vmem>>) target_semaphore(%arg13 : memref<!tpu.dma_semaphore, #tpu.memory_space<semaphore_mem>>)
      %dma_start3A_56 = arith.constant 0 : i32
      %dma_start3A_57 = arith.constant 0 : i32
      %dma_start3A_58 = arith.constant 0 : i32
      %dma_start3A_59 = tpu.memref_slice %arg8[%dma_start3A_57, %dma_start3A_58] : memref<128x128xf32, #tpu.memory_space<vmem>> -> memref<64x128xf32, #tpu.memory_space<vmem>>
      %dma_start3A_60 = arith.constant 0 : i32
      %dma_start3A_61 = tpu.memref_slice %arg6[%dma_start3A_56, %dma_start3A_60] : memref<128x128xi32, #tpu.memory_space<vmem>> -> memref<1x64xi32, #tpu.memory_space<vmem>>
      %dma_start3A_62 = tpu.memref_squeeze %dma_start3A_61 : memref<1x64xi32, #tpu.memory_space<vmem>> -> memref<64xi32, #tpu.memory_space<vmem>>
      %dma_start3A_63 = arith.constant 0 : i32
      %dma_start3A_64 = arith.constant 0 : i32
      %dma_start3A_65 = tpu.memref_slice %arg2[%dma_start3A_63, %dma_start3A_64] : memref<10000x128xf32, #tpu.memory_space<hbm>> -> memref<10000x128xf32, #tpu.memory_space<hbm>>
      tpu.enqueue_indirect_dma source(%dma_start3A_65 : memref<10000x128xf32, #tpu.memory_space<hbm>>) target(%dma_start3A_59 : memref<64x128xf32, #tpu.memory_space<vmem>>) offsets(%dma_start3A_62 : memref<64xi32, #tpu.memory_space<vmem>>) semaphore(%arg11 : memref<!tpu.dma_semaphore, #tpu.memory_space<semaphore_mem>>)
      %dma_start3A_66 = arith.constant 0 : i32
      %dma_start3A_67 = arith.constant 64 : i32
      %dma_start3A_68 = arith.constant 0 : i32
      %dma_start3A_69 = tpu.memref_slice %arg8[%dma_start3A_67, %dma_start3A_68] : memref<128x128xf32, #tpu.memory_space<vmem>> -> memref<64x128xf32, #tpu.memory_space<vmem>>
      %dma_start3A_70 = arith.constant 64 : i32
      %dma_start3A_71 = tpu.memref_slice %arg6[%dma_start3A_66, %dma_start3A_70] : memref<128x128xi32, #tpu.memory_space<vmem>> -> memref<1x64xi32, #tpu.memory_space<vmem>>
      %dma_start3A_72 = tpu.memref_squeeze %dma_start3A_71 : memref<1x64xi32, #tpu.memory_space<vmem>> -> memref<64xi32, #tpu.memory_space<vmem>>
      %dma_start3A_73 = arith.constant 0 : i32
      %dma_start3A_74 = arith.constant 0 : i32
      %dma_start3A_75 = tpu.memref_slice %arg2[%dma_start3A_73, %dma_start3A_74] : memref<10000x128xf32, #tpu.memory_space<hbm>> -> memref<10000x128xf32, #tpu.memory_space<hbm>>
      tpu.enqueue_indirect_dma source(%dma_start3A_75 : memref<10000x128xf32, #tpu.memory_space<hbm>>) target(%dma_start3A_69 : memref<64x128xf32, #tpu.memory_space<vmem>>) offsets(%dma_start3A_72 : memref<64xi32, #tpu.memory_space<vmem>>) semaphore(%arg11 : memref<!tpu.dma_semaphore, #tpu.memory_space<semaphore_mem>>)
      %scan3A_76 = arith.constant 0 : i32
      %scan3A_77 = arith.constant 0 : i32
      %scan3A_78 = arith.constant 16 : i32
      %scan3A_79 = arith.addi %scan3A_77, %scan3A_78 : i32
      %scan3A_80 = arith.constant 1 : i32
      scf.for %scan3A_82 = %scan3A_77 to %scan3A_79 step %scan3A_80  : i32 {
        %mul3A_83 = arith.constant 2 : i32
        %mul3A_84 = arith.muli %mul3A_83, %scan3A_82 : i32
        %add3A_85 = arith.addi %add3A_43, %mul3A_84 : i32
        %add3A_86 = arith.constant 1 : i32
        %add3A_87 = arith.addi %add3A_85, %add3A_86 : i32
        %dma_start3A_88 = arith.constant 1 : i32
        %dma_start3A_89 = arith.constant 0 : i32
        %dma_start3A_90 = tpu.memref_slice %arg7[%dma_start3A_88, %dma_start3A_89] : memref<2x128xi32, #tpu.memory_space<vmem>> -> memref<1x128xi32, #tpu.memory_space<vmem>>
        %dma_start3A_91 = tpu.memref_squeeze %dma_start3A_90 : memref<1x128xi32, #tpu.memory_space<vmem>> -> memref<128xi32, #tpu.memory_space<vmem>>
        %dma_start3A_92 = arith.constant 0 : i32
        %dma_start3A_93 = tpu.memref_slice %arg4[%add3A_87, %dma_start3A_92] : memref<2560x128xi32, #tpu.memory_space<hbm>> -> memref<1x128xi32, #tpu.memory_space<hbm>>
        %dma_start3A_94 = tpu.memref_squeeze %dma_start3A_93 : memref<1x128xi32, #tpu.memory_space<hbm>> -> memref<128xi32, #tpu.memory_space<hbm>>
        %dma_start3A_95 = arith.constant 0 : i32
        %dma_start3A_96 = tpu.memref_slice %arg7[%dma_start3A_88, %dma_start3A_95] : memref<2x128xi32, #tpu.memory_space<vmem>> -> memref<1x128xi32, #tpu.memory_space<vmem>>
        %dma_start3A_97 = tpu.memref_squeeze %dma_start3A_96 : memref<1x128xi32, #tpu.memory_space<vmem>> -> memref<128xi32, #tpu.memory_space<vmem>>
        %dma_start3A_98 = arith.constant 0 : i32
        %dma_start3A_99 = tpu.memref_slice %arg4[%add3A_87, %dma_start3A_98] : memref<2560x128xi32, #tpu.memory_space<hbm>> -> memref<1x128xi32, #tpu.memory_space<hbm>>
        %dma_start3A_100 = tpu.memref_squeeze %dma_start3A_99 : memref<1x128xi32, #tpu.memory_space<hbm>> -> memref<128xi32, #tpu.memory_space<hbm>>
        tpu.enqueue_dma source(%dma_start3A_100 : memref<128xi32, #tpu.memory_space<hbm>>) target(%dma_start3A_97 : memref<128xi32, #tpu.memory_space<vmem>>) target_semaphore(%arg14 : memref<!tpu.dma_semaphore, #tpu.memory_space<semaphore_mem>>)
        %add3A_101 = arith.constant 1 : i32
        %add3A_102 = arith.addi %mul3A_84, %add3A_101 : i32
        %dma_start3A_103 = arith.constant 0 : i32
        %dma_start3A_104 = arith.constant 0 : i32
        %dma_start3A_105 = tpu.memref_slice %arg9[%dma_start3A_103, %dma_start3A_104] : memref<128x128xf32, #tpu.memory_space<vmem>> -> memref<64x128xf32, #tpu.memory_space<vmem>>
        %dma_start3A_106 = arith.constant 0 : i32
        %dma_start3A_107 = tpu.memref_slice %arg6[%add3A_102, %dma_start3A_106] : memref<128x128xi32, #tpu.memory_space<vmem>> -> memref<1x64xi32, #tpu.memory_space<vmem>>
        %dma_start3A_108 = tpu.memref_squeeze %dma_start3A_107 : memref<1x64xi32, #tpu.memory_space<vmem>> -> memref<64xi32, #tpu.memory_space<vmem>>
        %dma_start3A_109 = arith.constant 0 : i32
        %dma_start3A_110 = arith.constant 0 : i32
        %dma_start3A_111 = tpu.memref_slice %arg2[%dma_start3A_109, %dma_start3A_110] : memref<10000x128xf32, #tpu.memory_space<hbm>> -> memref<10000x128xf32, #tpu.memory_space<hbm>>
        tpu.enqueue_indirect_dma source(%dma_start3A_111 : memref<10000x128xf32, #tpu.memory_space<hbm>>) target(%dma_start3A_105 : memref<64x128xf32, #tpu.memory_space<vmem>>) offsets(%dma_start3A_108 : memref<64xi32, #tpu.memory_space<vmem>>) semaphore(%arg12 : memref<!tpu.dma_semaphore, #tpu.memory_space<semaphore_mem>>)
        %dma_start3A_112 = arith.constant 64 : i32
        %dma_start3A_113 = arith.constant 0 : i32
        %dma_start3A_114 = tpu.memref_slice %arg9[%dma_start3A_112, %dma_start3A_113] : memref<128x128xf32, #tpu.memory_space<vmem>> -> memref<64x128xf32, #tpu.memory_space<vmem>>
        %dma_start3A_115 = arith.constant 64 : i32
        %dma_start3A_116 = tpu.memref_slice %arg6[%add3A_102, %dma_start3A_115] : memref<128x128xi32, #tpu.memory_space<vmem>> -> memref<1x64xi32, #tpu.memory_space<vmem>>
        %dma_start3A_117 = tpu.memref_squeeze %dma_start3A_116 : memref<1x64xi32, #tpu.memory_space<vmem>> -> memref<64xi32, #tpu.memory_space<vmem>>
        %dma_start3A_118 = arith.constant 0 : i32
        %dma_start3A_119 = arith.constant 0 : i32
        %dma_start3A_120 = tpu.memref_slice %arg2[%dma_start3A_118, %dma_start3A_119] : memref<10000x128xf32, #tpu.memory_space<hbm>> -> memref<10000x128xf32, #tpu.memory_space<hbm>>
        tpu.enqueue_indirect_dma source(%dma_start3A_120 : memref<10000x128xf32, #tpu.memory_space<hbm>>) target(%dma_start3A_114 : memref<64x128xf32, #tpu.memory_space<vmem>>) offsets(%dma_start3A_117 : memref<64xi32, #tpu.memory_space<vmem>>) semaphore(%arg12 : memref<!tpu.dma_semaphore, #tpu.memory_space<semaphore_mem>>)
        %add3A_121 = arith.addi %add3A_43, %mul3A_84 : i32
        %dma_wait3A = arith.constant 0 : i32
        %dma_wait3A_122 = arith.constant 0 : i32
        %dma_wait3A_123 = tpu.memref_slice %arg7[%dma_wait3A, %dma_wait3A_122] : memref<2x128xi32, #tpu.memory_space<vmem>> -> memref<1x128xi32, #tpu.memory_space<vmem>>
        %dma_wait3A_124 = tpu.memref_squeeze %dma_wait3A_123 : memref<1x128xi32, #tpu.memory_space<vmem>> -> memref<128xi32, #tpu.memory_space<vmem>>
        %dma_wait3A_125 = arith.constant 0 : i32
        %dma_wait3A_126 = tpu.memref_slice %arg4[%add3A_121, %dma_wait3A_125] : memref<2560x128xi32, #tpu.memory_space<hbm>> -> memref<1x128xi32, #tpu.memory_space<hbm>>
        %dma_wait3A_127 = tpu.memref_squeeze %dma_wait3A_126 : memref<1x128xi32, #tpu.memory_space<hbm>> -> memref<128xi32, #tpu.memory_space<hbm>>
        %dma_wait3A_128 = arith.constant 0 : i32
        %dma_wait3A_129 = tpu.memref_slice %arg7[%dma_wait3A, %dma_wait3A_128] : memref<2x128xi32, #tpu.memory_space<vmem>> -> memref<1x128xi32, #tpu.memory_space<vmem>>
        %dma_wait3A_130 = tpu.memref_squeeze %dma_wait3A_129 : memref<1x128xi32, #tpu.memory_space<vmem>> -> memref<128xi32, #tpu.memory_space<vmem>>
        %dma_wait3A_131 = arith.constant 0 : i32
        %dma_wait3A_132 = tpu.memref_slice %arg4[%add3A_121, %dma_wait3A_131] : memref<2560x128xi32, #tpu.memory_space<hbm>> -> memref<1x128xi32, #tpu.memory_space<hbm>>
        %dma_wait3A_133 = tpu.memref_squeeze %dma_wait3A_132 : memref<1x128xi32, #tpu.memory_space<hbm>> -> memref<128xi32, #tpu.memory_space<hbm>>
        tpu.wait_dma2 semaphore(%arg13 : memref<!tpu.dma_semaphore, #tpu.memory_space<semaphore_mem>>) src(%dma_wait3A_133 : memref<128xi32, #tpu.memory_space<hbm>>) dst(%dma_wait3A_130 : memref<128xi32, #tpu.memory_space<vmem>>)
        %dma_wait3A_134 = arith.constant 0 : i32
        %dma_wait3A_135 = arith.constant 0 : i32
        %dma_wait3A_136 = tpu.memref_slice %arg8[%dma_wait3A_134, %dma_wait3A_135] : memref<128x128xf32, #tpu.memory_space<vmem>> -> memref<64x128xf32, #tpu.memory_space<vmem>>
        %dma_wait3A_137 = arith.constant 0 : i32
        %dma_wait3A_138 = tpu.memref_slice %arg6[%mul3A_84, %dma_wait3A_137] : memref<128x128xi32, #tpu.memory_space<vmem>> -> memref<1x64xi32, #tpu.memory_space<vmem>>
        %dma_wait3A_139 = tpu.memref_squeeze %dma_wait3A_138 : memref<1x64xi32, #tpu.memory_space<vmem>> -> memref<64xi32, #tpu.memory_space<vmem>>
        %dma_wait3A_140 = arith.constant 0 : i32
        %dma_wait3A_141 = arith.constant 0 : i32
        %dma_wait3A_142 = tpu.memref_slice %arg2[%dma_wait3A_140, %dma_wait3A_141] : memref<10000x128xf32, #tpu.memory_space<hbm>> -> memref<10000x128xf32, #tpu.memory_space<hbm>>
        tpu.wait_indirect_dma semaphore(%arg11 : memref<!tpu.dma_semaphore, #tpu.memory_space<semaphore_mem>>) src(%dma_wait3A_142 : memref<10000x128xf32, #tpu.memory_space<hbm>>) dst(%dma_wait3A_136 : memref<64x128xf32, #tpu.memory_space<vmem>>)
        %dma_wait3A_143 = arith.constant 64 : i32
        %dma_wait3A_144 = arith.constant 0 : i32
        %dma_wait3A_145 = tpu.memref_slice %arg8[%dma_wait3A_143, %dma_wait3A_144] : memref<128x128xf32, #tpu.memory_space<vmem>> -> memref<64x128xf32, #tpu.memory_space<vmem>>
        %dma_wait3A_146 = arith.constant 64 : i32
        %dma_wait3A_147 = tpu.memref_slice %arg6[%mul3A_84, %dma_wait3A_146] : memref<128x128xi32, #tpu.memory_space<vmem>> -> memref<1x64xi32, #tpu.memory_space<vmem>>
        %dma_wait3A_148 = tpu.memref_squeeze %dma_wait3A_147 : memref<1x64xi32, #tpu.memory_space<vmem>> -> memref<64xi32, #tpu.memory_space<vmem>>
        %dma_wait3A_149 = arith.constant 0 : i32
        %dma_wait3A_150 = arith.constant 0 : i32
        %dma_wait3A_151 = tpu.memref_slice %arg2[%dma_wait3A_149, %dma_wait3A_150] : memref<10000x128xf32, #tpu.memory_space<hbm>> -> memref<10000x128xf32, #tpu.memory_space<hbm>>
        tpu.wait_indirect_dma semaphore(%arg11 : memref<!tpu.dma_semaphore, #tpu.memory_space<semaphore_mem>>) src(%dma_wait3A_151 : memref<10000x128xf32, #tpu.memory_space<hbm>>) dst(%dma_wait3A_145 : memref<64x128xf32, #tpu.memory_space<vmem>>)
        %run_scoped3A = arith.constant 0 : i32
        "tpu.region"() ({
          %run_scoped3A_194 = tpu.sem_alloc : memref<!tpu.dma_semaphore, #tpu.memory_space<semaphore_mem>>
          %dma_start3A_195 = arith.constant 0 : i32
          %dma_start3A_196 = tpu.memref_slice %arg7[%run_scoped3A, %dma_start3A_195] : memref<2x128xi32, #tpu.memory_space<vmem>> -> memref<1x128xi32, #tpu.memory_space<vmem>>
          %dma_start3A_197 = tpu.memref_squeeze %dma_start3A_196 : memref<1x128xi32, #tpu.memory_space<vmem>> -> memref<128xi32, #tpu.memory_space<vmem>>
          %dma_start3A_198 = arith.constant 0 : i32
          %dma_start3A_199 = arith.constant 0 : i32
          %dma_start3A_200 = tpu.memref_slice %arg10[%dma_start3A_198, %dma_start3A_199] : memref<10112x128xf32, #tpu.memory_space<vmem_shared>> -> memref<10112x128xf32, #tpu.memory_space<vmem_shared>>
          tpu.enqueue_indirect_dma source(%arg8 : memref<128x128xf32, #tpu.memory_space<vmem>>) target(%dma_start3A_200 : memref<10112x128xf32, #tpu.memory_space<vmem_shared>>) offsets(%dma_start3A_197 : memref<128xi32, #tpu.memory_space<vmem>>) semaphore(%run_scoped3A_194 : memref<!tpu.dma_semaphore, #tpu.memory_space<semaphore_mem>>) {add = true}
          %dma_wait3A_201 = arith.constant 0 : i32
          %dma_wait3A_202 = tpu.memref_slice %arg7[%run_scoped3A, %dma_wait3A_201] : memref<2x128xi32, #tpu.memory_space<vmem>> -> memref<1x128xi32, #tpu.memory_space<vmem>>
          %dma_wait3A_203 = tpu.memref_squeeze %dma_wait3A_202 : memref<1x128xi32, #tpu.memory_space<vmem>> -> memref<128xi32, #tpu.memory_space<vmem>>
          %dma_wait3A_204 = arith.constant 0 : i32
          %dma_wait3A_205 = arith.constant 0 : i32
          %dma_wait3A_206 = tpu.memref_slice %arg10[%dma_wait3A_204, %dma_wait3A_205] : memref<10112x128xf32, #tpu.memory_space<vmem_shared>> -> memref<10112x128xf32, #tpu.memory_space<vmem_shared>>
          tpu.wait_indirect_dma semaphore(%run_scoped3A_194 : memref<!tpu.dma_semaphore, #tpu.memory_space<semaphore_mem>>) src(%arg8 : memref<128x128xf32, #tpu.memory_space<vmem>>) dst(%dma_wait3A_206 : memref<10112x128xf32, #tpu.memory_space<vmem_shared>>)
          tpu.yield
        }) : () -> ()
        %lt3A_152 = arith.constant 15 : i32
        %lt3A_153 = arith.cmpi slt, %scan3A_82, %lt3A_152 : i32
        %convert_element_type3A_154 = arith.extui %lt3A_153 : i1 to i32
        %cond3A_155 = arith.constant 0 : i32
        %cond3A_156 = arith.cmpi ne, %convert_element_type3A_154, %cond3A_155 : i32
        scf.if %cond3A_156 {
          %add3A_194 = arith.addi %add3A_43, %mul3A_84 : i32
          %add3A_195 = arith.constant 2 : i32
          %add3A_196 = arith.addi %add3A_194, %add3A_195 : i32
          %dma_start3A_197 = arith.constant 0 : i32
          %dma_start3A_198 = arith.constant 0 : i32
          %dma_start3A_199 = tpu.memref_slice %arg7[%dma_start3A_197, %dma_start3A_198] : memref<2x128xi32, #tpu.memory_space<vmem>> -> memref<1x128xi32, #tpu.memory_space<vmem>>
          %dma_start3A_200 = tpu.memref_squeeze %dma_start3A_199 : memref<1x128xi32, #tpu.memory_space<vmem>> -> memref<128xi32, #tpu.memory_space<vmem>>
          %dma_start3A_201 = arith.constant 0 : i32
          %dma_start3A_202 = tpu.memref_slice %arg4[%add3A_196, %dma_start3A_201] : memref<2560x128xi32, #tpu.memory_space<hbm>> -> memref<1x128xi32, #tpu.memory_space<hbm>>
          %dma_start3A_203 = tpu.memref_squeeze %dma_start3A_202 : memref<1x128xi32, #tpu.memory_space<hbm>> -> memref<128xi32, #tpu.memory_space<hbm>>
          %dma_start3A_204 = arith.constant 0 : i32
          %dma_start3A_205 = tpu.memref_slice %arg7[%dma_start3A_197, %dma_start3A_204] : memref<2x128xi32, #tpu.memory_space<vmem>> -> memref<1x128xi32, #tpu.memory_space<vmem>>
          %dma_start3A_206 = tpu.memref_squeeze %dma_start3A_205 : memref<1x128xi32, #tpu.memory_space<vmem>> -> memref<128xi32, #tpu.memory_space<vmem>>
          %dma_start3A_207 = arith.constant 0 : i32
          %dma_start3A_208 = tpu.memref_slice %arg4[%add3A_196, %dma_start3A_207] : memref<2560x128xi32, #tpu.memory_space<hbm>> -> memref<1x128xi32, #tpu.memory_space<hbm>>
          %dma_start3A_209 = tpu.memref_squeeze %dma_start3A_208 : memref<1x128xi32, #tpu.memory_space<hbm>> -> memref<128xi32, #tpu.memory_space<hbm>>
          tpu.enqueue_dma source(%dma_start3A_209 : memref<128xi32, #tpu.memory_space<hbm>>) target(%dma_start3A_206 : memref<128xi32, #tpu.memory_space<vmem>>) target_semaphore(%arg13 : memref<!tpu.dma_semaphore, #tpu.memory_space<semaphore_mem>>)
          %add3A_210 = arith.constant 2 : i32
          %add3A_211 = arith.addi %mul3A_84, %add3A_210 : i32
          %dma_start3A_212 = arith.constant 0 : i32
          %dma_start3A_213 = arith.constant 0 : i32
          %dma_start3A_214 = tpu.memref_slice %arg8[%dma_start3A_212, %dma_start3A_213] : memref<128x128xf32, #tpu.memory_space<vmem>> -> memref<64x128xf32, #tpu.memory_space<vmem>>
          %dma_start3A_215 = arith.constant 0 : i32
          %dma_start3A_216 = tpu.memref_slice %arg6[%add3A_211, %dma_start3A_215] : memref<128x128xi32, #tpu.memory_space<vmem>> -> memref<1x64xi32, #tpu.memory_space<vmem>>
          %dma_start3A_217 = tpu.memref_squeeze %dma_start3A_216 : memref<1x64xi32, #tpu.memory_space<vmem>> -> memref<64xi32, #tpu.memory_space<vmem>>
          %dma_start3A_218 = arith.constant 0 : i32
          %dma_start3A_219 = arith.constant 0 : i32
          %dma_start3A_220 = tpu.memref_slice %arg2[%dma_start3A_218, %dma_start3A_219] : memref<10000x128xf32, #tpu.memory_space<hbm>> -> memref<10000x128xf32, #tpu.memory_space<hbm>>
          tpu.enqueue_indirect_dma source(%dma_start3A_220 : memref<10000x128xf32, #tpu.memory_space<hbm>>) target(%dma_start3A_214 : memref<64x128xf32, #tpu.memory_space<vmem>>) offsets(%dma_start3A_217 : memref<64xi32, #tpu.memory_space<vmem>>) semaphore(%arg11 : memref<!tpu.dma_semaphore, #tpu.memory_space<semaphore_mem>>)
          %dma_start3A_221 = arith.constant 64 : i32
          %dma_start3A_222 = arith.constant 0 : i32
          %dma_start3A_223 = tpu.memref_slice %arg8[%dma_start3A_221, %dma_start3A_222] : memref<128x128xf32, #tpu.memory_space<vmem>> -> memref<64x128xf32, #tpu.memory_space<vmem>>
          %dma_start3A_224 = arith.constant 64 : i32
          %dma_start3A_225 = tpu.memref_slice %arg6[%add3A_211, %dma_start3A_224] : memref<128x128xi32, #tpu.memory_space<vmem>> -> memref<1x64xi32, #tpu.memory_space<vmem>>
          %dma_start3A_226 = tpu.memref_squeeze %dma_start3A_225 : memref<1x64xi32, #tpu.memory_space<vmem>> -> memref<64xi32, #tpu.memory_space<vmem>>
          %dma_start3A_227 = arith.constant 0 : i32
          %dma_start3A_228 = arith.constant 0 : i32
          %dma_start3A_229 = tpu.memref_slice %arg2[%dma_start3A_227, %dma_start3A_228] : memref<10000x128xf32, #tpu.memory_space<hbm>> -> memref<10000x128xf32, #tpu.memory_space<hbm>>
          tpu.enqueue_indirect_dma source(%dma_start3A_229 : memref<10000x128xf32, #tpu.memory_space<hbm>>) target(%dma_start3A_223 : memref<64x128xf32, #tpu.memory_space<vmem>>) offsets(%dma_start3A_226 : memref<64xi32, #tpu.memory_space<vmem>>) semaphore(%arg11 : memref<!tpu.dma_semaphore, #tpu.memory_space<semaphore_mem>>)
        } else {
        }
        %add3A_157 = arith.addi %add3A_43, %mul3A_84 : i32
        %add3A_158 = arith.constant 1 : i32
        %add3A_159 = arith.addi %add3A_157, %add3A_158 : i32
        %dma_wait3A_160 = arith.constant 1 : i32
        %dma_wait3A_161 = arith.constant 0 : i32
        %dma_wait3A_162 = tpu.memref_slice %arg7[%dma_wait3A_160, %dma_wait3A_161] : memref<2x128xi32, #tpu.memory_space<vmem>> -> memref<1x128xi32, #tpu.memory_space<vmem>>
        %dma_wait3A_163 = tpu.memref_squeeze %dma_wait3A_162 : memref<1x128xi32, #tpu.memory_space<vmem>> -> memref<128xi32, #tpu.memory_space<vmem>>
        %dma_wait3A_164 = arith.constant 0 : i32
        %dma_wait3A_165 = tpu.memref_slice %arg4[%add3A_159, %dma_wait3A_164] : memref<2560x128xi32, #tpu.memory_space<hbm>> -> memref<1x128xi32, #tpu.memory_space<hbm>>
        %dma_wait3A_166 = tpu.memref_squeeze %dma_wait3A_165 : memref<1x128xi32, #tpu.memory_space<hbm>> -> memref<128xi32, #tpu.memory_space<hbm>>
        %dma_wait3A_167 = arith.constant 0 : i32
        %dma_wait3A_168 = tpu.memref_slice %arg7[%dma_wait3A_160, %dma_wait3A_167] : memref<2x128xi32, #tpu.memory_space<vmem>> -> memref<1x128xi32, #tpu.memory_space<vmem>>
        %dma_wait3A_169 = tpu.memref_squeeze %dma_wait3A_168 : memref<1x128xi32, #tpu.memory_space<vmem>> -> memref<128xi32, #tpu.memory_space<vmem>>
        %dma_wait3A_170 = arith.constant 0 : i32
        %dma_wait3A_171 = tpu.memref_slice %arg4[%add3A_159, %dma_wait3A_170] : memref<2560x128xi32, #tpu.memory_space<hbm>> -> memref<1x128xi32, #tpu.memory_space<hbm>>
        %dma_wait3A_172 = tpu.memref_squeeze %dma_wait3A_171 : memref<1x128xi32, #tpu.memory_space<hbm>> -> memref<128xi32, #tpu.memory_space<hbm>>
        tpu.wait_dma2 semaphore(%arg14 : memref<!tpu.dma_semaphore, #tpu.memory_space<semaphore_mem>>) src(%dma_wait3A_172 : memref<128xi32, #tpu.memory_space<hbm>>) dst(%dma_wait3A_169 : memref<128xi32, #tpu.memory_space<vmem>>)
        %add3A_173 = arith.constant 1 : i32
        %add3A_174 = arith.addi %mul3A_84, %add3A_173 : i32
        %dma_wait3A_175 = arith.constant 0 : i32
        %dma_wait3A_176 = arith.constant 0 : i32
        %dma_wait3A_177 = tpu.memref_slice %arg9[%dma_wait3A_175, %dma_wait3A_176] : memref<128x128xf32, #tpu.memory_space<vmem>> -> memref<64x128xf32, #tpu.memory_space<vmem>>
        %dma_wait3A_178 = arith.constant 0 : i32
        %dma_wait3A_179 = tpu.memref_slice %arg6[%add3A_174, %dma_wait3A_178] : memref<128x128xi32, #tpu.memory_space<vmem>> -> memref<1x64xi32, #tpu.memory_space<vmem>>
        %dma_wait3A_180 = tpu.memref_squeeze %dma_wait3A_179 : memref<1x64xi32, #tpu.memory_space<vmem>> -> memref<64xi32, #tpu.memory_space<vmem>>
        %dma_wait3A_181 = arith.constant 0 : i32
        %dma_wait3A_182 = arith.constant 0 : i32
        %dma_wait3A_183 = tpu.memref_slice %arg2[%dma_wait3A_181, %dma_wait3A_182] : memref<10000x128xf32, #tpu.memory_space<hbm>> -> memref<10000x128xf32, #tpu.memory_space<hbm>>
        tpu.wait_indirect_dma semaphore(%arg12 : memref<!tpu.dma_semaphore, #tpu.memory_space<semaphore_mem>>) src(%dma_wait3A_183 : memref<10000x128xf32, #tpu.memory_space<hbm>>) dst(%dma_wait3A_177 : memref<64x128xf32, #tpu.memory_space<vmem>>)
        %dma_wait3A_184 = arith.constant 64 : i32
        %dma_wait3A_185 = arith.constant 0 : i32
        %dma_wait3A_186 = tpu.memref_slice %arg9[%dma_wait3A_184, %dma_wait3A_185] : memref<128x128xf32, #tpu.memory_space<vmem>> -> memref<64x128xf32, #tpu.memory_space<vmem>>
        %dma_wait3A_187 = arith.constant 64 : i32
        %dma_wait3A_188 = tpu.memref_slice %arg6[%add3A_174, %dma_wait3A_187] : memref<128x128xi32, #tpu.memory_space<vmem>> -> memref<1x64xi32, #tpu.memory_space<vmem>>
        %dma_wait3A_189 = tpu.memref_squeeze %dma_wait3A_188 : memref<1x64xi32, #tpu.memory_space<vmem>> -> memref<64xi32, #tpu.memory_space<vmem>>
        %dma_wait3A_190 = arith.constant 0 : i32
        %dma_wait3A_191 = arith.constant 0 : i32
        %dma_wait3A_192 = tpu.memref_slice %arg2[%dma_wait3A_190, %dma_wait3A_191] : memref<10000x128xf32, #tpu.memory_space<hbm>> -> memref<10000x128xf32, #tpu.memory_space<hbm>>
        tpu.wait_indirect_dma semaphore(%arg12 : memref<!tpu.dma_semaphore, #tpu.memory_space<semaphore_mem>>) src(%dma_wait3A_192 : memref<10000x128xf32, #tpu.memory_space<hbm>>) dst(%dma_wait3A_186 : memref<64x128xf32, #tpu.memory_space<vmem>>)
        %run_scoped3A_193 = arith.constant 1 : i32
        "tpu.region"() ({
          %run_scoped3A_194 = tpu.sem_alloc : memref<!tpu.dma_semaphore, #tpu.memory_space<semaphore_mem>>
          %dma_start3A_195 = arith.constant 0 : i32
          %dma_start3A_196 = tpu.memref_slice %arg7[%run_scoped3A_193, %dma_start3A_195] : memref<2x128xi32, #tpu.memory_space<vmem>> -> memref<1x128xi32, #tpu.memory_space<vmem>>
          %dma_start3A_197 = tpu.memref_squeeze %dma_start3A_196 : memref<1x128xi32, #tpu.memory_space<vmem>> -> memref<128xi32, #tpu.memory_space<vmem>>
          %dma_start3A_198 = arith.constant 0 : i32
          %dma_start3A_199 = arith.constant 0 : i32
          %dma_start3A_200 = tpu.memref_slice %arg10[%dma_start3A_198, %dma_start3A_199] : memref<10112x128xf32, #tpu.memory_space<vmem_shared>> -> memref<10112x128xf32, #tpu.memory_space<vmem_shared>>
          tpu.enqueue_indirect_dma source(%arg9 : memref<128x128xf32, #tpu.memory_space<vmem>>) target(%dma_start3A_200 : memref<10112x128xf32, #tpu.memory_space<vmem_shared>>) offsets(%dma_start3A_197 : memref<128xi32, #tpu.memory_space<vmem>>) semaphore(%run_scoped3A_194 : memref<!tpu.dma_semaphore, #tpu.memory_space<semaphore_mem>>) {add = true}
          %dma_wait3A_201 = arith.constant 0 : i32
          %dma_wait3A_202 = tpu.memref_slice %arg7[%run_scoped3A_193, %dma_wait3A_201] : memref<2x128xi32, #tpu.memory_space<vmem>> -> memref<1x128xi32, #tpu.memory_space<vmem>>
          %dma_wait3A_203 = tpu.memref_squeeze %dma_wait3A_202 : memref<1x128xi32, #tpu.memory_space<vmem>> -> memref<128xi32, #tpu.memory_space<vmem>>
          %dma_wait3A_204 = arith.constant 0 : i32
          %dma_wait3A_205 = arith.constant 0 : i32
          %dma_wait3A_206 = tpu.memref_slice %arg10[%dma_wait3A_204, %dma_wait3A_205] : memref<10112x128xf32, #tpu.memory_space<vmem_shared>> -> memref<10112x128xf32, #tpu.memory_space<vmem_shared>>
          tpu.wait_indirect_dma semaphore(%run_scoped3A_194 : memref<!tpu.dma_semaphore, #tpu.memory_space<semaphore_mem>>) src(%arg9 : memref<128x128xf32, #tpu.memory_space<vmem>>) dst(%dma_wait3A_206 : memref<10112x128xf32, #tpu.memory_space<vmem_shared>>)
          tpu.yield
        }) : () -> ()
      }
      %scan3A_81 = arith.constant 16 : i32
    } else {
    }
    %barrier3A_30 = arith.constant 0 : index
    tpu.barrier barrier_id(%barrier3A_30)
    %lt3A = arith.constant 15 : i32
    %lt3A_31 = arith.cmpi slt, %arg1, %lt3A : i32
    %convert_element_type3A_32 = arith.extui %lt3A_31 : i1 to i32
    %cond3A_33 = arith.constant 0 : i32
    %cond3A_34 = arith.cmpi ne, %convert_element_type3A_32, %cond3A_33 : i32
    scf.if %cond3A_34 {
      %mul3A_40 = arith.constant 632 : i32
      %mul3A_41 = arith.muli %arg1, %mul3A_40 : i32
      %mul3A_42 = arith.constant 632 : i32
      %mul3A_43 = arith.muli %arg1, %mul3A_42 : i32
      "tpu.region"() ({
        %run_scoped3A = tpu.sem_alloc : memref<!tpu.dma_semaphore, #tpu.memory_space<semaphore_mem>>
        %dma_start3A = arith.constant 0 : i32
        %dma_start3A_44 = tpu.memref_slice %arg5[%arg0, %mul3A_43, %dma_start3A] : memref<2x10000x128xf32, #tpu.memory_space<hbm>> -> memref<1x632x128xf32, #tpu.memory_space<hbm>>
        %dma_start3A_45 = tpu.memref_squeeze %dma_start3A_44 : memref<1x632x128xf32, #tpu.memory_space<hbm>> -> memref<632x128xf32, #tpu.memory_space<hbm>>
        %dma_start3A_46 = arith.constant 0 : i32
        %dma_start3A_47 = tpu.memref_slice %arg10[%mul3A_41, %dma_start3A_46] : memref<10112x128xf32, #tpu.memory_space<vmem_shared>> -> memref<632x128xf32, #tpu.memory_space<vmem_shared>>
        tpu.enqueue_dma source(%dma_start3A_47 : memref<632x128xf32, #tpu.memory_space<vmem_shared>>) target(%dma_start3A_45 : memref<632x128xf32, #tpu.memory_space<hbm>>) target_semaphore(%run_scoped3A : memref<!tpu.dma_semaphore, #tpu.memory_space<semaphore_mem>>)
        %dma_wait3A = arith.constant 0 : i32
        %dma_wait3A_48 = tpu.memref_slice %arg5[%arg0, %mul3A_43, %dma_wait3A] : memref<2x10000x128xf32, #tpu.memory_space<hbm>> -> memref<1x632x128xf32, #tpu.memory_space<hbm>>
        %dma_wait3A_49 = tpu.memref_squeeze %dma_wait3A_48 : memref<1x632x128xf32, #tpu.memory_space<hbm>> -> memref<632x128xf32, #tpu.memory_space<hbm>>
        %dma_wait3A_50 = arith.constant 0 : i32
        %dma_wait3A_51 = tpu.memref_slice %arg10[%mul3A_41, %dma_wait3A_50] : memref<10112x128xf32, #tpu.memory_space<vmem_shared>> -> memref<632x128xf32, #tpu.memory_space<vmem_shared>>
        tpu.wait_dma2 semaphore(%run_scoped3A : memref<!tpu.dma_semaphore, #tpu.memory_space<semaphore_mem>>) src(%dma_wait3A_51 : memref<632x128xf32, #tpu.memory_space<vmem_shared>>) dst(%dma_wait3A_49 : memref<632x128xf32, #tpu.memory_space<hbm>>)
        tpu.yield
      }) : () -> ()
    } else {
    }
    %eq3A_35 = arith.constant 15 : i32
    %eq3A_36 = arith.cmpi eq, %arg1, %eq3A_35 : i32
    %convert_element_type3A_37 = arith.extui %eq3A_36 : i1 to i32
    %cond3A_38 = arith.constant 0 : i32
    %cond3A_39 = arith.cmpi ne, %convert_element_type3A_37, %cond3A_38 : i32
    scf.if %cond3A_39 {
      %mul3A_40 = arith.constant 632 : i32
      %mul3A_41 = arith.muli %arg1, %mul3A_40 : i32
      %mul3A_42 = arith.constant 632 : i32
      %mul3A_43 = arith.muli %arg1, %mul3A_42 : i32
      "tpu.region"() ({
        %run_scoped3A = tpu.sem_alloc : memref<!tpu.dma_semaphore, #tpu.memory_space<semaphore_mem>>
        %dma_start3A = arith.constant 0 : i32
        %dma_start3A_44 = tpu.memref_slice %arg5[%arg0, %mul3A_43, %dma_start3A] : memref<2x10000x128xf32, #tpu.memory_space<hbm>> -> memref<1x520x128xf32, #tpu.memory_space<hbm>>
        %dma_start3A_45 = tpu.memref_squeeze %dma_start3A_44 : memref<1x520x128xf32, #tpu.memory_space<hbm>> -> memref<520x128xf32, #tpu.memory_space<hbm>>
        %dma_start3A_46 = arith.constant 0 : i32
        %dma_start3A_47 = tpu.memref_slice %arg10[%mul3A_41, %dma_start3A_46] : memref<10112x128xf32, #tpu.memory_space<vmem_shared>> -> memref<520x128xf32, #tpu.memory_space<vmem_shared>>
        tpu.enqueue_dma source(%dma_start3A_47 : memref<520x128xf32, #tpu.memory_space<vmem_shared>>) target(%dma_start3A_45 : memref<520x128xf32, #tpu.memory_space<hbm>>) target_semaphore(%run_scoped3A : memref<!tpu.dma_semaphore, #tpu.memory_space<semaphore_mem>>)
        %dma_wait3A = arith.constant 0 : i32
        %dma_wait3A_48 = tpu.memref_slice %arg5[%arg0, %mul3A_43, %dma_wait3A] : memref<2x10000x128xf32, #tpu.memory_space<hbm>> -> memref<1x520x128xf32, #tpu.memory_space<hbm>>
        %dma_wait3A_49 = tpu.memref_squeeze %dma_wait3A_48 : memref<1x520x128xf32, #tpu.memory_space<hbm>> -> memref<520x128xf32, #tpu.memory_space<hbm>>
        %dma_wait3A_50 = arith.constant 0 : i32
        %dma_wait3A_51 = tpu.memref_slice %arg10[%mul3A_41, %dma_wait3A_50] : memref<10112x128xf32, #tpu.memory_space<vmem_shared>> -> memref<520x128xf32, #tpu.memory_space<vmem_shared>>
        tpu.wait_dma2 semaphore(%run_scoped3A : memref<!tpu.dma_semaphore, #tpu.memory_space<semaphore_mem>>) src(%dma_wait3A_51 : memref<520x128xf32, #tpu.memory_space<vmem_shared>>) dst(%dma_wait3A_49 : memref<520x128xf32, #tpu.memory_space<hbm>>)
        tpu.yield
      }) : () -> ()
    } else {
    }
    return
  }
}

module attributes {stable_mosaic.version = 14 : i64} {
  func.func @_tc2_body(%arg0: memref<2x10000x128xf32, #tpu.memory_space<vmem>>, %arg1: memref<10000x128xf32, #tpu.memory_space<vmem>>, %arg2: memref<10000x1xf32, #tpu.memory_space<vmem>>, %arg3: memref<1x128xf32, #tpu.memory_space<vmem>>, %arg4: memref<128x128xf32, #tpu.memory_space<vmem>>, %arg5: memref<10000x128xf32, #tpu.memory_space<vmem>>) attributes {dimension_semantics = [], scalar_prefetch = 0 : i64, scratch_operands = 0 : i64, tpu.core_type = #tpu.core_type<tc>} {
    %get3A = arith.constant 0 : index
    %get3A_0 = arith.constant 0 : index
    %get3A_1 = vector.load %arg2[%get3A, %get3A_0] : memref<10000x1xf32, #tpu.memory_space<vmem>>, vector<10000x1xf32>
    %get3A_2 = arith.constant 0 : index
    %get3A_3 = arith.constant 0 : index
    %get3A_4 = arith.constant 0 : index
    %get3A_5 = vector.load %arg0[%get3A_2, %get3A_3, %get3A_4] : memref<2x10000x128xf32, #tpu.memory_space<vmem>>, vector<1x10000x128xf32>
    %get3A_6 = vector.shape_cast %get3A_5 : vector<1x10000x128xf32> to vector<10000x128xf32>
    %get3A_7 = arith.constant 1 : index
    %get3A_8 = arith.constant 0 : index
    %get3A_9 = arith.constant 0 : index
    %get3A_10 = vector.load %arg0[%get3A_7, %get3A_8, %get3A_9] : memref<2x10000x128xf32, #tpu.memory_space<vmem>>, vector<1x10000x128xf32>
    %get3A_11 = vector.shape_cast %get3A_10 : vector<1x10000x128xf32> to vector<10000x128xf32>
    %add3A = arith.addf %get3A_6, %get3A_11 : vector<10000x128xf32>
    %get3A_12 = arith.constant 0 : index
    %get3A_13 = arith.constant 0 : index
    %get3A_14 = vector.load %arg1[%get3A_12, %get3A_13] : memref<10000x128xf32, #tpu.memory_space<vmem>>, vector<10000x128xf32>
    %add3A_15 = arith.addf %add3A, %get3A_14 : vector<10000x128xf32>
    %mul3A = vector.broadcast %get3A_1 : vector<10000x1xf32> to vector<10000x128xf32>
    %mul3A_16 = arith.mulf %add3A_15, %mul3A : vector<10000x128xf32>
    %get3A_17 = arith.constant 0 : index
    %get3A_18 = arith.constant 0 : index
    %get3A_19 = vector.load %arg3[%get3A_17, %get3A_18] : memref<1x128xf32, #tpu.memory_space<vmem>>, vector<1x128xf32>
    %add3A_20 = vector.broadcast %get3A_19 : vector<1x128xf32> to vector<10000x128xf32>
    %add3A_21 = arith.addf %mul3A_16, %add3A_20 : vector<10000x128xf32>
    %max3A = arith.constant 0.000000e+00 : f32
    %max3A_22 = vector.broadcast %max3A : f32 to vector<10000x128xf32>
    %max3A_23 = arith.maximumf %add3A_21, %max3A_22 : vector<10000x128xf32>
    %get3A_24 = arith.constant 0 : index
    %get3A_25 = arith.constant 0 : index
    %get3A_26 = vector.load %arg4[%get3A_24, %get3A_25] : memref<128x128xf32, #tpu.memory_space<vmem>>, vector<128x128xf32>
    %dot_general3A = arith.constant dense<0.000000e+00> : vector<10000x128xf32>
    %dot_general3A_27 = tpu.matmul %max3A_23, %get3A_26, %dot_general3A {dimension_numbers = #tpu.dot_dimension_numbers<[1], [0], [0], [1], [0, 0, 1, 1], [], []>, transpose_lhs_hint = false} : vector<10000x128xf32>, vector<128x128xf32>, vector<10000x128xf32> -> vector<10000x128xf32>
    %mul3A_28 = vector.broadcast %get3A_1 : vector<10000x1xf32> to vector<10000x128xf32>
    %mul3A_29 = arith.mulf %dot_general3A_27, %mul3A_28 : vector<10000x128xf32>
    %swap3A = arith.constant 0 : index
    %swap3A_30 = arith.constant 0 : index
    %swap3A_31 = vector.load %arg5[%swap3A, %swap3A_30] : memref<10000x128xf32, #tpu.memory_space<vmem>>, vector<10000x128xf32>
    tpu.vector_store %arg5[%swap3A, %swap3A_30], %mul3A_29 {strides = array<i32>} : memref<10000x128xf32, #tpu.memory_space<vmem>>, vector<10000x128xf32>,
    return
  }
}

module attributes {stable_mosaic.version = 14 : i64} {
  func.func @_tc1_body(%arg0: memref<10000x128xf32, #tpu.memory_space<vmem>>, %arg1: memref<128x128xf32, #tpu.memory_space<vmem>>, %arg2: memref<32x10112xf32, #tpu.memory_space<vmem>>, %arg3: memref<10000x128xf32, #tpu.memory_space<vmem>>, %arg4: memref<10000x1xf32, #tpu.memory_space<vmem>>) attributes {dimension_semantics = [], scalar_prefetch = 0 : i64, scratch_operands = 0 : i64, tpu.core_type = #tpu.core_type<tc>} {
    %get3A = arith.constant 0 : index
    %get3A_0 = arith.constant 0 : index
    %get3A_1 = vector.load %arg2[%get3A, %get3A_0] : memref<32x10112xf32, #tpu.memory_space<vmem>>, vector<32x10112xf32>
    %reduce_sum3A = arith.constant dense<0.000000e+00> : vector<10112xf32>
    %reduce_sum3A_2 = vector.multi_reduction <add>, %get3A_1, %reduce_sum3A [0] : vector<32x10112xf32> to vector<10112xf32>
    %slice3A = vector.extract_strided_slice %reduce_sum3A_2 {offsets = [0], sizes = [10000], strides = [1]} : vector<10112xf32> to vector<10000xf32>
    %add3A = arith.constant 1.000000e+00 : f32
    %add3A_3 = vector.broadcast %add3A : f32 to vector<10000xf32>
    %add3A_4 = arith.addf %slice3A, %add3A_3 : vector<10000xf32>
    %rsqrt3A = math.rsqrt %add3A_4 : vector<10000xf32>
    %broadcast_in_dim3A = vector.shape_cast %rsqrt3A : vector<10000xf32> to vector<10000x1xf32>
    %swap3A = arith.constant 0 : index
    %swap3A_5 = arith.constant 0 : index
    %swap3A_6 = vector.load %arg4[%swap3A, %swap3A_5] : memref<10000x1xf32, #tpu.memory_space<vmem>>, vector<10000x1xf32>
    tpu.vector_store %arg4[%swap3A, %swap3A_5], %broadcast_in_dim3A {strides = array<i32>} : memref<10000x1xf32, #tpu.memory_space<vmem>>, vector<10000x1xf32>,
    %get3A_7 = arith.constant 0 : index
    %get3A_8 = arith.constant 0 : index
    %get3A_9 = vector.load %arg0[%get3A_7, %get3A_8] : memref<10000x128xf32, #tpu.memory_space<vmem>>, vector<10000x128xf32>
    %get3A_10 = arith.constant 0 : index
    %get3A_11 = arith.constant 0 : index
    %get3A_12 = vector.load %arg1[%get3A_10, %get3A_11] : memref<128x128xf32, #tpu.memory_space<vmem>>, vector<128x128xf32>
    %dot_general3A = arith.constant dense<0.000000e+00> : vector<10000x128xf32>
    %dot_general3A_13 = tpu.matmul %get3A_9, %get3A_12, %dot_general3A {dimension_numbers = #tpu.dot_dimension_numbers<[1], [0], [0], [1], [0, 0, 1, 1], [], []>, transpose_lhs_hint = false} : vector<10000x128xf32>, vector<128x128xf32>, vector<10000x128xf32> -> vector<10000x128xf32>
    %mul3A = vector.broadcast %broadcast_in_dim3A : vector<10000x1xf32> to vector<10000x128xf32>
    %mul3A_14 = arith.mulf %dot_general3A_13, %mul3A : vector<10000x128xf32>
    %swap3A_15 = arith.constant 0 : index
    %swap3A_16 = arith.constant 0 : index
    %swap3A_17 = vector.load %arg3[%swap3A_15, %swap3A_16] : memref<10000x128xf32, #tpu.memory_space<vmem>>, vector<10000x128xf32>
    tpu.vector_store %arg3[%swap3A_15, %swap3A_16], %mul3A_14 {strides = array<i32>} : memref<10000x128xf32, #tpu.memory_space<vmem>>, vector<10000x128xf32>,
    return
  }
}

module attributes {stable_mosaic.version = 14 : i64} {
  func.func @_tc3_body(%arg0: memref<2x10000x128xf32, #tpu.memory_space<vmem>>, %arg1: memref<10000x128xf32, #tpu.memory_space<vmem>>, %arg2: memref<10000x1xf32, #tpu.memory_space<vmem>>, %arg3: memref<1x128xf32, #tpu.memory_space<vmem>>, %arg4: memref<10000x128xf32, #tpu.memory_space<vmem>>) attributes {dimension_semantics = [], scalar_prefetch = 0 : i64, scratch_operands = 0 : i64, tpu.core_type = #tpu.core_type<tc>} {
    %get3A = arith.constant 0 : index
    %get3A_0 = arith.constant 0 : index
    %get3A_1 = vector.load %arg2[%get3A, %get3A_0] : memref<10000x1xf32, #tpu.memory_space<vmem>>, vector<10000x1xf32>
    %get3A_2 = arith.constant 0 : index
    %get3A_3 = arith.constant 0 : index
    %get3A_4 = arith.constant 0 : index
    %get3A_5 = vector.load %arg0[%get3A_2, %get3A_3, %get3A_4] : memref<2x10000x128xf32, #tpu.memory_space<vmem>>, vector<1x10000x128xf32>
    %get3A_6 = vector.shape_cast %get3A_5 : vector<1x10000x128xf32> to vector<10000x128xf32>
    %get3A_7 = arith.constant 1 : index
    %get3A_8 = arith.constant 0 : index
    %get3A_9 = arith.constant 0 : index
    %get3A_10 = vector.load %arg0[%get3A_7, %get3A_8, %get3A_9] : memref<2x10000x128xf32, #tpu.memory_space<vmem>>, vector<1x10000x128xf32>
    %get3A_11 = vector.shape_cast %get3A_10 : vector<1x10000x128xf32> to vector<10000x128xf32>
    %add3A = arith.addf %get3A_6, %get3A_11 : vector<10000x128xf32>
    %get3A_12 = arith.constant 0 : index
    %get3A_13 = arith.constant 0 : index
    %get3A_14 = vector.load %arg1[%get3A_12, %get3A_13] : memref<10000x128xf32, #tpu.memory_space<vmem>>, vector<10000x128xf32>
    %add3A_15 = arith.addf %add3A, %get3A_14 : vector<10000x128xf32>
    %mul3A = vector.broadcast %get3A_1 : vector<10000x1xf32> to vector<10000x128xf32>
    %mul3A_16 = arith.mulf %add3A_15, %mul3A : vector<10000x128xf32>
    %get3A_17 = arith.constant 0 : index
    %get3A_18 = arith.constant 0 : index
    %get3A_19 = vector.load %arg3[%get3A_17, %get3A_18] : memref<1x128xf32, #tpu.memory_space<vmem>>, vector<1x128xf32>
    %add3A_20 = vector.broadcast %get3A_19 : vector<1x128xf32> to vector<10000x128xf32>
    %add3A_21 = arith.addf %mul3A_16, %add3A_20 : vector<10000x128xf32>
    %swap3A = arith.constant 0 : index
    %swap3A_22 = arith.constant 0 : index
    %swap3A_23 = vector.load %arg4[%swap3A, %swap3A_22] : memref<10000x128xf32, #tpu.memory_space<vmem>>, vector<10000x128xf32>
    tpu.vector_store %arg4[%swap3A, %swap3A_22], %add3A_21 {strides = array<i32>} : memref<10000x128xf32, #tpu.memory_space<vmem>>, vector<10000x128xf32>,
    return
  }
}

</mosaic_0001>

<sc_bundles>
// kernel: kernel.11.cloned.1.call-start
scs
__scs_entry_jumppad:
0x0: {  	(pc) =	sbr.rel $0x88, $3  }
0x1: {  	(tag) =	ssettag $0x0;
	lr =	simm.s32 $0x1  }
0x2: {  	[smem:$0x3F9B] =	sst lr;
	_ =	strace $0xD0000000  }
0x3: {  	_ = 	snop  }
0x4: {  	_ = 	snop  }
0x5: {  	_ = 	snop  }
0x6: {  	_ = 	snop  }
0x7: {  	_ = 	snop  }
__scs_overlays_trampoline_lowered:
0x8: {  	[smem:$0x3FAA] =	sst s0  }
0x9: {  	[smem:$0x3FAB] =	sst s1  }
0xa: {  	[smem:$0x3FAC] =	sst s2  }
0xb: {  	[smem:$0x3FAD] =	sst s3  }
0xc: {  	[smem:$0x3FAE] =	sst s4  }
0xd: {  	[smem:$0x3FAF] =	sst s5  }
0xe: {  	[smem:$0x3FB0] =	sst s6  }
0xf: {  	[smem:$0x3FB1] =	sst s7  }
0x10: {  	[smem:$0x3FB2] =	sst s8  }
0x11: {  	[smem:$0x3FB3] =	sst s9;
	s0 =	simm.s32 @!p0 $0x0  }
0x12: {  	s1 =	sld [smem:$0x3F99];
	s0 =	simm.s32 @p0 $0x1  }
0x13: {  	[smem:$0x3FB4] =	sst s0;
	s0 =	simm.s32 @!p1 $0x0  }
0x14: {  	s2 =	sld [smem:$0x3F98];
	s0 =	simm.s32 @p1 $0x1  }
0x15: {  	[smem:$0x3FB5] =	sst s0;
	s0 =	simm.s32 @!p2 $0x0  }
0x16: {  	s3 =	sld [smem:$0x3FDB];
	s0 =	simm.s32 @p2 $0x1  }
0x17: {  	s4 =	simm.s32 $0x1BF5;
	[smem:$0x3FB7] =	sst s0  }
0x18: {  	s0 =	sld [smem:$0x3F9A];
	_ =	swait.ge [sflag:s4], $0x0  }
0x19: {  	s7 =	sld [smem:$0x3F9B]  }
0x1a: {  	s8 =	sadd.s32 $0xFFFFE003, lr  }
0x1b: {  	s9 =	sadd.s32 $0xFFFFFEF7, lr;
	s5 =	simm.s32 $0xFFFFFFFF;
	p2 =	slt.u32 s8, $0xFFFFF086  }
0x1c: {  	p1 =	slt.u32 s9, $0xF7A;
	s5 =	simm.s32 @!p2 $0x0  }
0x1d: {  	s5 =	simm.s32 @p1 $0x1;
	p0 =	seq.s32 s7, s2  }
0x1e: {  	s7 =	smul.u32 @!p0 $0xF7A, s2;
	p2 =	seq.s32 @!p0 s5, $0x0  }
0x1f: {  	s9 =	smul.u32 $0xF7A, s1;
	s8 =	simm.s32 @!p0 $0x1BF5;
	p2 =	por !p2, p0  }
0x20: {  	[sflag:s8] =	ssyncset.s32 @!p0 $0xFFFFF086;
	s6 =	sadd.s32 @!p0 s3, s7;
	s7 =	simm.s32 @!p0 $0x108  }
0x21: {  	s3 =	sadd.s32 s3, s9;
	s6 =	sadd.s32 @!p0 $0x88, s6;
	s7 =	simm.s32 @p2 $0x1082  }
0x22: {  	[simem:s7], [sflag:s8] =	dma.local @!p0 [hbm:s6], $0xF7A  }
0x23: {  	s9 =	sor.u32 $0xD0000000, s2;
	s6 =	simm.s32 $0x108;
	_ =	swait.ge @!p0 [sflag:s8], $0x0  }
0x24: {  	s3 =	sadd.s32 $0x88, s3;
	s6 =	simm.s32 @!p1 $0x1082;
	[sflag:s4] =	ssyncset.s32 $0xFFFFF086  }
0x25: {  	[simem:s6], [sflag:s4] =	dma.local [hbm:s3], $0xF7A  }
0x26: {  	[smem:$0x3F9B] =	sst s1;
	(tag) =	ssettag s2;
	_ =	strace s9  }
0x27: {  	s1 =	sld [smem:$0x3FAB]  }
0x28: {  	s2 =	sld [smem:$0x3FAC]  }
0x29: {  	s4 =	sld [smem:$0x3FAE]  }
0x2a: {  	p0 =	seq.s32 s5, $0x0;
	s5 =	sld [smem:$0x3FAF]  }
0x2b: {  	s6 =	sld [smem:$0x3FB0]  }
0x2c: {  	s7 =	sld [smem:$0x3FB1]  }
0x2d: {  	s3 =	simm.s32 $0x108;
	s8 =	sld [smem:$0x3FB2]  }
0x2e: {  	s3 =	simm.s32 @!p0 $0x1082;
	s9 =	sld [smem:$0x3FB3]  }
0x2f: {  	lr =	sadd.s32 s0, s3;
	s0 =	sld [smem:$0x3FAA]  }
0x30: {  	s3 =	sld [smem:$0x3FAD]  }
0x31: {  	[smem:$0x3FB6] =	sst s10  }
0x32: {  	s10 =	sld [smem:$0x3FB4];
	_ =	sdelay $0x3  }
0x33: {  	p0 =	seq.s32 s10, $0x1;
	s10 =	sld [smem:$0x3FB6];
	_ =	sdelay $0x3  }
0x34: {  	[smem:$0x3FB6] =	sst s10  }
0x35: {  	s10 =	sld [smem:$0x3FB5];
	_ =	sdelay $0x3  }
0x36: {  	p1 =	seq.s32 s10, $0x1;
	s10 =	sld [smem:$0x3FB6];
	_ =	sdelay $0x3  }
0x37: {  	[smem:$0x3FB6] =	sst s10  }
0x38: {  	s10 =	sld [smem:$0x3FB7]  }
0x39: {  	_ = 	snop;
	(pc) =	sbr.ind lr, $3  }
0x3a: {  	_ = 	snop  }
0x3b: {  	_ = 	snop  }
0x3c: {  	p2 =	seq.s32 s10, $0x1;
	s10 =	sld [smem:$0x3FB6]  }
0x3d: {  	_ =	shalt  }
0x3e: {  	_ =	shalt  }
0x3f: {  	_ =	shalt  }
0x40: {  	_ =	shalt  }
0x41: {  	_ =	shalt  }
0x42: {  	_ =	shalt  }
0x43: {  	_ =	shalt  }
0x44: {  	_ =	shalt  }
0x45: {  	_ =	shalt  }
0x46: {  	_ =	shalt  }
0x47: {  	_ =	shalt  }
0x48: {  	_ =	shalt  }
0x49: {  	_ =	shalt  }
0x4a: {  	_ =	shalt  }
0x4b: {  	_ =	shalt  }
0x4c: {  	_ =	shalt  }
0x4d: {  	_ =	shalt  }
0x4e: {  	_ =	shalt  }
0x4f: {  	_ =	shalt  }
0x50: {  	_ =	shalt  }
0x51: {  	_ =	shalt  }
0x52: {  	_ =	shalt  }
0x53: {  	_ =	shalt  }
0x54: {  	_ =	shalt  }
0x55: {  	_ =	shalt  }
0x56: {  	_ =	shalt  }
0x57: {  	_ =	shalt  }
0x58: {  	_ =	shalt  }
0x59: {  	_ =	shalt  }
0x5a: {  	_ =	shalt  }
0x5b: {  	_ =	shalt  }
0x5c: {  	_ =	shalt  }
0x5d: {  	_ =	shalt  }
0x5e: {  	_ =	shalt  }
0x5f: {  	_ =	shalt  }
0x60: {  	_ =	shalt  }
0x61: {  	_ =	shalt  }
0x62: {  	_ =	shalt  }
0x63: {  	_ =	shalt  }
0x64: {  	_ =	shalt  }
0x65: {  	_ =	shalt  }
0x66: {  	_ =	shalt  }
0x67: {  	_ =	shalt  }
0x68: {  	_ =	shalt  }
0x69: {  	_ =	shalt  }
0x6a: {  	_ =	shalt  }
0x6b: {  	_ =	shalt  }
0x6c: {  	_ =	shalt  }
0x6d: {  	_ =	shalt  }
0x6e: {  	_ =	shalt  }
0x6f: {  	_ =	shalt  }
0x70: {  	_ =	shalt  }
0x71: {  	_ =	shalt  }
0x72: {  	_ =	shalt  }
0x73: {  	_ =	shalt  }
0x74: {  	_ =	shalt  }
0x75: {  	_ =	shalt  }
0x76: {  	_ =	shalt  }
0x77: {  	_ =	shalt  }
0x78: {  	_ =	shalt  }
0x79: {  	_ =	shalt  }
0x7a: {  	_ =	shalt  }
0x7b: {  	_ =	shalt  }
0x7c: {  	_ =	shalt  }
0x7d: {  	_ =	shalt  }
0x7e: {  	_ =	shalt  }
0x7f: {  	_ =	shalt  }
0x80: {  	_ =	shalt  }
0x81: {  	_ =	shalt  }
0x82: {  	_ =	shalt  }
0x83: {  	_ =	shalt  }
0x84: {  	_ =	shalt  }
0x85: {  	_ =	shalt  }
0x86: {  	_ =	shalt  }
0x87: {  	_ =	shalt  }
.Lfunc_end0:
.L_simem_size_0:
called_computation.1_lowered:
.L_overlay_start_0:
0x88: {  	s2 =	sld [smem:$0x3FD9]  }
0x89: {  	s3 =	sld [smem:$0x3FFE];
	_ =	sdelay $0x1  }
0x8a: {  	s1 =	srdreg.scid  }
0x8b: {  	s0 =	sand.u32 $0x1, s1  }
0x8c: {  	s17 =	sshll.u32 s0, $0xA;
	s2 =	sadd.s32 s3, s2  }
0x8d: {  	s2 =	sadd.s32 s2, s17  }
0x8e: {  	[smem:$0x3FC2] =	sst s2  }
0x8f: {  	_ = 	snop  }
0x90: {  	s2 =	sld [smem:$0x3FD0];
	(tm) =	ssettm $0x1  }
0x91: {  	s18 =	sld [smem:$0x3FFB];
	_ =	sdelay $0x3  }
0x92: {  	_ =	strace s18  }
0x93: {  	s3 =	sld [smem:$0x3FFC];
	_ =	sdelay $0x3  }
0x94: {  	_ =	strace s3  }
0x95: {  	s3 =	sld [smem:$0x3FFD];
	_ =	sdelay $0x3  }
0x96: {  	_ =	strace s3  }
0x97: {  	_ =	strace $0x8FFFFFFF  }
0x98: {  	s19 =	sld [smem:$0x3FDB];
	_ =	sdelay $0x1  }
0x99: {  	s4 =	simm.s32 $_scs_section_size  }
0x9a: {  	s5 =	simm.s32 $_size__tile_overlayer_lowered;
	s6 =	simm.s32 $_tile_overlayer_lowered  }
0x9b: {  	s22 =	simm.s32 $0x1BFF;
	s21 =	sshll.u32 s6, $0x1;
	s3 =	sadd.s32 s4, s19  }
0x9c: {  	s7 =	simm.s32 $0x0;
	s20 =	sshll.u32 s5, $0x1;
	s5 =	sadd.s32 s21, s3  }
0x9d: {  	[timem:s7], [sflag:s22] =	dma.local [hbm:s5], s20  }
0x9e: {  	_ =	swait.ge [sflag:s22], s20  }
0x9f: {  	s4 =	ssub.s32 $0x0, s20;
	[sflag:s22] =	ssyncset.done $0x0  }
0xa0: {  	[sflag:s22] =	ssyncadd.s32 s4;
	_ =	sdelay $0x1  }
0xa1: {  	s23 =	simm.s32 $0x1B8B  }
0xa2: {  	_ =	swait.ge [sflag:s23], $0x1  }
0xa3: {  	[sflag:s23] =	ssyncset.done $0x0  }
0xa4: {  	s25 =	simm.s32 $0x1B8E;
	s24 =	sld [smem:$0x3FFE];
	[sflag:s23] =	ssyncadd.s32 $0xFFFFFFFF  }
0xa5: {  	s26 =	simm.s32 $execute0_lowered;
	[smem:$0x3FD2] =	sst s25  }
0xa6: {  	s5 =	sshll.u32 s26, $0x1;
	_ =	strace $0x80000049;
	[dreg:$0x1] =	wrdreg $0xFFFFFFFF  }
0xa7: {  	s28 =	simm.s32 $_size_execute0_lowered;
	s3 =	sadd.s32 s3, s5;
	[dreg:$0x0] =	wrdreg $0x0  }
0xa8: {  	s5 =	sshll.u32 s28, $0x1;
	[dreg:$0x2] =	wrdreg s3  }
0xa9: {  	[dreg:$0x3] =	wrdreg s5  }
0xaa: {  	[dreg:$0x4] =	wrdreg $0xC0  }
0xab: {  	_ =	task [dreg:s7], $0x5FFFF  }
0xac: {  	[dreg:$0x1] =	wrdreg $0xFFFFFFFF  }
0xad: {  	[dreg:$0x0] =	wrdreg $0x60  }
0xae: {  	[dreg:$0x2] =	wrdreg s2  }
0xaf: {  	[dreg:$0x3] =	wrdreg s24  }
0xb0: {  	[dreg:$0x4] =	wrdreg $0xC1000  }
0xb1: {  	[dreg:$0x5] =	wrdreg $0x9  }
0xb2: {  	_ =	task.clear_ibuf [dreg:s7], $0x6FFFF;
	_ =	strace $0x90000049  }
0xb3: {  	s29 =	simm.s32 $0x9;
	_ =	strace $0x8000004B  }
0xb4: {  	_ =	swait.ge [sflag:s29], $0x1  }
0xb5: {  	[sflag:s29] =	ssyncadd.s32 $0xFFFFFFFF  }
0xb6: {  	_ =	strace $0x9000004B  }
0xb7: {  	_ =	sfence  }
0xb8: {  	s30 =	sld [smem:$0x0];
	_ =	sdelay $0x2  }
0xb9: {  	s31 =	sshll.u32 s1, $0xD;
	s1 =	sshrl.u32 s1, $0x2  }
0xba: {  	s3 =	sand.u32 $0x4000, s31;
	s1 =	sadd.s32 s1, s30  }
0xbb: {  	s0 =	sor.u32 s3, s0;
	s1 =	sshll.u32 s1, $0x11  }
0xbc: {  	s0 =	sor.u32 s1, s0  }
0xbd: {  	s0 =	sadd.s32 $0x8F2B, s0  }
0xbe: {  	[sflag:s0] =	ssyncadd.remote.s32 $0x1  }
0xbf: {  	_ =	sfence.sel $0xFFFF  }
0xc0: {  	[dreg:$0x0] =	wrdreg $0xFFFFFFFF;
	(pc) =	sbr.abs _section_cstart, $3  }
0xc1: {  	[dreg:$0x1] =	wrdreg $0xFFFFFFFF  }
0xc2: {  	_ =	task.clear_ibuf [dreg:s7], $0x2FFFF;
	_ =	strace $0x9FFFFFFF  }
0xc3: {  	(tm) =	ssettm $0x7FFFFFFF  }
tec
execute0_lowered:
.L_overlay_start_1:
0x0: {  	(tag) =	ssettag $0x1  }
0x1: {  	s1 =	rddreg [dreg:$0x0]  }
0x2: {  	s0 =	rddreg [dreg:$0x1]  }
0x3: {  	s3 =	rddreg [dreg:$0x2];
	s4 =	simm.s32 $0x0;
	s2 =	srdreg.scid  }
0x4: {  	s11 =	stileid.u32;
	s28 =	simm.s32 $0x4080;
	s29 =	simm.s32 $0x8100  }
0x5: {  	s30 =	simm.s32 $0xA100;
	s31 =	simm.s32 $0x3;
	[smem:$0x7FF] =	sst s4  }
0x6: {  	s2 =	sand.u32 $0x1, s2;
	s6 =	smul.u32 $0x4F000, s11;
	s7 =	sadd.s32 $0x2A00, s0  }
0x7: {  	s5 =	sadd.s32 $0xCA00, s0;
	s12 =	sadd.s32 $0x16A00, s0;
	s0 =	sadd.s32 $0xCA20, s0  }
0x8: {  	s19 =	smul.u32 $0x5000, s11;
	p1 =	seq.s32 s11, $0xF;
	_ =	strace $0x8000004A  }
0x9: {  	s8 =	ssub.s32 $0x2, s2;
	[dreg:$0x4] =	wrdreg s0;
	s6 =	sshrl.u32 s6, $0x2  }
0xa: {  	p0 =	seq.s32 s2, $0x0;
	s9 =	sshrl.u32 s8, $0x1;
	s6 =	sadd.s32 s6, s3  }
0xb: {  	s23 =	sshrl.u32 s19, $0x3;
	s8 =	ssub.s32 s8, s9;
	s26 =	sadd.s32 $0x4000, s6  }
0xc: {  	s9 =	smul.u32 $0xA00, s11;
	s10 =	sadd.s32 $0x8000, s6;
	[dreg:$0x6] =	wrdreg s26  }
0xd: {  	s24 =	sadd.s32 s5, s23;
	s13 =	sadd.s32 $0x10000, s6;
	[dreg:$0x7] =	wrdreg s10  }
0xe: {  	s23 =	simm.s32 $0x5;
	s10 =	sadd.s32 $0xC000, s6;
	[dreg:$0x9] =	wrdreg s13  }
0xf: {  	s13 =	smul.u32 $0x138800, s2;
	s14 =	sadd.s32 s7, s9;
	[dreg:$0x8] =	wrdreg s10  }
0x10: {  	s15 =	sadd.s32 s5, s9;
	s17 =	sadd.s32 $0x800, s9;
	[dreg:$0xa] =	wrdreg s14  }
0x11: {  	s26 =	sadd.s32 $0x4000, s19;
	s19 =	simm.s32 $0x0;
	[dreg:$0xb] =	wrdreg s15  }
0x12: {  	s14 =	smul.u32 $0x13C00, s11;
	s7 =	sadd.s32 s7, s17;
	[dreg:$0x5] =	wrdreg s26  }
0x13: {  	s0 =	sadd.s32 s5, s17;
	s25 =	sadd.s32 $0x7F0, s15;
	[dreg:$0xc] =	wrdreg s7  }
0x14: {  	s26 =	simm.s32 $0x6100;
	[dreg:$0xd] =	wrdreg s0;
	s21 =	sshrl.u32 s13, $0x3  }
0x15: {  	[dreg:$0xe] =	wrdreg s25;
	s0 =	sadd.s32 $0x9F0, s24;
	s24 =	simm.s32 $0x4000  }
.Ltmp0:
0x16: {  	s25 =	simm.s32 $0x40;
	s18 =	sadd.s32 s14, s13;
	(pc) =	sbr.rel .LBB2_1-.Ltmp0, $4  }
0x17: {  	s22 =	sadd.s32 s12, s21;
	[dreg:$0xf] =	wrdreg s0;
	s21 =	sadd.s32 $0x820, s15  }
0x18: {  	s0 =	simm.s32 $0x1;
	s14 =	simm.s32 $0x4;
	s15 =	simm.s32 $0x2  }
0x19: {  	s20 =	sshrl.u32 s18, $0x3;
	s17 =	sadd.s32 $0x25080, s22;
	s18 =	smax.u32 s8, $0x1  }
0x1a: {  	v0 =	vimm.f32 $0.0e+00;
	s22 =	simm.s32 $0x4100;
	s16 =	sadd.s32 s12, s20;
	s12 =	simm.s32 $0x80  }
.LBB2_6:
0x1b: {  	s13 =	simm.s32 $0x1  }
.LBB2_9:
0x1c: {  	[sflag:s15] =	ssyncadd.s32 @p2 $0xFFFFE000  }
0x1d: {  	[spmem:s3] =	stream.indirect.scatter.add.f32 @p2 [tilespmem:s29], [sflag:$0x5], $0x80, s28, s12, $0xb8;
	[tilespmem:$0x1FD00] =	vst v63  }
0x1e: {  	_ =	swait.ge @p2 [sflag:s23], $0x4000  }
0x1f: {  	s2 =	sshll.u32 s13, $0x8;
	[sflag:s23] =	ssyncset.done @p2 $0x0  }
0x20: {  	s7 =	sadd.s32 $0x10, s7;
	s2 =	sand.u32 $0x3FFFFF00, s2;
	[sflag:s23] =	ssyncadd.s32 @p2 $0xFFFFC000  }
0x21: {  	[tilespmem:s28], [sflag:$0x4] =	stream.linear.gather [hbm4b:s7+s4], $0x80, $0x38;
	[tilespmem:$0x1FD00] =	vst v63  }
0x22: {  	s8 =	sor.u32 $0x80, s2  }
0x23: {  	[tilespmem:s29], [sflag:$0x2] =	stream.indirect.gather [hbm4b:s1+s25], $0x80, s8, s25, $0xb8;
	[tilespmem:$0x1FD00] =	vst v63  }
0x24: {  	s10 =	sor.u32 $0xC0, s2  }
0x25: {  	[tilespmem:s30], [sflag:$0x2] =	stream.indirect.gather [hbm4b:s1+s25], $0x80, s10, s25, $0xb8;
	[tilespmem:$0x1FD00] =	vst v63  }
0x26: {  	_ =	swait.ge [sflag:s31], $0x80  }
0x27: {  	[sflag:s31] =	ssyncset.done $0x0  }
0x28: {  	[sflag:s31] =	ssyncadd.s32 $0xFFFFFF80  }
0x29: {  	_ =	swait.ge [sflag:s0], $0x2000  }
0x2a: {  	[sflag:s0] =	ssyncset.done $0x0  }
0x2b: {  	[sflag:s0] =	ssyncadd.s32 $0xFFFFE000  }
0x2c: {  	_ =	swait.ge [sflag:s0], $0x2000  }
0x2d: {  	[sflag:s0] =	ssyncset.done $0x0  }
0x2e: {  	[sflag:s0] =	ssyncadd.s32 $0xFFFFE000  }
0x2f: {  	[spmem:s3] =	stream.indirect.scatter.add.f32 [tilespmem:s22], [sflag:$0x5], $0x80, s24, s12, $0xb8;
	[tilespmem:$0x1FD00] =	vst v63  }
0x30: {  	_ =	swait.ge [sflag:s23], $0x4000  }
0x31: {  	s13 =	rddreg [dreg:$0x4];
	[sflag:s23] =	ssyncset.done $0x0  }
0x32: {  	[sflag:s23] =	ssyncadd.s32 $0xFFFFC000;
	s7 =	sadd.s32 s20, s13  }
0x33: {  	[tilespmem:s24], [sflag:$0x3] =	stream.linear.gather [hbm4b:s7+s4], $0x80, $0x38;
	[tilespmem:$0x1FD00] =	vst v63  }
0x34: {  	s20 =	sadd.s32 $0x100, s2  }
0x35: {  	[tilespmem:s22], [sflag:$0x1] =	stream.indirect.gather [hbm4b:s1+s25], $0x80, s20, s25, $0xb8;
	[tilespmem:$0x1FD00] =	vst v63  }
0x36: {  	s2 =	sadd.s32 $0x140, s2  }
0x37: {  	[tilespmem:s26], [sflag:$0x1] =	stream.indirect.gather [hbm4b:s1+s25], $0x80, s2, s25, $0xb8;
	[tilespmem:$0x1FD00] =	vst v63  }
0x38: {  	_ =	swait.ge [sflag:s14], $0x80  }
0x39: {  	[sflag:s14] =	ssyncset.done $0x0  }
0x3a: {  	[sflag:s14] =	ssyncadd.s32 $0xFFFFFF80  }
0x3b: {  	_ =	swait.ge [sflag:s15], $0x2000  }
0x3c: {  	[sflag:s15] =	ssyncset.done $0x0  }
0x3d: {  	[sflag:s15] =	ssyncadd.s32 $0xFFFFE000  }
0x3e: {  	_ =	swait.ge [sflag:s15], $0x2000  }
0x3f: {  	[sflag:s15] =	ssyncset.done $0x0  }
0x40: {  	[sflag:s15] =	ssyncadd.s32 $0xFFFFE000  }
0x41: {  	[spmem:s3] =	stream.indirect.scatter.add.f32 [tilespmem:s29], [sflag:$0x5], $0x80, s28, s12, $0xb8;
	[tilespmem:$0x1FD00] =	vst v63  }
0x42: {  	_ =	swait.ge [sflag:s23], $0x4000  }
0x43: {  	s7 =	simm.s32 $0x3F80;
	[sflag:s23] =	ssyncset.done $0x0  }
0x44: {  	s2 =	simm.s32 $0x3FC0;
	s8 =	rddreg [dreg:$0xe];
	[sflag:s23] =	ssyncadd.s32 $0xFFFFC000  }
.LBB2_13:
0x45: {  	[tilespmem:s28], [sflag:$0x4] =	stream.linear.gather [hbm4b:s8+s4], $0x80, $0x38;
	[tilespmem:$0x1FD00] =	vst v63  }
0x46: {  	_ = 	snop  }
0x47: {  	[tilespmem:s29], [sflag:$0x2] =	stream.indirect.gather [hbm4b:s1+s25], $0x80, s7, s25, $0xb8;
	[tilespmem:$0x1FD00] =	vst v63  }
0x48: {  	_ = 	snop  }
0x49: {  	[tilespmem:s30], [sflag:$0x2] =	stream.indirect.gather [hbm4b:s1+s25], $0x80, s2, s25, $0xb8;
	[tilespmem:$0x1FD00] =	vst v63  }
0x4a: {  	_ =	swait.ge [sflag:s31], $0x80  }
0x4b: {  	[sflag:s31] =	ssyncset.done $0x0  }
0x4c: {  	[sflag:s31] =	ssyncadd.s32 $0xFFFFFF80  }
0x4d: {  	_ =	swait.ge [sflag:s0], $0x2000  }
0x4e: {  	[sflag:s0] =	ssyncset.done $0x0  }
0x4f: {  	[sflag:s0] =	ssyncadd.s32 $0xFFFFE000  }
0x50: {  	_ =	swait.ge [sflag:s0], $0x2000  }
0x51: {  	[sflag:s0] =	ssyncset.done $0x0  }
0x52: {  	[sflag:s0] =	ssyncadd.s32 $0xFFFFE000  }
0x53: {  	[spmem:s3] =	stream.indirect.scatter.add.f32 [tilespmem:s22], [sflag:$0x5], $0x80, s24, s12, $0xb8;
	[tilespmem:$0x1FD00] =	vst v63  }
0x54: {  	_ =	swait.ge [sflag:s23], $0x4000  }
0x55: {  	[sflag:s23] =	ssyncset.done $0x0  }
0x56: {  	[sflag:s23] =	ssyncadd.s32 $0xFFFFC000  }
0x57: {  	_ =	swait.ge [sflag:s14], $0x80  }
0x58: {  	[sflag:s14] =	ssyncset.done $0x0  }
0x59: {  	[sflag:s14] =	ssyncadd.s32 $0xFFFFFF80  }
0x5a: {  	_ =	swait.ge [sflag:s15], $0x2000  }
0x5b: {  	[sflag:s15] =	ssyncset.done $0x0  }
0x5c: {  	[sflag:s15] =	ssyncadd.s32 $0xFFFFE000  }
0x5d: {  	_ =	swait.ge [sflag:s15], $0x2000  }
0x5e: {  	[sflag:s15] =	ssyncset.done $0x0  }
0x5f: {  	[sflag:s15] =	ssyncadd.s32 $0xFFFFE000  }
0x60: {  	[spmem:s3] =	stream.indirect.scatter.add.f32 [tilespmem:s29], [sflag:$0x5], $0x80, s28, s12, $0xb8;
	[tilespmem:$0x1FD00] =	vst v63  }
0x61: {  	_ =	swait.ge [sflag:s23], $0x4000  }
0x62: {  	[sflag:s23] =	ssyncset.done $0x0  }
0x63: {  	[sflag:s23] =	ssyncadd.s32 $0xFFFFC000  }
0x64: {  	s7 =	simm.s32 @p1 $0x1FC5;
	s2 =	sshrl.u32 @p1 s6, $0x3;
	[bflag:$0x0] =	sbarrier.arrive $0xFFFF  }
0x65: {  	[hbm:s17], [sflag:s7] =	dma.local @p1 [spmem:s2], $0x2080  }
0x66: {  	s2 =	simm.s32 @p1 $0x5  }
0x67: {  	s19 =	sadd.s32 $0x1, s19;
	_ =	swait.ge @p1 [sflag:s2], $0x2080  }
0x68: {  	p2 =	sne.s32 s19, s18;
	s7 =	sshll.u32 @!p1 s11, $0x6;
	[sflag:s2] =	ssyncset.done @p1 $0x0  }
0x69: {  	[sflag:s2] =	ssyncadd.s32 @p1 $0xFFFFDF80;
	s2 =	sor.u32 @!p1 $0x1C05, s7;
	s7 =	sshrl.u32 @!p1 s6, $0x3  }
0x6a: {  	[hbm:s16], [sflag:s2] =	dma.local @!p1 [spmem:s7], $0x2780  }
.Ltmp1:
0x6b: {  	_ = 	snop;
	(pc) =	sbr.rel @!p2 .LBB2_14-.Ltmp1, $4  }
0x6c: {  	s2 =	simm.s32 @!p1 $0x5  }
0x6d: {  	_ =	swait.ge @!p1 [sflag:s2], $0x2780  }
0x6e: {  	[sflag:s2] =	ssyncset.done @!p1 $0x0  }
0x6f: {  	[sflag:s2] =	ssyncadd.s32 @!p1 $0xFFFFD880  }
.LBB2_1:
0x70: {  	s2 =	sand.u32 $0xFE00, s4  }
0x71: {  	s7 =	sand.u32 $0x70, s4;
	s8 =	sshrl.u32 s2, $0x2  }
0x72: {  	s2 =	simm.s32 $0x40;
	s8 =	sor.u32 s7, s8;
	s7 =	simm.s32 $0x0  }
.LBB2_2:
0x73: {  	p2 =	sne.s32 s2, $0xFFC0  }
0x74: {  	[tilespmem:s8+$0x4100] =	vst v0;
	s7 =	sadd.s32 $0x10, s7;
	s8 =	smov.u32 s2;
	s2 =	sadd.s32 $0x40, s2  }
.Ltmp2:
0x75: {  	(pc) =	sbr.rel @p2 .LBB2_2-.Ltmp2, $4  }
0x76: {  	_ = 	snop  }
0x77: {  	s8 =	sand.u32 $0xFE00, s8  }
0x78: {  	s13 =	sand.u32 $0x70, s7;
	s8 =	sshrl.u32 s8, $0x2  }
0x79: {  	s8 =	sor.u32 s13, s8  }
0x7a: {  	[tilespmem:s8+$0x4100] =	vst v0  }
0x7b: {  	[spmem:s6] =	stream.linear.scatter [tilespmem:s22], [sflag:$0x5], $0x4000, $0x38;
	[tilespmem:$0x1FD00] =	vst v63  }
0x7c: {  	_ =	swait.ge [sflag:s23], $0x4000  }
0x7d: {  	[sflag:s23] =	ssyncset.done $0x0  }
0x7e: {  	s2 =	rddreg [dreg:$0x6];
	[sflag:s23] =	ssyncadd.s32 $0xFFFFC000  }
0x7f: {  	[spmem:s2] =	stream.linear.scatter [tilespmem:s22], [sflag:$0x5], $0x4000, $0x38;
	[tilespmem:$0x1FD00] =	vst v63  }
0x80: {  	_ =	swait.ge [sflag:s23], $0x4000  }
0x81: {  	[sflag:s23] =	ssyncset.done $0x0  }
0x82: {  	s10 =	rddreg [dreg:$0x7];
	[sflag:s23] =	ssyncadd.s32 $0xFFFFC000  }
0x83: {  	[spmem:s10] =	stream.linear.scatter [tilespmem:s22], [sflag:$0x5], $0x4000, $0x38;
	[tilespmem:$0x1FD00] =	vst v63  }
0x84: {  	_ =	swait.ge [sflag:s23], $0x4000  }
0x85: {  	[sflag:s23] =	ssyncset.done $0x0  }
0x86: {  	s13 =	rddreg [dreg:$0x8];
	[sflag:s23] =	ssyncadd.s32 $0xFFFFC000  }
0x87: {  	[spmem:s13] =	stream.linear.scatter [tilespmem:s22], [sflag:$0x5], $0x4000, $0x38;
	[tilespmem:$0x1FD00] =	vst v63  }
0x88: {  	_ =	swait.ge [sflag:s23], $0x4000  }
0x89: {  	[sflag:s23] =	ssyncset.done $0x0  }
0x8a: {  	s20 =	rddreg [dreg:$0x9];
	[sflag:s23] =	ssyncadd.s32 $0xFFFFC000  }
0x8b: {  	[spmem:s20] =	stream.linear.scatter [tilespmem:s22], [sflag:$0x5], $0x3C00, $0x38;
	[tilespmem:$0x1FD00] =	vst v63  }
.Ltmp3:
0x8c: {  	_ =	swait.ge [sflag:s23], $0x3C00;
	(pc) =	sbr.rel @!p0 .LBB2_4-.Ltmp3, $3  }
0x8d: {  	[sflag:s23] =	ssyncset.done $0x0  }
0x8e: {  	[sflag:s23] =	ssyncadd.s32 $0xFFFFC400  }
0x8f: {  	[bflag:$0x0] =	sbarrier.arrive $0xFFFF;
	_ =	sdelay $0x1  }
0x90: {  	s20 =	simm.s32 $0x0;
	s2 =	rddreg [dreg:$0xc]  }
0x91: {  	[tilespmem:s20], [sflag:$0x5] =	stream.linear.gather [hbm4b:s2+s20], $0x1000, $0x38;
	[tilespmem:$0x1FD00] =	vst v63  }
0x92: {  	_ =	swait.ge [sflag:s23], $0x1000  }
0x93: {  	[sflag:s23] =	ssyncset.done $0x0;
	s7 =	rddreg [dreg:$0x5]  }
0x94: {  	s13 =	rddreg [dreg:$0xd];
	[sflag:s23] =	ssyncadd.s32 $0xFFFFF000;
	s2 =	sadd.s32 $0x0, s7  }
0x95: {  	[tilespmem:s24], [sflag:$0x3] =	stream.linear.gather [hbm4b:s13+s20], $0x80, $0x38;
	[tilespmem:$0x1FD00] =	vst v63  }
0x96: {  	s7 =	sand.u32 $0x300, s20;
	s2 =	sand.u32 $0xFFC00, s2  }
0x97: {  	s2 =	sor.u32 s2, s7  }
0x98: {  	[tilespmem:s22], [sflag:$0x1] =	stream.indirect.gather [hbm4b:s1+s25], $0x80, s20, s25, $0xb8;
	[tilespmem:$0x1FD00] =	vst v63  }
0x99: {  	s2 =	sshrl.u32 s2, $0x3  }
0x9a: {  	s2 =	sadd.s32 s2, s5  }
0x9b: {  	[tilespmem:s26], [sflag:$0x1] =	stream.indirect.gather [hbm4b:s1+s25], $0x80, s25, s25, $0xb8;
	[tilespmem:$0x1FD00] =	vst v63  }
0x9c: {  	s2 =	sadd.s32 $0x10, s2  }
0x9d: {  	[tilespmem:s28], [sflag:$0x4] =	stream.linear.gather [hbm4b:s2+s4], $0x80, $0x38;
	[tilespmem:$0x1FD00] =	vst v63  }
0x9e: {  	s8 =	simm.s32 $0x80  }
0x9f: {  	[tilespmem:s29], [sflag:$0x2] =	stream.indirect.gather [hbm4b:s1+s25], $0x80, s8, s25, $0xb8;
	[tilespmem:$0x1FD00] =	vst v63  }
0xa0: {  	s10 =	simm.s32 $0xC0  }
0xa1: {  	[tilespmem:s30], [sflag:$0x2] =	stream.indirect.gather [hbm4b:s1+s25], $0x80, s10, s25, $0xb8;
	[tilespmem:$0x1FD00] =	vst v63  }
0xa2: {  	_ =	swait.ge [sflag:s31], $0x80  }
0xa3: {  	[sflag:s31] =	ssyncset.done $0x0  }
0xa4: {  	[sflag:s31] =	ssyncadd.s32 $0xFFFFFF80  }
0xa5: {  	_ =	swait.ge [sflag:s0], $0x2000  }
0xa6: {  	[sflag:s0] =	ssyncset.done $0x0  }
0xa7: {  	[sflag:s0] =	ssyncadd.s32 $0xFFFFE000  }
0xa8: {  	_ =	swait.ge [sflag:s0], $0x2000  }
0xa9: {  	[sflag:s0] =	ssyncset.done $0x0  }
0xaa: {  	[sflag:s0] =	ssyncadd.s32 $0xFFFFE000  }
0xab: {  	[spmem:s3] =	stream.indirect.scatter.add.f32 [tilespmem:s22], [sflag:$0x5], $0x80, s24, s12, $0xb8;
	[tilespmem:$0x1FD00] =	vst v63  }
0xac: {  	_ =	swait.ge [sflag:s23], $0x4000  }
0xad: {  	[sflag:s23] =	ssyncset.done $0x0  }
0xae: {  	[sflag:s23] =	ssyncadd.s32 $0xFFFFC000  }
0xaf: {  	[tilespmem:s24], [sflag:$0x3] =	stream.linear.gather [hbm4b:s21+s4], $0x80, $0x38;
	[tilespmem:$0x1FD00] =	vst v63  }
0xb0: {  	s11 =	simm.s32 $0x100  }
0xb1: {  	[tilespmem:s22], [sflag:$0x1] =	stream.indirect.gather [hbm4b:s1+s25], $0x80, s11, s25, $0xb8;
	[tilespmem:$0x1FD00] =	vst v63  }
0xb2: {  	s13 =	simm.s32 $0x140  }
0xb3: {  	[tilespmem:s26], [sflag:$0x1] =	stream.indirect.gather [hbm4b:s1+s25], $0x80, s13, s25, $0xb8;
	[tilespmem:$0x1FD00] =	vst v63  }
0xb4: {  	_ =	swait.ge [sflag:s14], $0x80  }
0xb5: {  	[sflag:s14] =	ssyncset.done $0x0  }
0xb6: {  	[sflag:s14] =	ssyncadd.s32 $0xFFFFFF80  }
0xb7: {  	_ =	swait.ge [sflag:s15], $0x2000  }
0xb8: {  	[sflag:s15] =	ssyncset.done $0x0  }
0xb9: {  	[sflag:s15] =	ssyncadd.s32 $0xFFFFE000  }
0xba: {  	_ =	swait.ge [sflag:s15], $0x2000  }
0xbb: {  	[sflag:s15] =	ssyncset.done $0x0  }
0xbc: {  	[sflag:s15] =	ssyncadd.s32 $0xFFFFE000  }
0xbd: {  	[spmem:s3] =	stream.indirect.scatter.add.f32 [tilespmem:s29], [sflag:$0x5], $0x80, s28, s12, $0xb8;
	[tilespmem:$0x1FD00] =	vst v63  }
0xbe: {  	s7 =	simm.s32 $0x800;
	s2 =	smov.u32 s21;
	_ =	swait.ge [sflag:s23], $0x4000  }
0xbf: {  	s13 =	simm.s32 $0x400;
	s8 =	rddreg [dreg:$0x5];
	[sflag:s23] =	ssyncset.done $0x0  }
.LBB2_11:
0xc0: {  	s20 =	sadd.s32 $0x100, s20  }
0xc1: {  	s8 =	sadd.s32 s20, s8  }
0xc2: {  	s11 =	sand.u32 $0x300, s20;
	s8 =	sand.u32 $0xFFC00, s8  }
0xc3: {  	s8 =	sor.u32 s8, s11  }
0xc4: {  	s8 =	sshrl.u32 s8, $0x3  }
0xc5: {  	[sflag:s23] =	ssyncadd.s32 $0xFFFFC000;
	s8 =	sadd.s32 s8, s5  }
0xc6: {  	s10 =	smov.u32 s7;
	s11 =	sshra.s32 s13, $0x2;
	s8 =	sadd.s32 $0x10, s8  }
0xc7: {  	[tilespmem:s28], [sflag:$0x4] =	stream.linear.gather [hbm4b:s8+s4], $0x80, $0x38;
	[tilespmem:$0x1FD00] =	vst v63  }
0xc8: {  	s13 =	smov.u32 s10;
	s10 =	sadd.s32 $0x80, s11  }
0xc9: {  	[tilespmem:s29], [sflag:$0x2] =	stream.indirect.gather [hbm4b:s1+s25], $0x80, s10, s25, $0xb8;
	[tilespmem:$0x1FD00] =	vst v63  }
0xca: {  	s10 =	sadd.s32 $0xC0, s11  }
0xcb: {  	[tilespmem:s30], [sflag:$0x2] =	stream.indirect.gather [hbm4b:s1+s25], $0x80, s10, s25, $0xb8;
	[tilespmem:$0x1FD00] =	vst v63  }
0xcc: {  	_ =	swait.ge [sflag:s31], $0x80  }
0xcd: {  	[sflag:s31] =	ssyncset.done $0x0  }
0xce: {  	[sflag:s31] =	ssyncadd.s32 $0xFFFFFF80  }
0xcf: {  	_ =	swait.ge [sflag:s0], $0x2000  }
0xd0: {  	[sflag:s0] =	ssyncset.done $0x0  }
0xd1: {  	[sflag:s0] =	ssyncadd.s32 $0xFFFFE000  }
0xd2: {  	_ =	swait.ge [sflag:s0], $0x2000  }
0xd3: {  	[sflag:s0] =	ssyncset.done $0x0  }
0xd4: {  	[sflag:s0] =	ssyncadd.s32 $0xFFFFE000  }
0xd5: {  	[spmem:s3] =	stream.indirect.scatter.add.f32 [tilespmem:s22], [sflag:$0x5], $0x80, s24, s12, $0xb8;
	[tilespmem:$0x1FD00] =	vst v63  }
0xd6: {  	_ =	swait.ge [sflag:s23], $0x4000  }
0xd7: {  	[sflag:s23] =	ssyncset.done $0x0  }
0xd8: {  	s2 =	sadd.s32 $0x20, s2;
	[sflag:s23] =	ssyncadd.s32 $0xFFFFC000  }
0xd9: {  	[tilespmem:s24], [sflag:$0x3] =	stream.linear.gather [hbm4b:s2+s4], $0x80, $0x38;
	[tilespmem:$0x1FD00] =	vst v63  }
0xda: {  	s10 =	sadd.s32 $0x100, s11  }
0xdb: {  	[tilespmem:s22], [sflag:$0x1] =	stream.indirect.gather [hbm4b:s1+s25], $0x80, s10, s25, $0xb8;
	[tilespmem:$0x1FD00] =	vst v63  }
0xdc: {  	s11 =	sadd.s32 $0x140, s11  }
0xdd: {  	[tilespmem:s26], [sflag:$0x1] =	stream.indirect.gather [hbm4b:s1+s25], $0x80, s11, s25, $0xb8;
	[tilespmem:$0x1FD00] =	vst v63  }
0xde: {  	_ =	swait.ge [sflag:s14], $0x80  }
0xdf: {  	[sflag:s14] =	ssyncset.done $0x0  }
0xe0: {  	[sflag:s14] =	ssyncadd.s32 $0xFFFFFF80  }
0xe1: {  	_ =	swait.ge [sflag:s15], $0x2000  }
0xe2: {  	[sflag:s15] =	ssyncset.done $0x0  }
0xe3: {  	[sflag:s15] =	ssyncadd.s32 $0xFFFFE000  }
0xe4: {  	p2 =	sne.s32 s7, $0x3800;
	_ =	swait.ge [sflag:s15], $0x2000  }
.Ltmp4:
0xe5: {  	[sflag:s15] =	ssyncset.done $0x0;
	(pc) =	sbr.rel @p2 .LBB2_11-.Ltmp4, $4  }
0xe6: {  	[sflag:s15] =	ssyncadd.s32 $0xFFFFE000  }
0xe7: {  	[spmem:s3] =	stream.indirect.scatter.add.f32 [tilespmem:s29], [sflag:$0x5], $0x80, s28, s12, $0xb8;
	[tilespmem:$0x1FD00] =	vst v63  }
0xe8: {  	_ =	swait.ge [sflag:s23], $0x4000  }
0xe9: {  	s7 =	sadd.s32 $0x400, s7;
	s8 =	rddreg [dreg:$0x5];
	[sflag:s23] =	ssyncset.done $0x0  }
0xea: {  	s7 =	sadd.s32 $0x100, s20  }
0xeb: {  	s8 =	sadd.s32 s7, s8  }
0xec: {  	s7 =	sand.u32 $0x300, s7;
	s8 =	sand.u32 $0xFFC00, s8  }
0xed: {  	s7 =	sor.u32 s8, s7  }
0xee: {  	s7 =	sshrl.u32 s7, $0x3  }
0xef: {  	s7 =	sadd.s32 s7, s5  }
0xf0: {  	[sflag:s23] =	ssyncadd.s32 $0xFFFFC000;
	s20 =	sshra.s32 s13, $0x2;
	s7 =	sadd.s32 $0x10, s7  }
0xf1: {  	[tilespmem:s28], [sflag:$0x4] =	stream.linear.gather [hbm4b:s7+s4], $0x80, $0x38;
	[tilespmem:$0x1FD00] =	vst v63  }
0xf2: {  	s10 =	sadd.s32 $0x80, s20  }
0xf3: {  	[tilespmem:s29], [sflag:$0x2] =	stream.indirect.gather [hbm4b:s1+s25], $0x80, s10, s25, $0xb8;
	[tilespmem:$0x1FD00] =	vst v63  }
0xf4: {  	s11 =	sadd.s32 $0xC0, s20  }
0xf5: {  	[tilespmem:s30], [sflag:$0x2] =	stream.indirect.gather [hbm4b:s1+s25], $0x80, s11, s25, $0xb8;
	[tilespmem:$0x1FD00] =	vst v63  }
0xf6: {  	_ =	swait.ge [sflag:s31], $0x80  }
0xf7: {  	[sflag:s31] =	ssyncset.done $0x0  }
0xf8: {  	[sflag:s31] =	ssyncadd.s32 $0xFFFFFF80  }
0xf9: {  	_ =	swait.ge [sflag:s0], $0x2000  }
0xfa: {  	[sflag:s0] =	ssyncset.done $0x0  }
0xfb: {  	[sflag:s0] =	ssyncadd.s32 $0xFFFFE000  }
0xfc: {  	_ =	swait.ge [sflag:s0], $0x2000  }
0xfd: {  	[sflag:s0] =	ssyncset.done $0x0  }
0xfe: {  	[sflag:s0] =	ssyncadd.s32 $0xFFFFE000  }
0xff: {  	[spmem:s3] =	stream.indirect.scatter.add.f32 [tilespmem:s22], [sflag:$0x5], $0x80, s24, s12, $0xb8;
	[tilespmem:$0x1FD00] =	vst v63  }
0x100: {  	_ =	swait.ge [sflag:s23], $0x4000  }
0x101: {  	[sflag:s23] =	ssyncset.done $0x0  }
0x102: {  	s2 =	sadd.s32 $0x20, s2;
	[sflag:s23] =	ssyncadd.s32 $0xFFFFC000  }
0x103: {  	[tilespmem:s24], [sflag:$0x3] =	stream.linear.gather [hbm4b:s2+s4], $0x80, $0x38;
	[tilespmem:$0x1FD00] =	vst v63  }
0x104: {  	s13 =	sadd.s32 $0x100, s20  }
0x105: {  	[tilespmem:s22], [sflag:$0x1] =	stream.indirect.gather [hbm4b:s1+s25], $0x80, s13, s25, $0xb8;
	[tilespmem:$0x1FD00] =	vst v63  }
0x106: {  	s20 =	sadd.s32 $0x140, s20  }
0x107: {  	[tilespmem:s26], [sflag:$0x1] =	stream.indirect.gather [hbm4b:s1+s25], $0x80, s20, s25, $0xb8;
	[tilespmem:$0x1FD00] =	vst v63  }
0x108: {  	_ =	swait.ge [sflag:s14], $0x80  }
0x109: {  	[sflag:s14] =	ssyncset.done $0x0  }
0x10a: {  	[sflag:s14] =	ssyncadd.s32 $0xFFFFFF80  }
0x10b: {  	_ =	swait.ge [sflag:s15], $0x2000  }
0x10c: {  	[sflag:s15] =	ssyncset.done $0x0  }
0x10d: {  	[sflag:s15] =	ssyncadd.s32 $0xFFFFE000  }
0x10e: {  	_ =	swait.ge [sflag:s15], $0x2000  }
0x10f: {  	[sflag:s15] =	ssyncset.done $0x0  }
.Ltmp5:
0x110: {  	[sflag:s15] =	ssyncadd.s32 $0xFFFFE000;
	(pc) =	sbr.rel .LBB2_13-.Ltmp5, $4  }
0x111: {  	[spmem:s3] =	stream.indirect.scatter.add.f32 [tilespmem:s29], [sflag:$0x5], $0x80, s28, s12, $0xb8;
	[tilespmem:$0x1FD00] =	vst v63  }
0x112: {  	_ =	swait.ge [sflag:s23], $0x4000  }
0x113: {  	s7 =	simm.s32 $0xF80;
	s11 =	stileid.u32;
	[sflag:s23] =	ssyncset.done $0x0  }
0x114: {  	s2 =	simm.s32 $0xFC0;
	s8 =	rddreg [dreg:$0xf];
	[sflag:s23] =	ssyncadd.s32 $0xFFFFC000  }
.LBB2_4:
0x115: {  	s13 =	simm.s32 $0x0;
	s2 =	rddreg [dreg:$0xa]  }
0x116: {  	[tilespmem:s13], [sflag:$0x5] =	stream.linear.gather [hbm4b:s2+s13], $0x4000, $0x38;
	[tilespmem:$0x1FD00] =	vst v63  }
0x117: {  	_ =	swait.ge [sflag:s23], $0x4000  }
0x118: {  	s10 =	simm.s32 $0x0;
	[sflag:s23] =	ssyncset.done $0x0  }
0x119: {  	p3 =	por $0x0, $0x0;
	s8 =	rddreg [dreg:$0xb];
	[sflag:s23] =	ssyncadd.s32 $0xFFFFC000  }
0x11a: {  	[tilespmem:s24], [sflag:$0x3] =	stream.linear.gather [hbm4b:s8+s13], $0x80, $0x38;
	[tilespmem:$0x1FD00] =	vst v63  }
.Ltmp6:
0x11b: {  	s20 =	sadd.s32 $0x0, s9;
	s2 =	sand.u32 $0x60, s10;
	(pc) =	sbr.rel @p3 .LBB2_9-.Ltmp6, $4  }
0x11c: {  	s7 =	sand.u32 $0x1FF80, s20;
	s8 =	sadd.s32 s2, s5  }
0x11d: {  	[tilespmem:s22], [sflag:$0x1] =	stream.indirect.gather [hbm4b:s1+s25], $0x80, s13, s25, $0xb8;
	[tilespmem:$0x1FD00] =	vst v63  }
0x11e: {  	p2 =	por $0x0, $0x0;
	s2 =	simm.s32 $0x1;
	s7 =	sadd.s32 s7, s8  }
0x11f: {  	[tilespmem:s26], [sflag:$0x1] =	stream.indirect.gather [hbm4b:s1+s25], $0x80, s25, s25, $0xb8;
	[tilespmem:$0x1FD00] =	vst v63  }
0x120: {  	s8 =	simm.s32 $0x0  }
0x121: {  	s7 =	sadd.s32 $0x10, s7;
	s8 =	sand.u32 $0x3FFFFF00, s8  }
0x122: {  	[tilespmem:s28], [sflag:$0x4] =	stream.linear.gather [hbm4b:s7+s4], $0x80, $0x38;
	[tilespmem:$0x1FD00] =	vst v63  }
0x123: {  	s10 =	sor.u32 $0x80, s8  }
0x124: {  	[tilespmem:s29], [sflag:$0x2] =	stream.indirect.gather [hbm4b:s1+s25], $0x80, s10, s25, $0xb8;
	[tilespmem:$0x1FD00] =	vst v63  }
0x125: {  	s13 =	sor.u32 $0xC0, s8  }
0x126: {  	[tilespmem:s30], [sflag:$0x2] =	stream.indirect.gather [hbm4b:s1+s25], $0x80, s13, s25, $0xb8;
	[tilespmem:$0x1FD00] =	vst v63  }
0x127: {  	_ =	swait.ge [sflag:s31], $0x80  }
0x128: {  	[sflag:s31] =	ssyncset.done $0x0  }
0x129: {  	[sflag:s31] =	ssyncadd.s32 $0xFFFFFF80  }
0x12a: {  	_ =	swait.ge [sflag:s0], $0x2000  }
0x12b: {  	[sflag:s0] =	ssyncset.done $0x0  }
0x12c: {  	[sflag:s0] =	ssyncadd.s32 $0xFFFFE000  }
0x12d: {  	_ =	swait.ge [sflag:s0], $0x2000  }
0x12e: {  	[sflag:s0] =	ssyncset.done $0x0  }
0x12f: {  	[sflag:s0] =	ssyncadd.s32 $0xFFFFE000  }
0x130: {  	[spmem:s3] =	stream.indirect.scatter.add.f32 [tilespmem:s22], [sflag:$0x5], $0x80, s24, s12, $0xb8;
	[tilespmem:$0x1FD00] =	vst v63  }
0x131: {  	_ =	swait.ge [sflag:s23], $0x4000  }
0x132: {  	s10 =	rddreg [dreg:$0x4];
	[sflag:s23] =	ssyncset.done $0x0  }
0x133: {  	[sflag:s23] =	ssyncadd.s32 $0xFFFFC000;
	s7 =	sadd.s32 s20, s10  }
0x134: {  	[tilespmem:s24], [sflag:$0x3] =	stream.linear.gather [hbm4b:s7+s4], $0x80, $0x38;
	[tilespmem:$0x1FD00] =	vst v63  }
0x135: {  	s13 =	sadd.s32 $0x100, s8  }
0x136: {  	[tilespmem:s22], [sflag:$0x1] =	stream.indirect.gather [hbm4b:s1+s25], $0x80, s13, s25, $0xb8;
	[tilespmem:$0x1FD00] =	vst v63  }
0x137: {  	s20 =	sadd.s32 $0x140, s8  }
0x138: {  	[tilespmem:s26], [sflag:$0x1] =	stream.indirect.gather [hbm4b:s1+s25], $0x80, s20, s25, $0xb8;
	[tilespmem:$0x1FD00] =	vst v63  }
0x139: {  	_ =	swait.ge [sflag:s14], $0x80  }
0x13a: {  	[sflag:s14] =	ssyncset.done $0x0  }
0x13b: {  	p3 =	por $0x0, $0x0;
	[sflag:s14] =	ssyncadd.s32 $0xFFFFFF80  }
.Ltmp7:
0x13c: {  	_ =	swait.ge [sflag:s15], $0x2000;
	(pc) =	sbr.rel @p3 .LBB2_6-.Ltmp7, $4  }
0x13d: {  	p2 =	por $0x1, $0x1;
	s8 =	simm.s32 $0x20;
	[sflag:s15] =	ssyncset.done $0x0  }
0x13e: {  	s7 =	sand.u32 $0x60, s8;
	s20 =	sadd.s32 $0x20, s9;
	[sflag:s15] =	ssyncadd.s32 $0xFFFFE000  }
0x13f: {  	s7 =	sadd.s32 s7, s5;
	s10 =	sand.u32 $0x1FF80, s20;
	_ =	swait.ge [sflag:s15], $0x2000  }
0x140: {  	s13 =	simm.s32 $0x2;
	s7 =	sadd.s32 s10, s7;
	[sflag:s15] =	ssyncset.done $0x0  }
.LBB2_7:
0x141: {  	[sflag:s15] =	ssyncadd.s32 $0xFFFFE000  }
0x142: {  	[spmem:s3] =	stream.indirect.scatter.add.f32 [tilespmem:s29], [sflag:$0x5], $0x80, s28, s12, $0xb8;
	[tilespmem:$0x1FD00] =	vst v63  }
0x143: {  	_ =	swait.ge [sflag:s23], $0x4000  }
0x144: {  	s2 =	sshll.u32 s2, $0x8;
	[sflag:s23] =	ssyncset.done $0x0  }
0x145: {  	s7 =	sadd.s32 $0x10, s7;
	s10 =	sand.u32 $0x3FFFFF00, s2;
	[sflag:s23] =	ssyncadd.s32 $0xFFFFC000  }
0x146: {  	[tilespmem:s28], [sflag:$0x4] =	stream.linear.gather [hbm4b:s7+s4], $0x80, $0x38;
	[tilespmem:$0x1FD00] =	vst v63  }
0x147: {  	s8 =	smov.u32 s13;
	s7 =	sor.u32 $0x80, s10  }
0x148: {  	[tilespmem:s29], [sflag:$0x2] =	stream.indirect.gather [hbm4b:s1+s25], $0x80, s7, s25, $0xb8;
	[tilespmem:$0x1FD00] =	vst v63  }
0x149: {  	s2 =	smov.u32 s8;
	s8 =	sor.u32 $0xC0, s10  }
0x14a: {  	[tilespmem:s30], [sflag:$0x2] =	stream.indirect.gather [hbm4b:s1+s25], $0x80, s8, s25, $0xb8;
	[tilespmem:$0x1FD00] =	vst v63  }
0x14b: {  	_ =	swait.ge [sflag:s31], $0x80  }
0x14c: {  	[sflag:s31] =	ssyncset.done $0x0  }
0x14d: {  	[sflag:s31] =	ssyncadd.s32 $0xFFFFFF80  }
0x14e: {  	_ =	swait.ge [sflag:s0], $0x2000  }
0x14f: {  	[sflag:s0] =	ssyncset.done $0x0  }
0x150: {  	[sflag:s0] =	ssyncadd.s32 $0xFFFFE000  }
0x151: {  	_ =	swait.ge [sflag:s0], $0x2000  }
0x152: {  	[sflag:s0] =	ssyncset.done $0x0  }
0x153: {  	[sflag:s0] =	ssyncadd.s32 $0xFFFFE000  }
0x154: {  	[spmem:s3] =	stream.indirect.scatter.add.f32 [tilespmem:s22], [sflag:$0x5], $0x80, s24, s12, $0xb8;
	[tilespmem:$0x1FD00] =	vst v63  }
0x155: {  	_ =	swait.ge [sflag:s23], $0x4000  }
0x156: {  	s8 =	rddreg [dreg:$0x4];
	[sflag:s23] =	ssyncset.done $0x0  }
0x157: {  	[sflag:s23] =	ssyncadd.s32 $0xFFFFC000;
	s7 =	sadd.s32 s20, s8  }
0x158: {  	[tilespmem:s24], [sflag:$0x3] =	stream.linear.gather [hbm4b:s7+s4], $0x80, $0x38;
	[tilespmem:$0x1FD00] =	vst v63  }
0x159: {  	s8 =	sadd.s32 $0x100, s10  }
0x15a: {  	[tilespmem:s22], [sflag:$0x1] =	stream.indirect.gather [hbm4b:s1+s25], $0x80, s8, s25, $0xb8;
	[tilespmem:$0x1FD00] =	vst v63  }
0x15b: {  	s20 =	sadd.s32 $0x140, s10  }
0x15c: {  	[tilespmem:s26], [sflag:$0x1] =	stream.indirect.gather [hbm4b:s1+s25], $0x80, s20, s25, $0xb8;
	[tilespmem:$0x1FD00] =	vst v63  }
0x15d: {  	_ =	swait.ge [sflag:s14], $0x80  }
0x15e: {  	[sflag:s14] =	ssyncset.done $0x0  }
0x15f: {  	p3 =	seq.s32 s13, $0x3E;
	[sflag:s14] =	ssyncadd.s32 $0xFFFFFF80  }
.Ltmp8:
0x160: {  	_ =	swait.ge [sflag:s15], $0x2000;
	(pc) =	sbr.rel @!p3 .LBB2_7-.Ltmp8, $4  }
0x161: {  	s8 =	sshll.u32 s2, $0x5;
	[sflag:s15] =	ssyncset.done $0x0  }
0x162: {  	s7 =	sand.u32 $0x60, s8;
	s20 =	sadd.s32 s9, s8;
	[sflag:s15] =	ssyncadd.s32 $0xFFFFE000  }
0x163: {  	s7 =	sadd.s32 s7, s5;
	s10 =	sand.u32 $0x1FF80, s20;
	_ =	swait.ge [sflag:s15], $0x2000  }
0x164: {  	s13 =	sadd.s32 $0x1, s13;
	s7 =	sadd.s32 s10, s7;
	[sflag:s15] =	ssyncset.done $0x0  }
.Ltmp9:
0x165: {  	(pc) =	sbr.rel .LBB2_9-.Ltmp9, $2  }
0x166: {  	_ =	sdelay $0x2  }
0x167: {  	s13 =	smov.u32 s2  }
.LBB2_14:
0x168: {  	_ =	sfence.sel $0x180000  }
0x169: {  	[bflag:$0x0] =	sbarrier.arrive $0xFFFF  }
0x16a: {  	_ =	strace $0x9000004A  }
0x16b: {  	[bflag:$0x2] =	sbarrier.arrive $0xFFFF  }
0x16c: {  	p0 =	sne.s32 s11, $0x0;
	s0 =	rddreg [dreg:$0x3]  }
0x16d: {  	s0 =	sadd.s32 @!p0 $0x100000, s0  }
0x16e: {  	[sflag:s0] =	ssyncadd.tile.s32 @!p0 $0x1;
	_ =	shalt  }
.Lfunc_end2:
_tile_overlayer_lowered:
.L_overlay_start_2:
0x16f: {  	(tag) =	ssettag $0x2  }
0x170: {  	s0 =	rddreg [dreg:$0x0];
	s2 =	stileid.u32  }
0x171: {  	s1 =	rddreg [dreg:$0x1];
	p0 =	sne.s32 s2, $0x0  }
0x172: {  	s3 =	rddreg [dreg:$0x2];
	[bflag:$0x3] =	sbarrier.arrive $0xFFFF;
	s2 =	simm.s32 @!p0 $0x1C05  }
0x173: {  	[timem:s3], [sflag:s2] =	dma.local @!p0 [hbm:s0], s1  }
0x174: {  	s0 =	simm.s32 @!p0 $0x5  }
0x175: {  	_ =	swait.ge @!p0 [sflag:s0], s1  }
0x176: {  	s1 =	ssub.s32 @!p0 $0x0, s1;
	[sflag:s0] =	ssyncset.done @!p0 $0x0  }
0x177: {  	[sflag:s0] =	ssyncadd.s32 @!p0 s1  }
0x178: {  	[bflag:$0x3] =	sbarrier.arrive $0xFFFF  }
0x179: {  	_ =	shalt  }

// kernel: kernel.14.cloned.1.call-start
scs
__scs_entry_jumppad:
0x0: {  	(pc) =	sbr.rel $0x88, $3  }
0x1: {  	(tag) =	ssettag $0x0;
	lr =	simm.s32 $0x1  }
0x2: {  	[smem:$0x3F9B] =	sst lr;
	_ =	strace $0xD0000000  }
0x3: {  	_ = 	snop  }
0x4: {  	_ = 	snop  }
0x5: {  	_ = 	snop  }
0x6: {  	_ = 	snop  }
0x7: {  	_ = 	snop  }
__scs_overlays_trampoline_lowered:
0x8: {  	[smem:$0x3FAA] =	sst s0  }
0x9: {  	[smem:$0x3FAB] =	sst s1  }
0xa: {  	[smem:$0x3FAC] =	sst s2  }
0xb: {  	[smem:$0x3FAD] =	sst s3  }
0xc: {  	[smem:$0x3FAE] =	sst s4  }
0xd: {  	[smem:$0x3FAF] =	sst s5  }
0xe: {  	[smem:$0x3FB0] =	sst s6  }
0xf: {  	[smem:$0x3FB1] =	sst s7  }
0x10: {  	[smem:$0x3FB2] =	sst s8  }
0x11: {  	[smem:$0x3FB3] =	sst s9;
	s0 =	simm.s32 @!p0 $0x0  }
0x12: {  	s1 =	sld [smem:$0x3F99];
	s0 =	simm.s32 @p0 $0x1  }
0x13: {  	[smem:$0x3FB4] =	sst s0;
	s0 =	simm.s32 @!p1 $0x0  }
0x14: {  	s2 =	sld [smem:$0x3F98];
	s0 =	simm.s32 @p1 $0x1  }
0x15: {  	[smem:$0x3FB5] =	sst s0;
	s0 =	simm.s32 @!p2 $0x0  }
0x16: {  	s3 =	sld [smem:$0x3FDB];
	s0 =	simm.s32 @p2 $0x1  }
0x17: {  	s4 =	simm.s32 $0x1BF5;
	[smem:$0x3FB7] =	sst s0  }
0x18: {  	s0 =	sld [smem:$0x3F9A];
	_ =	swait.ge [sflag:s4], $0x0  }
0x19: {  	s7 =	sld [smem:$0x3F9B]  }
0x1a: {  	s8 =	sadd.s32 $0xFFFFE003, lr  }
0x1b: {  	s9 =	sadd.s32 $0xFFFFFEF7, lr;
	s5 =	simm.s32 $0xFFFFFFFF;
	p2 =	slt.u32 s8, $0xFFFFF086  }
0x1c: {  	p1 =	slt.u32 s9, $0xF7A;
	s5 =	simm.s32 @!p2 $0x0  }
0x1d: {  	s5 =	simm.s32 @p1 $0x1;
	p0 =	seq.s32 s7, s2  }
0x1e: {  	s7 =	smul.u32 @!p0 $0xF7A, s2;
	p2 =	seq.s32 @!p0 s5, $0x0  }
0x1f: {  	s9 =	smul.u32 $0xF7A, s1;
	s8 =	simm.s32 @!p0 $0x1BF5;
	p2 =	por !p2, p0  }
0x20: {  	[sflag:s8] =	ssyncset.s32 @!p0 $0xFFFFF086;
	s6 =	sadd.s32 @!p0 s3, s7;
	s7 =	simm.s32 @!p0 $0x108  }
0x21: {  	s3 =	sadd.s32 s3, s9;
	s6 =	sadd.s32 @!p0 $0x88, s6;
	s7 =	simm.s32 @p2 $0x1082  }
0x22: {  	[simem:s7], [sflag:s8] =	dma.local @!p0 [hbm:s6], $0xF7A  }
0x23: {  	s9 =	sor.u32 $0xD0000000, s2;
	s6 =	simm.s32 $0x108;
	_ =	swait.ge @!p0 [sflag:s8], $0x0  }
0x24: {  	s3 =	sadd.s32 $0x88, s3;
	s6 =	simm.s32 @!p1 $0x1082;
	[sflag:s4] =	ssyncset.s32 $0xFFFFF086  }
0x25: {  	[simem:s6], [sflag:s4] =	dma.local [hbm:s3], $0xF7A  }
0x26: {  	[smem:$0x3F9B] =	sst s1;
	(tag) =	ssettag s2;
	_ =	strace s9  }
0x27: {  	s1 =	sld [smem:$0x3FAB]  }
0x28: {  	s2 =	sld [smem:$0x3FAC]  }
0x29: {  	s4 =	sld [smem:$0x3FAE]  }
0x2a: {  	p0 =	seq.s32 s5, $0x0;
	s5 =	sld [smem:$0x3FAF]  }
0x2b: {  	s6 =	sld [smem:$0x3FB0]  }
0x2c: {  	s7 =	sld [smem:$0x3FB1]  }
0x2d: {  	s3 =	simm.s32 $0x108;
	s8 =	sld [smem:$0x3FB2]  }
0x2e: {  	s3 =	simm.s32 @!p0 $0x1082;
	s9 =	sld [smem:$0x3FB3]  }
0x2f: {  	lr =	sadd.s32 s0, s3;
	s0 =	sld [smem:$0x3FAA]  }
0x30: {  	s3 =	sld [smem:$0x3FAD]  }
0x31: {  	[smem:$0x3FB6] =	sst s10  }
0x32: {  	s10 =	sld [smem:$0x3FB4];
	_ =	sdelay $0x3  }
0x33: {  	p0 =	seq.s32 s10, $0x1;
	s10 =	sld [smem:$0x3FB6];
	_ =	sdelay $0x3  }
0x34: {  	[smem:$0x3FB6] =	sst s10  }
0x35: {  	s10 =	sld [smem:$0x3FB5];
	_ =	sdelay $0x3  }
0x36: {  	p1 =	seq.s32 s10, $0x1;
	s10 =	sld [smem:$0x3FB6];
	_ =	sdelay $0x3  }
0x37: {  	[smem:$0x3FB6] =	sst s10  }
0x38: {  	s10 =	sld [smem:$0x3FB7]  }
0x39: {  	_ = 	snop;
	(pc) =	sbr.ind lr, $3  }
0x3a: {  	_ = 	snop  }
0x3b: {  	_ = 	snop  }
0x3c: {  	p2 =	seq.s32 s10, $0x1;
	s10 =	sld [smem:$0x3FB6]  }
0x3d: {  	_ =	shalt  }
0x3e: {  	_ =	shalt  }
0x3f: {  	_ =	shalt  }
0x40: {  	_ =	shalt  }
0x41: {  	_ =	shalt  }
0x42: {  	_ =	shalt  }
0x43: {  	_ =	shalt  }
0x44: {  	_ =	shalt  }
0x45: {  	_ =	shalt  }
0x46: {  	_ =	shalt  }
0x47: {  	_ =	shalt  }
0x48: {  	_ =	shalt  }
0x49: {  	_ =	shalt  }
0x4a: {  	_ =	shalt  }
0x4b: {  	_ =	shalt  }
0x4c: {  	_ =	shalt  }
0x4d: {  	_ =	shalt  }
0x4e: {  	_ =	shalt  }
0x4f: {  	_ =	shalt  }
0x50: {  	_ =	shalt  }
0x51: {  	_ =	shalt  }
0x52: {  	_ =	shalt  }
0x53: {  	_ =	shalt  }
0x54: {  	_ =	shalt  }
0x55: {  	_ =	shalt  }
0x56: {  	_ =	shalt  }
0x57: {  	_ =	shalt  }
0x58: {  	_ =	shalt  }
0x59: {  	_ =	shalt  }
0x5a: {  	_ =	shalt  }
0x5b: {  	_ =	shalt  }
0x5c: {  	_ =	shalt  }
0x5d: {  	_ =	shalt  }
0x5e: {  	_ =	shalt  }
0x5f: {  	_ =	shalt  }
0x60: {  	_ =	shalt  }
0x61: {  	_ =	shalt  }
0x62: {  	_ =	shalt  }
0x63: {  	_ =	shalt  }
0x64: {  	_ =	shalt  }
0x65: {  	_ =	shalt  }
0x66: {  	_ =	shalt  }
0x67: {  	_ =	shalt  }
0x68: {  	_ =	shalt  }
0x69: {  	_ =	shalt  }
0x6a: {  	_ =	shalt  }
0x6b: {  	_ =	shalt  }
0x6c: {  	_ =	shalt  }
0x6d: {  	_ =	shalt  }
0x6e: {  	_ =	shalt  }
0x6f: {  	_ =	shalt  }
0x70: {  	_ =	shalt  }
0x71: {  	_ =	shalt  }
0x72: {  	_ =	shalt  }
0x73: {  	_ =	shalt  }
0x74: {  	_ =	shalt  }
0x75: {  	_ =	shalt  }
0x76: {  	_ =	shalt  }
0x77: {  	_ =	shalt  }
0x78: {  	_ =	shalt  }
0x79: {  	_ =	shalt  }
0x7a: {  	_ =	shalt  }
0x7b: {  	_ =	shalt  }
0x7c: {  	_ =	shalt  }
0x7d: {  	_ =	shalt  }
0x7e: {  	_ =	shalt  }
0x7f: {  	_ =	shalt  }
0x80: {  	_ =	shalt  }
0x81: {  	_ =	shalt  }
0x82: {  	_ =	shalt  }
0x83: {  	_ =	shalt  }
0x84: {  	_ =	shalt  }
0x85: {  	_ =	shalt  }
0x86: {  	_ =	shalt  }
0x87: {  	_ =	shalt  }
.Lfunc_end0:
.L_simem_size_0:
called_computation.2_lowered:
.L_overlay_start_0:
0x88: {  	s2 =	sld [smem:$0x3FD9]  }
0x89: {  	s3 =	sld [smem:$0x3FFE];
	_ =	sdelay $0x1  }
0x8a: {  	s1 =	srdreg.scid  }
0x8b: {  	s0 =	sand.u32 $0x1, s1  }
0x8c: {  	s17 =	sshll.u32 s0, $0xA;
	s2 =	sadd.s32 s3, s2  }
0x8d: {  	s2 =	sadd.s32 s2, s17  }
0x8e: {  	[smem:$0x3FC2] =	sst s2  }
0x8f: {  	_ = 	snop  }
0x90: {  	s2 =	sld [smem:$0x3FD0];
	(tm) =	ssettm $0x1  }
0x91: {  	s18 =	sld [smem:$0x3FFB];
	_ =	sdelay $0x3  }
0x92: {  	_ =	strace s18  }
0x93: {  	s3 =	sld [smem:$0x3FFC];
	_ =	sdelay $0x3  }
0x94: {  	_ =	strace s3  }
0x95: {  	s3 =	sld [smem:$0x3FFD];
	_ =	sdelay $0x3  }
0x96: {  	_ =	strace s3  }
0x97: {  	_ =	strace $0x8FFFFFFF  }
0x98: {  	s19 =	sld [smem:$0x3FDB];
	_ =	sdelay $0x1  }
0x99: {  	s4 =	simm.s32 $_scs_section_size  }
0x9a: {  	s5 =	simm.s32 $_size__tile_overlayer_lowered;
	s6 =	simm.s32 $_tile_overlayer_lowered  }
0x9b: {  	s22 =	simm.s32 $0x1BFF;
	s21 =	sshll.u32 s6, $0x1;
	s3 =	sadd.s32 s4, s19  }
0x9c: {  	s7 =	simm.s32 $0x0;
	s20 =	sshll.u32 s5, $0x1;
	s5 =	sadd.s32 s21, s3  }
0x9d: {  	[timem:s7], [sflag:s22] =	dma.local [hbm:s5], s20  }
0x9e: {  	_ =	swait.ge [sflag:s22], s20  }
0x9f: {  	s4 =	ssub.s32 $0x0, s20;
	[sflag:s22] =	ssyncset.done $0x0  }
0xa0: {  	[sflag:s22] =	ssyncadd.s32 s4;
	_ =	sdelay $0x1  }
0xa1: {  	s23 =	simm.s32 $0x1B8B  }
0xa2: {  	_ =	swait.ge [sflag:s23], $0x1  }
0xa3: {  	[sflag:s23] =	ssyncset.done $0x0  }
0xa4: {  	s25 =	simm.s32 $0x1B8E;
	s24 =	sld [smem:$0x3FFE];
	[sflag:s23] =	ssyncadd.s32 $0xFFFFFFFF  }
0xa5: {  	s26 =	simm.s32 $execute0_lowered;
	[smem:$0x3FD2] =	sst s25  }
0xa6: {  	s5 =	sshll.u32 s26, $0x1;
	_ =	strace $0x8000004C;
	[dreg:$0x1] =	wrdreg $0xFFFFFFFF  }
0xa7: {  	s28 =	simm.s32 $_size_execute0_lowered;
	s3 =	sadd.s32 s3, s5;
	[dreg:$0x0] =	wrdreg $0x0  }
0xa8: {  	s5 =	sshll.u32 s28, $0x1;
	[dreg:$0x2] =	wrdreg s3  }
0xa9: {  	[dreg:$0x3] =	wrdreg s5  }
0xaa: {  	[dreg:$0x4] =	wrdreg $0xC0  }
0xab: {  	_ =	task [dreg:s7], $0x5FFFF  }
0xac: {  	[dreg:$0x1] =	wrdreg $0xFFFFFFFF  }
0xad: {  	[dreg:$0x0] =	wrdreg $0x60  }
0xae: {  	[dreg:$0x2] =	wrdreg s2  }
0xaf: {  	[dreg:$0x3] =	wrdreg s24  }
0xb0: {  	[dreg:$0x4] =	wrdreg $0xC1000  }
0xb1: {  	[dreg:$0x5] =	wrdreg $0x9  }
0xb2: {  	_ =	task.clear_ibuf [dreg:s7], $0x6FFFF;
	_ =	strace $0x9000004C  }
0xb3: {  	s29 =	simm.s32 $0x9;
	_ =	strace $0x8000004E  }
0xb4: {  	_ =	swait.ge [sflag:s29], $0x1  }
0xb5: {  	[sflag:s29] =	ssyncadd.s32 $0xFFFFFFFF  }
0xb6: {  	_ =	strace $0x9000004E  }
0xb7: {  	_ =	sfence  }
0xb8: {  	s30 =	sld [smem:$0x0];
	_ =	sdelay $0x2  }
0xb9: {  	s31 =	sshll.u32 s1, $0xD;
	s1 =	sshrl.u32 s1, $0x2  }
0xba: {  	s3 =	sand.u32 $0x4000, s31;
	s1 =	sadd.s32 s1, s30  }
0xbb: {  	s0 =	sor.u32 s3, s0;
	s1 =	sshll.u32 s1, $0x11  }
0xbc: {  	s0 =	sor.u32 s1, s0  }
0xbd: {  	s0 =	sadd.s32 $0x8F2B, s0  }
0xbe: {  	[sflag:s0] =	ssyncadd.remote.s32 $0x1  }
0xbf: {  	_ =	sfence.sel $0xFFFF  }
0xc0: {  	[dreg:$0x0] =	wrdreg $0xFFFFFFFF;
	(pc) =	sbr.abs _section_cstart, $3  }
0xc1: {  	[dreg:$0x1] =	wrdreg $0xFFFFFFFF  }
0xc2: {  	_ =	task.clear_ibuf [dreg:s7], $0x2FFFF;
	_ =	strace $0x9FFFFFFF  }
0xc3: {  	(tm) =	ssettm $0x7FFFFFFF  }
tec
execute0_lowered:
.L_overlay_start_1:
0x0: {  	(tag) =	ssettag $0x1  }
0x1: {  	s1 =	rddreg [dreg:$0x0]  }
0x2: {  	s0 =	rddreg [dreg:$0x1]  }
0x3: {  	s3 =	rddreg [dreg:$0x2];
	s4 =	simm.s32 $0x0;
	s2 =	srdreg.scid  }
0x4: {  	s11 =	stileid.u32;
	s28 =	simm.s32 $0x4080;
	s29 =	simm.s32 $0x8100  }
0x5: {  	s30 =	simm.s32 $0xA100;
	s31 =	simm.s32 $0x3;
	[smem:$0x7FF] =	sst s4  }
0x6: {  	s2 =	sand.u32 $0x1, s2;
	s6 =	smul.u32 $0x4F000, s11;
	s7 =	sadd.s32 $0x2A00, s0  }
0x7: {  	s5 =	sadd.s32 $0xCA00, s0;
	s12 =	sadd.s32 $0x16A00, s0;
	s0 =	sadd.s32 $0xCA20, s0  }
0x8: {  	s19 =	smul.u32 $0x5000, s11;
	p1 =	seq.s32 s11, $0xF;
	_ =	strace $0x8000004D  }
0x9: {  	s8 =	ssub.s32 $0x2, s2;
	[dreg:$0x4] =	wrdreg s0;
	s6 =	sshrl.u32 s6, $0x2  }
0xa: {  	p0 =	seq.s32 s2, $0x0;
	s9 =	sshrl.u32 s8, $0x1;
	s6 =	sadd.s32 s6, s3  }
0xb: {  	s23 =	sshrl.u32 s19, $0x3;
	s8 =	ssub.s32 s8, s9;
	s26 =	sadd.s32 $0x4000, s6  }
0xc: {  	s9 =	smul.u32 $0xA00, s11;
	s10 =	sadd.s32 $0x8000, s6;
	[dreg:$0x6] =	wrdreg s26  }
0xd: {  	s24 =	sadd.s32 s5, s23;
	s13 =	sadd.s32 $0x10000, s6;
	[dreg:$0x7] =	wrdreg s10  }
0xe: {  	s23 =	simm.s32 $0x5;
	s10 =	sadd.s32 $0xC000, s6;
	[dreg:$0x9] =	wrdreg s13  }
0xf: {  	s13 =	smul.u32 $0x138800, s2;
	s14 =	sadd.s32 s7, s9;
	[dreg:$0x8] =	wrdreg s10  }
0x10: {  	s15 =	sadd.s32 s5, s9;
	s17 =	sadd.s32 $0x800, s9;
	[dreg:$0xa] =	wrdreg s14  }
0x11: {  	s26 =	sadd.s32 $0x4000, s19;
	s19 =	simm.s32 $0x0;
	[dreg:$0xb] =	wrdreg s15  }
0x12: {  	s14 =	smul.u32 $0x13C00, s11;
	s7 =	sadd.s32 s7, s17;
	[dreg:$0x5] =	wrdreg s26  }
0x13: {  	s0 =	sadd.s32 s5, s17;
	s25 =	sadd.s32 $0x7F0, s15;
	[dreg:$0xc] =	wrdreg s7  }
0x14: {  	s26 =	simm.s32 $0x6100;
	[dreg:$0xd] =	wrdreg s0;
	s21 =	sshrl.u32 s13, $0x3  }
0x15: {  	[dreg:$0xe] =	wrdreg s25;
	s0 =	sadd.s32 $0x9F0, s24;
	s24 =	simm.s32 $0x4000  }
.Ltmp0:
0x16: {  	s25 =	simm.s32 $0x40;
	s18 =	sadd.s32 s14, s13;
	(pc) =	sbr.rel .LBB2_1-.Ltmp0, $4  }
0x17: {  	s22 =	sadd.s32 s12, s21;
	[dreg:$0xf] =	wrdreg s0;
	s21 =	sadd.s32 $0x820, s15  }
0x18: {  	s0 =	simm.s32 $0x1;
	s14 =	simm.s32 $0x4;
	s15 =	simm.s32 $0x2  }
0x19: {  	s20 =	sshrl.u32 s18, $0x3;
	s17 =	sadd.s32 $0x25080, s22;
	s18 =	smax.u32 s8, $0x1  }
0x1a: {  	v0 =	vimm.f32 $0.0e+00;
	s22 =	simm.s32 $0x4100;
	s16 =	sadd.s32 s12, s20;
	s12 =	simm.s32 $0x80  }
.LBB2_6:
0x1b: {  	s13 =	simm.s32 $0x1  }
.LBB2_9:
0x1c: {  	[sflag:s15] =	ssyncadd.s32 @p2 $0xFFFFE000  }
0x1d: {  	[spmem:s3] =	stream.indirect.scatter.add.f32 @p2 [tilespmem:s29], [sflag:$0x5], $0x80, s28, s12, $0xb8;
	[tilespmem:$0x1FD00] =	vst v63  }
0x1e: {  	_ =	swait.ge @p2 [sflag:s23], $0x4000  }
0x1f: {  	s2 =	sshll.u32 s13, $0x8;
	[sflag:s23] =	ssyncset.done @p2 $0x0  }
0x20: {  	s7 =	sadd.s32 $0x10, s7;
	s2 =	sand.u32 $0x3FFFFF00, s2;
	[sflag:s23] =	ssyncadd.s32 @p2 $0xFFFFC000  }
0x21: {  	[tilespmem:s28], [sflag:$0x4] =	stream.linear.gather [hbm4b:s7+s4], $0x80, $0x38;
	[tilespmem:$0x1FD00] =	vst v63  }
0x22: {  	s8 =	sor.u32 $0x80, s2  }
0x23: {  	[tilespmem:s29], [sflag:$0x2] =	stream.indirect.gather [hbm4b:s1+s25], $0x80, s8, s25, $0xb8;
	[tilespmem:$0x1FD00] =	vst v63  }
0x24: {  	s10 =	sor.u32 $0xC0, s2  }
0x25: {  	[tilespmem:s30], [sflag:$0x2] =	stream.indirect.gather [hbm4b:s1+s25], $0x80, s10, s25, $0xb8;
	[tilespmem:$0x1FD00] =	vst v63  }
0x26: {  	_ =	swait.ge [sflag:s31], $0x80  }
0x27: {  	[sflag:s31] =	ssyncset.done $0x0  }
0x28: {  	[sflag:s31] =	ssyncadd.s32 $0xFFFFFF80  }
0x29: {  	_ =	swait.ge [sflag:s0], $0x2000  }
0x2a: {  	[sflag:s0] =	ssyncset.done $0x0  }
0x2b: {  	[sflag:s0] =	ssyncadd.s32 $0xFFFFE000  }
0x2c: {  	_ =	swait.ge [sflag:s0], $0x2000  }
0x2d: {  	[sflag:s0] =	ssyncset.done $0x0  }
0x2e: {  	[sflag:s0] =	ssyncadd.s32 $0xFFFFE000  }
0x2f: {  	[spmem:s3] =	stream.indirect.scatter.add.f32 [tilespmem:s22], [sflag:$0x5], $0x80, s24, s12, $0xb8;
	[tilespmem:$0x1FD00] =	vst v63  }
0x30: {  	_ =	swait.ge [sflag:s23], $0x4000  }
0x31: {  	s13 =	rddreg [dreg:$0x4];
	[sflag:s23] =	ssyncset.done $0x0  }
0x32: {  	[sflag:s23] =	ssyncadd.s32 $0xFFFFC000;
	s7 =	sadd.s32 s20, s13  }
0x33: {  	[tilespmem:s24], [sflag:$0x3] =	stream.linear.gather [hbm4b:s7+s4], $0x80, $0x38;
	[tilespmem:$0x1FD00] =	vst v63  }
0x34: {  	s20 =	sadd.s32 $0x100, s2  }
0x35: {  	[tilespmem:s22], [sflag:$0x1] =	stream.indirect.gather [hbm4b:s1+s25], $0x80, s20, s25, $0xb8;
	[tilespmem:$0x1FD00] =	vst v63  }
0x36: {  	s2 =	sadd.s32 $0x140, s2  }
0x37: {  	[tilespmem:s26], [sflag:$0x1] =	stream.indirect.gather [hbm4b:s1+s25], $0x80, s2, s25, $0xb8;
	[tilespmem:$0x1FD00] =	vst v63  }
0x38: {  	_ =	swait.ge [sflag:s14], $0x80  }
0x39: {  	[sflag:s14] =	ssyncset.done $0x0  }
0x3a: {  	[sflag:s14] =	ssyncadd.s32 $0xFFFFFF80  }
0x3b: {  	_ =	swait.ge [sflag:s15], $0x2000  }
0x3c: {  	[sflag:s15] =	ssyncset.done $0x0  }
0x3d: {  	[sflag:s15] =	ssyncadd.s32 $0xFFFFE000  }
0x3e: {  	_ =	swait.ge [sflag:s15], $0x2000  }
0x3f: {  	[sflag:s15] =	ssyncset.done $0x0  }
0x40: {  	[sflag:s15] =	ssyncadd.s32 $0xFFFFE000  }
0x41: {  	[spmem:s3] =	stream.indirect.scatter.add.f32 [tilespmem:s29], [sflag:$0x5], $0x80, s28, s12, $0xb8;
	[tilespmem:$0x1FD00] =	vst v63  }
0x42: {  	_ =	swait.ge [sflag:s23], $0x4000  }
0x43: {  	s7 =	simm.s32 $0x3F80;
	[sflag:s23] =	ssyncset.done $0x0  }
0x44: {  	s2 =	simm.s32 $0x3FC0;
	s8 =	rddreg [dreg:$0xe];
	[sflag:s23] =	ssyncadd.s32 $0xFFFFC000  }
.LBB2_13:
0x45: {  	[tilespmem:s28], [sflag:$0x4] =	stream.linear.gather [hbm4b:s8+s4], $0x80, $0x38;
	[tilespmem:$0x1FD00] =	vst v63  }
0x46: {  	_ = 	snop  }
0x47: {  	[tilespmem:s29], [sflag:$0x2] =	stream.indirect.gather [hbm4b:s1+s25], $0x80, s7, s25, $0xb8;
	[tilespmem:$0x1FD00] =	vst v63  }
0x48: {  	_ = 	snop  }
0x49: {  	[tilespmem:s30], [sflag:$0x2] =	stream.indirect.gather [hbm4b:s1+s25], $0x80, s2, s25, $0xb8;
	[tilespmem:$0x1FD00] =	vst v63  }
0x4a: {  	_ =	swait.ge [sflag:s31], $0x80  }
0x4b: {  	[sflag:s31] =	ssyncset.done $0x0  }
0x4c: {  	[sflag:s31] =	ssyncadd.s32 $0xFFFFFF80  }
0x4d: {  	_ =	swait.ge [sflag:s0], $0x2000  }
0x4e: {  	[sflag:s0] =	ssyncset.done $0x0  }
0x4f: {  	[sflag:s0] =	ssyncadd.s32 $0xFFFFE000  }
0x50: {  	_ =	swait.ge [sflag:s0], $0x2000  }
0x51: {  	[sflag:s0] =	ssyncset.done $0x0  }
0x52: {  	[sflag:s0] =	ssyncadd.s32 $0xFFFFE000  }
0x53: {  	[spmem:s3] =	stream.indirect.scatter.add.f32 [tilespmem:s22], [sflag:$0x5], $0x80, s24, s12, $0xb8;
	[tilespmem:$0x1FD00] =	vst v63  }
0x54: {  	_ =	swait.ge [sflag:s23], $0x4000  }
0x55: {  	[sflag:s23] =	ssyncset.done $0x0  }
0x56: {  	[sflag:s23] =	ssyncadd.s32 $0xFFFFC000  }
0x57: {  	_ =	swait.ge [sflag:s14], $0x80  }
0x58: {  	[sflag:s14] =	ssyncset.done $0x0  }
0x59: {  	[sflag:s14] =	ssyncadd.s32 $0xFFFFFF80  }
0x5a: {  	_ =	swait.ge [sflag:s15], $0x2000  }
0x5b: {  	[sflag:s15] =	ssyncset.done $0x0  }
0x5c: {  	[sflag:s15] =	ssyncadd.s32 $0xFFFFE000  }
0x5d: {  	_ =	swait.ge [sflag:s15], $0x2000  }
0x5e: {  	[sflag:s15] =	ssyncset.done $0x0  }
0x5f: {  	[sflag:s15] =	ssyncadd.s32 $0xFFFFE000  }
0x60: {  	[spmem:s3] =	stream.indirect.scatter.add.f32 [tilespmem:s29], [sflag:$0x5], $0x80, s28, s12, $0xb8;
	[tilespmem:$0x1FD00] =	vst v63  }
0x61: {  	_ =	swait.ge [sflag:s23], $0x4000  }
0x62: {  	[sflag:s23] =	ssyncset.done $0x0  }
0x63: {  	[sflag:s23] =	ssyncadd.s32 $0xFFFFC000  }
0x64: {  	s7 =	simm.s32 @p1 $0x1FC5;
	s2 =	sshrl.u32 @p1 s6, $0x3;
	[bflag:$0x0] =	sbarrier.arrive $0xFFFF  }
0x65: {  	[hbm:s17], [sflag:s7] =	dma.local @p1 [spmem:s2], $0x2080  }
0x66: {  	s2 =	simm.s32 @p1 $0x5  }
0x67: {  	s19 =	sadd.s32 $0x1, s19;
	_ =	swait.ge @p1 [sflag:s2], $0x2080  }
0x68: {  	p2 =	sne.s32 s19, s18;
	s7 =	sshll.u32 @!p1 s11, $0x6;
	[sflag:s2] =	ssyncset.done @p1 $0x0  }
0x69: {  	[sflag:s2] =	ssyncadd.s32 @p1 $0xFFFFDF80;
	s2 =	sor.u32 @!p1 $0x1C05, s7;
	s7 =	sshrl.u32 @!p1 s6, $0x3  }
0x6a: {  	[hbm:s16], [sflag:s2] =	dma.local @!p1 [spmem:s7], $0x2780  }
.Ltmp1:
0x6b: {  	_ = 	snop;
	(pc) =	sbr.rel @!p2 .LBB2_14-.Ltmp1, $4  }
0x6c: {  	s2 =	simm.s32 @!p1 $0x5  }
0x6d: {  	_ =	swait.ge @!p1 [sflag:s2], $0x2780  }
0x6e: {  	[sflag:s2] =	ssyncset.done @!p1 $0x0  }
0x6f: {  	[sflag:s2] =	ssyncadd.s32 @!p1 $0xFFFFD880  }
.LBB2_1:
0x70: {  	s2 =	sand.u32 $0xFE00, s4  }
0x71: {  	s7 =	sand.u32 $0x70, s4;
	s8 =	sshrl.u32 s2, $0x2  }
0x72: {  	s2 =	simm.s32 $0x40;
	s8 =	sor.u32 s7, s8;
	s7 =	simm.s32 $0x0  }
.LBB2_2:
0x73: {  	p2 =	sne.s32 s2, $0xFFC0  }
0x74: {  	[tilespmem:s8+$0x4100] =	vst v0;
	s7 =	sadd.s32 $0x10, s7;
	s8 =	smov.u32 s2;
	s2 =	sadd.s32 $0x40, s2  }
.Ltmp2:
0x75: {  	(pc) =	sbr.rel @p2 .LBB2_2-.Ltmp2, $4  }
0x76: {  	_ = 	snop  }
0x77: {  	s8 =	sand.u32 $0xFE00, s8  }
0x78: {  	s13 =	sand.u32 $0x70, s7;
	s8 =	sshrl.u32 s8, $0x2  }
0x79: {  	s8 =	sor.u32 s13, s8  }
0x7a: {  	[tilespmem:s8+$0x4100] =	vst v0  }
0x7b: {  	[spmem:s6] =	stream.linear.scatter [tilespmem:s22], [sflag:$0x5], $0x4000, $0x38;
	[tilespmem:$0x1FD00] =	vst v63  }
0x7c: {  	_ =	swait.ge [sflag:s23], $0x4000  }
0x7d: {  	[sflag:s23] =	ssyncset.done $0x0  }
0x7e: {  	s2 =	rddreg [dreg:$0x6];
	[sflag:s23] =	ssyncadd.s32 $0xFFFFC000  }
0x7f: {  	[spmem:s2] =	stream.linear.scatter [tilespmem:s22], [sflag:$0x5], $0x4000, $0x38;
	[tilespmem:$0x1FD00] =	vst v63  }
0x80: {  	_ =	swait.ge [sflag:s23], $0x4000  }
0x81: {  	[sflag:s23] =	ssyncset.done $0x0  }
0x82: {  	s10 =	rddreg [dreg:$0x7];
	[sflag:s23] =	ssyncadd.s32 $0xFFFFC000  }
0x83: {  	[spmem:s10] =	stream.linear.scatter [tilespmem:s22], [sflag:$0x5], $0x4000, $0x38;
	[tilespmem:$0x1FD00] =	vst v63  }
0x84: {  	_ =	swait.ge [sflag:s23], $0x4000  }
0x85: {  	[sflag:s23] =	ssyncset.done $0x0  }
0x86: {  	s13 =	rddreg [dreg:$0x8];
	[sflag:s23] =	ssyncadd.s32 $0xFFFFC000  }
0x87: {  	[spmem:s13] =	stream.linear.scatter [tilespmem:s22], [sflag:$0x5], $0x4000, $0x38;
	[tilespmem:$0x1FD00] =	vst v63  }
0x88: {  	_ =	swait.ge [sflag:s23], $0x4000  }
0x89: {  	[sflag:s23] =	ssyncset.done $0x0  }
0x8a: {  	s20 =	rddreg [dreg:$0x9];
	[sflag:s23] =	ssyncadd.s32 $0xFFFFC000  }
0x8b: {  	[spmem:s20] =	stream.linear.scatter [tilespmem:s22], [sflag:$0x5], $0x3C00, $0x38;
	[tilespmem:$0x1FD00] =	vst v63  }
.Ltmp3:
0x8c: {  	_ =	swait.ge [sflag:s23], $0x3C00;
	(pc) =	sbr.rel @!p0 .LBB2_4-.Ltmp3, $3  }
0x8d: {  	[sflag:s23] =	ssyncset.done $0x0  }
0x8e: {  	[sflag:s23] =	ssyncadd.s32 $0xFFFFC400  }
0x8f: {  	[bflag:$0x0] =	sbarrier.arrive $0xFFFF;
	_ =	sdelay $0x1  }
0x90: {  	s20 =	simm.s32 $0x0;
	s2 =	rddreg [dreg:$0xc]  }
0x91: {  	[tilespmem:s20], [sflag:$0x5] =	stream.linear.gather [hbm4b:s2+s20], $0x1000, $0x38;
	[tilespmem:$0x1FD00] =	vst v63  }
0x92: {  	_ =	swait.ge [sflag:s23], $0x1000  }
0x93: {  	[sflag:s23] =	ssyncset.done $0x0;
	s7 =	rddreg [dreg:$0x5]  }
0x94: {  	s13 =	rddreg [dreg:$0xd];
	[sflag:s23] =	ssyncadd.s32 $0xFFFFF000;
	s2 =	sadd.s32 $0x0, s7  }
0x95: {  	[tilespmem:s24], [sflag:$0x3] =	stream.linear.gather [hbm4b:s13+s20], $0x80, $0x38;
	[tilespmem:$0x1FD00] =	vst v63  }
0x96: {  	s7 =	sand.u32 $0x300, s20;
	s2 =	sand.u32 $0xFFC00, s2  }
0x97: {  	s2 =	sor.u32 s2, s7  }
0x98: {  	[tilespmem:s22], [sflag:$0x1] =	stream.indirect.gather [hbm4b:s1+s25], $0x80, s20, s25, $0xb8;
	[tilespmem:$0x1FD00] =	vst v63  }
0x99: {  	s2 =	sshrl.u32 s2, $0x3  }
0x9a: {  	s2 =	sadd.s32 s2, s5  }
0x9b: {  	[tilespmem:s26], [sflag:$0x1] =	stream.indirect.gather [hbm4b:s1+s25], $0x80, s25, s25, $0xb8;
	[tilespmem:$0x1FD00] =	vst v63  }
0x9c: {  	s2 =	sadd.s32 $0x10, s2  }
0x9d: {  	[tilespmem:s28], [sflag:$0x4] =	stream.linear.gather [hbm4b:s2+s4], $0x80, $0x38;
	[tilespmem:$0x1FD00] =	vst v63  }
0x9e: {  	s8 =	simm.s32 $0x80  }
0x9f: {  	[tilespmem:s29], [sflag:$0x2] =	stream.indirect.gather [hbm4b:s1+s25], $0x80, s8, s25, $0xb8;
	[tilespmem:$0x1FD00] =	vst v63  }
0xa0: {  	s10 =	simm.s32 $0xC0  }
0xa1: {  	[tilespmem:s30], [sflag:$0x2] =	stream.indirect.gather [hbm4b:s1+s25], $0x80, s10, s25, $0xb8;
	[tilespmem:$0x1FD00] =	vst v63  }
0xa2: {  	_ =	swait.ge [sflag:s31], $0x80  }
0xa3: {  	[sflag:s31] =	ssyncset.done $0x0  }
0xa4: {  	[sflag:s31] =	ssyncadd.s32 $0xFFFFFF80  }
0xa5: {  	_ =	swait.ge [sflag:s0], $0x2000  }
0xa6: {  	[sflag:s0] =	ssyncset.done $0x0  }
0xa7: {  	[sflag:s0] =	ssyncadd.s32 $0xFFFFE000  }
0xa8: {  	_ =	swait.ge [sflag:s0], $0x2000  }
0xa9: {  	[sflag:s0] =	ssyncset.done $0x0  }
0xaa: {  	[sflag:s0] =	ssyncadd.s32 $0xFFFFE000  }
0xab: {  	[spmem:s3] =	stream.indirect.scatter.add.f32 [tilespmem:s22], [sflag:$0x5], $0x80, s24, s12, $0xb8;
	[tilespmem:$0x1FD00] =	vst v63  }
0xac: {  	_ =	swait.ge [sflag:s23], $0x4000  }
0xad: {  	[sflag:s23] =	ssyncset.done $0x0  }
0xae: {  	[sflag:s23] =	ssyncadd.s32 $0xFFFFC000  }
0xaf: {  	[tilespmem:s24], [sflag:$0x3] =	stream.linear.gather [hbm4b:s21+s4], $0x80, $0x38;
	[tilespmem:$0x1FD00] =	vst v63  }
0xb0: {  	s11 =	simm.s32 $0x100  }
0xb1: {  	[tilespmem:s22], [sflag:$0x1] =	stream.indirect.gather [hbm4b:s1+s25], $0x80, s11, s25, $0xb8;
	[tilespmem:$0x1FD00] =	vst v63  }
0xb2: {  	s13 =	simm.s32 $0x140  }
0xb3: {  	[tilespmem:s26], [sflag:$0x1] =	stream.indirect.gather [hbm4b:s1+s25], $0x80, s13, s25, $0xb8;
	[tilespmem:$0x1FD00] =	vst v63  }
0xb4: {  	_ =	swait.ge [sflag:s14], $0x80  }
0xb5: {  	[sflag:s14] =	ssyncset.done $0x0  }
0xb6: {  	[sflag:s14] =	ssyncadd.s32 $0xFFFFFF80  }
0xb7: {  	_ =	swait.ge [sflag:s15], $0x2000  }
0xb8: {  	[sflag:s15] =	ssyncset.done $0x0  }
0xb9: {  	[sflag:s15] =	ssyncadd.s32 $0xFFFFE000  }
0xba: {  	_ =	swait.ge [sflag:s15], $0x2000  }
0xbb: {  	[sflag:s15] =	ssyncset.done $0x0  }
0xbc: {  	[sflag:s15] =	ssyncadd.s32 $0xFFFFE000  }
0xbd: {  	[spmem:s3] =	stream.indirect.scatter.add.f32 [tilespmem:s29], [sflag:$0x5], $0x80, s28, s12, $0xb8;
	[tilespmem:$0x1FD00] =	vst v63  }
0xbe: {  	s7 =	simm.s32 $0x800;
	s2 =	smov.u32 s21;
	_ =	swait.ge [sflag:s23], $0x4000  }
0xbf: {  	s13 =	simm.s32 $0x400;
	s8 =	rddreg [dreg:$0x5];
	[sflag:s23] =	ssyncset.done $0x0  }
.LBB2_11:
0xc0: {  	s20 =	sadd.s32 $0x100, s20  }
0xc1: {  	s8 =	sadd.s32 s20, s8  }
0xc2: {  	s11 =	sand.u32 $0x300, s20;
	s8 =	sand.u32 $0xFFC00, s8  }
0xc3: {  	s8 =	sor.u32 s8, s11  }
0xc4: {  	s8 =	sshrl.u32 s8, $0x3  }
0xc5: {  	[sflag:s23] =	ssyncadd.s32 $0xFFFFC000;
	s8 =	sadd.s32 s8, s5  }
0xc6: {  	s10 =	smov.u32 s7;
	s11 =	sshra.s32 s13, $0x2;
	s8 =	sadd.s32 $0x10, s8  }
0xc7: {  	[tilespmem:s28], [sflag:$0x4] =	stream.linear.gather [hbm4b:s8+s4], $0x80, $0x38;
	[tilespmem:$0x1FD00] =	vst v63  }
0xc8: {  	s13 =	smov.u32 s10;
	s10 =	sadd.s32 $0x80, s11  }
0xc9: {  	[tilespmem:s29], [sflag:$0x2] =	stream.indirect.gather [hbm4b:s1+s25], $0x80, s10, s25, $0xb8;
	[tilespmem:$0x1FD00] =	vst v63  }
0xca: {  	s10 =	sadd.s32 $0xC0, s11  }
0xcb: {  	[tilespmem:s30], [sflag:$0x2] =	stream.indirect.gather [hbm4b:s1+s25], $0x80, s10, s25, $0xb8;
	[tilespmem:$0x1FD00] =	vst v63  }
0xcc: {  	_ =	swait.ge [sflag:s31], $0x80  }
0xcd: {  	[sflag:s31] =	ssyncset.done $0x0  }
0xce: {  	[sflag:s31] =	ssyncadd.s32 $0xFFFFFF80  }
0xcf: {  	_ =	swait.ge [sflag:s0], $0x2000  }
0xd0: {  	[sflag:s0] =	ssyncset.done $0x0  }
0xd1: {  	[sflag:s0] =	ssyncadd.s32 $0xFFFFE000  }
0xd2: {  	_ =	swait.ge [sflag:s0], $0x2000  }
0xd3: {  	[sflag:s0] =	ssyncset.done $0x0  }
0xd4: {  	[sflag:s0] =	ssyncadd.s32 $0xFFFFE000  }
0xd5: {  	[spmem:s3] =	stream.indirect.scatter.add.f32 [tilespmem:s22], [sflag:$0x5], $0x80, s24, s12, $0xb8;
	[tilespmem:$0x1FD00] =	vst v63  }
0xd6: {  	_ =	swait.ge [sflag:s23], $0x4000  }
0xd7: {  	[sflag:s23] =	ssyncset.done $0x0  }
0xd8: {  	s2 =	sadd.s32 $0x20, s2;
	[sflag:s23] =	ssyncadd.s32 $0xFFFFC000  }
0xd9: {  	[tilespmem:s24], [sflag:$0x3] =	stream.linear.gather [hbm4b:s2+s4], $0x80, $0x38;
	[tilespmem:$0x1FD00] =	vst v63  }
0xda: {  	s10 =	sadd.s32 $0x100, s11  }
0xdb: {  	[tilespmem:s22], [sflag:$0x1] =	stream.indirect.gather [hbm4b:s1+s25], $0x80, s10, s25, $0xb8;
	[tilespmem:$0x1FD00] =	vst v63  }
0xdc: {  	s11 =	sadd.s32 $0x140, s11  }
0xdd: {  	[tilespmem:s26], [sflag:$0x1] =	stream.indirect.gather [hbm4b:s1+s25], $0x80, s11, s25, $0xb8;
	[tilespmem:$0x1FD00] =	vst v63  }
0xde: {  	_ =	swait.ge [sflag:s14], $0x80  }
0xdf: {  	[sflag:s14] =	ssyncset.done $0x0  }
0xe0: {  	[sflag:s14] =	ssyncadd.s32 $0xFFFFFF80  }
0xe1: {  	_ =	swait.ge [sflag:s15], $0x2000  }
0xe2: {  	[sflag:s15] =	ssyncset.done $0x0  }
0xe3: {  	[sflag:s15] =	ssyncadd.s32 $0xFFFFE000  }
0xe4: {  	p2 =	sne.s32 s7, $0x3800;
	_ =	swait.ge [sflag:s15], $0x2000  }
.Ltmp4:
0xe5: {  	[sflag:s15] =	ssyncset.done $0x0;
	(pc) =	sbr.rel @p2 .LBB2_11-.Ltmp4, $4  }
0xe6: {  	[sflag:s15] =	ssyncadd.s32 $0xFFFFE000  }
0xe7: {  	[spmem:s3] =	stream.indirect.scatter.add.f32 [tilespmem:s29], [sflag:$0x5], $0x80, s28, s12, $0xb8;
	[tilespmem:$0x1FD00] =	vst v63  }
0xe8: {  	_ =	swait.ge [sflag:s23], $0x4000  }
0xe9: {  	s7 =	sadd.s32 $0x400, s7;
	s8 =	rddreg [dreg:$0x5];
	[sflag:s23] =	ssyncset.done $0x0  }
0xea: {  	s7 =	sadd.s32 $0x100, s20  }
0xeb: {  	s8 =	sadd.s32 s7, s8  }
0xec: {  	s7 =	sand.u32 $0x300, s7;
	s8 =	sand.u32 $0xFFC00, s8  }
0xed: {  	s7 =	sor.u32 s8, s7  }
0xee: {  	s7 =	sshrl.u32 s7, $0x3  }
0xef: {  	s7 =	sadd.s32 s7, s5  }
0xf0: {  	[sflag:s23] =	ssyncadd.s32 $0xFFFFC000;
	s20 =	sshra.s32 s13, $0x2;
	s7 =	sadd.s32 $0x10, s7  }
0xf1: {  	[tilespmem:s28], [sflag:$0x4] =	stream.linear.gather [hbm4b:s7+s4], $0x80, $0x38;
	[tilespmem:$0x1FD00] =	vst v63  }
0xf2: {  	s10 =	sadd.s32 $0x80, s20  }
0xf3: {  	[tilespmem:s29], [sflag:$0x2] =	stream.indirect.gather [hbm4b:s1+s25], $0x80, s10, s25, $0xb8;
	[tilespmem:$0x1FD00] =	vst v63  }
0xf4: {  	s11 =	sadd.s32 $0xC0, s20  }
0xf5: {  	[tilespmem:s30], [sflag:$0x2] =	stream.indirect.gather [hbm4b:s1+s25], $0x80, s11, s25, $0xb8;
	[tilespmem:$0x1FD00] =	vst v63  }
0xf6: {  	_ =	swait.ge [sflag:s31], $0x80  }
0xf7: {  	[sflag:s31] =	ssyncset.done $0x0  }
0xf8: {  	[sflag:s31] =	ssyncadd.s32 $0xFFFFFF80  }
0xf9: {  	_ =	swait.ge [sflag:s0], $0x2000  }
0xfa: {  	[sflag:s0] =	ssyncset.done $0x0  }
0xfb: {  	[sflag:s0] =	ssyncadd.s32 $0xFFFFE000  }
0xfc: {  	_ =	swait.ge [sflag:s0], $0x2000  }
0xfd: {  	[sflag:s0] =	ssyncset.done $0x0  }
0xfe: {  	[sflag:s0] =	ssyncadd.s32 $0xFFFFE000  }
0xff: {  	[spmem:s3] =	stream.indirect.scatter.add.f32 [tilespmem:s22], [sflag:$0x5], $0x80, s24, s12, $0xb8;
	[tilespmem:$0x1FD00] =	vst v63  }
0x100: {  	_ =	swait.ge [sflag:s23], $0x4000  }
0x101: {  	[sflag:s23] =	ssyncset.done $0x0  }
0x102: {  	s2 =	sadd.s32 $0x20, s2;
	[sflag:s23] =	ssyncadd.s32 $0xFFFFC000  }
0x103: {  	[tilespmem:s24], [sflag:$0x3] =	stream.linear.gather [hbm4b:s2+s4], $0x80, $0x38;
	[tilespmem:$0x1FD00] =	vst v63  }
0x104: {  	s13 =	sadd.s32 $0x100, s20  }
0x105: {  	[tilespmem:s22], [sflag:$0x1] =	stream.indirect.gather [hbm4b:s1+s25], $0x80, s13, s25, $0xb8;
	[tilespmem:$0x1FD00] =	vst v63  }
0x106: {  	s20 =	sadd.s32 $0x140, s20  }
0x107: {  	[tilespmem:s26], [sflag:$0x1] =	stream.indirect.gather [hbm4b:s1+s25], $0x80, s20, s25, $0xb8;
	[tilespmem:$0x1FD00] =	vst v63  }
0x108: {  	_ =	swait.ge [sflag:s14], $0x80  }
0x109: {  	[sflag:s14] =	ssyncset.done $0x0  }
0x10a: {  	[sflag:s14] =	ssyncadd.s32 $0xFFFFFF80  }
0x10b: {  	_ =	swait.ge [sflag:s15], $0x2000  }
0x10c: {  	[sflag:s15] =	ssyncset.done $0x0  }
0x10d: {  	[sflag:s15] =	ssyncadd.s32 $0xFFFFE000  }
0x10e: {  	_ =	swait.ge [sflag:s15], $0x2000  }
0x10f: {  	[sflag:s15] =	ssyncset.done $0x0  }
.Ltmp5:
0x110: {  	[sflag:s15] =	ssyncadd.s32 $0xFFFFE000;
	(pc) =	sbr.rel .LBB2_13-.Ltmp5, $4  }
0x111: {  	[spmem:s3] =	stream.indirect.scatter.add.f32 [tilespmem:s29], [sflag:$0x5], $0x80, s28, s12, $0xb8;
	[tilespmem:$0x1FD00] =	vst v63  }
0x112: {  	_ =	swait.ge [sflag:s23], $0x4000  }
0x113: {  	s7 =	simm.s32 $0xF80;
	s11 =	stileid.u32;
	[sflag:s23] =	ssyncset.done $0x0  }
0x114: {  	s2 =	simm.s32 $0xFC0;
	s8 =	rddreg [dreg:$0xf];
	[sflag:s23] =	ssyncadd.s32 $0xFFFFC000  }
.LBB2_4:
0x115: {  	s13 =	simm.s32 $0x0;
	s2 =	rddreg [dreg:$0xa]  }
0x116: {  	[tilespmem:s13], [sflag:$0x5] =	stream.linear.gather [hbm4b:s2+s13], $0x4000, $0x38;
	[tilespmem:$0x1FD00] =	vst v63  }
0x117: {  	_ =	swait.ge [sflag:s23], $0x4000  }
0x118: {  	s10 =	simm.s32 $0x0;
	[sflag:s23] =	ssyncset.done $0x0  }
0x119: {  	p3 =	por $0x0, $0x0;
	s8 =	rddreg [dreg:$0xb];
	[sflag:s23] =	ssyncadd.s32 $0xFFFFC000  }
0x11a: {  	[tilespmem:s24], [sflag:$0x3] =	stream.linear.gather [hbm4b:s8+s13], $0x80, $0x38;
	[tilespmem:$0x1FD00] =	vst v63  }
.Ltmp6:
0x11b: {  	s20 =	sadd.s32 $0x0, s9;
	s2 =	sand.u32 $0x60, s10;
	(pc) =	sbr.rel @p3 .LBB2_9-.Ltmp6, $4  }
0x11c: {  	s7 =	sand.u32 $0x1FF80, s20;
	s8 =	sadd.s32 s2, s5  }
0x11d: {  	[tilespmem:s22], [sflag:$0x1] =	stream.indirect.gather [hbm4b:s1+s25], $0x80, s13, s25, $0xb8;
	[tilespmem:$0x1FD00] =	vst v63  }
0x11e: {  	p2 =	por $0x0, $0x0;
	s2 =	simm.s32 $0x1;
	s7 =	sadd.s32 s7, s8  }
0x11f: {  	[tilespmem:s26], [sflag:$0x1] =	stream.indirect.gather [hbm4b:s1+s25], $0x80, s25, s25, $0xb8;
	[tilespmem:$0x1FD00] =	vst v63  }
0x120: {  	s8 =	simm.s32 $0x0  }
0x121: {  	s7 =	sadd.s32 $0x10, s7;
	s8 =	sand.u32 $0x3FFFFF00, s8  }
0x122: {  	[tilespmem:s28], [sflag:$0x4] =	stream.linear.gather [hbm4b:s7+s4], $0x80, $0x38;
	[tilespmem:$0x1FD00] =	vst v63  }
0x123: {  	s10 =	sor.u32 $0x80, s8  }
0x124: {  	[tilespmem:s29], [sflag:$0x2] =	stream.indirect.gather [hbm4b:s1+s25], $0x80, s10, s25, $0xb8;
	[tilespmem:$0x1FD00] =	vst v63  }
0x125: {  	s13 =	sor.u32 $0xC0, s8  }
0x126: {  	[tilespmem:s30], [sflag:$0x2] =	stream.indirect.gather [hbm4b:s1+s25], $0x80, s13, s25, $0xb8;
	[tilespmem:$0x1FD00] =	vst v63  }
0x127: {  	_ =	swait.ge [sflag:s31], $0x80  }
0x128: {  	[sflag:s31] =	ssyncset.done $0x0  }
0x129: {  	[sflag:s31] =	ssyncadd.s32 $0xFFFFFF80  }
0x12a: {  	_ =	swait.ge [sflag:s0], $0x2000  }
0x12b: {  	[sflag:s0] =	ssyncset.done $0x0  }
0x12c: {  	[sflag:s0] =	ssyncadd.s32 $0xFFFFE000  }
0x12d: {  	_ =	swait.ge [sflag:s0], $0x2000  }
0x12e: {  	[sflag:s0] =	ssyncset.done $0x0  }
0x12f: {  	[sflag:s0] =	ssyncadd.s32 $0xFFFFE000  }
0x130: {  	[spmem:s3] =	stream.indirect.scatter.add.f32 [tilespmem:s22], [sflag:$0x5], $0x80, s24, s12, $0xb8;
	[tilespmem:$0x1FD00] =	vst v63  }
0x131: {  	_ =	swait.ge [sflag:s23], $0x4000  }
0x132: {  	s10 =	rddreg [dreg:$0x4];
	[sflag:s23] =	ssyncset.done $0x0  }
0x133: {  	[sflag:s23] =	ssyncadd.s32 $0xFFFFC000;
	s7 =	sadd.s32 s20, s10  }
0x134: {  	[tilespmem:s24], [sflag:$0x3] =	stream.linear.gather [hbm4b:s7+s4], $0x80, $0x38;
	[tilespmem:$0x1FD00] =	vst v63  }
0x135: {  	s13 =	sadd.s32 $0x100, s8  }
0x136: {  	[tilespmem:s22], [sflag:$0x1] =	stream.indirect.gather [hbm4b:s1+s25], $0x80, s13, s25, $0xb8;
	[tilespmem:$0x1FD00] =	vst v63  }
0x137: {  	s20 =	sadd.s32 $0x140, s8  }
0x138: {  	[tilespmem:s26], [sflag:$0x1] =	stream.indirect.gather [hbm4b:s1+s25], $0x80, s20, s25, $0xb8;
	[tilespmem:$0x1FD00] =	vst v63  }
0x139: {  	_ =	swait.ge [sflag:s14], $0x80  }
0x13a: {  	[sflag:s14] =	ssyncset.done $0x0  }
0x13b: {  	p3 =	por $0x0, $0x0;
	[sflag:s14] =	ssyncadd.s32 $0xFFFFFF80  }
.Ltmp7:
0x13c: {  	_ =	swait.ge [sflag:s15], $0x2000;
	(pc) =	sbr.rel @p3 .LBB2_6-.Ltmp7, $4  }
0x13d: {  	p2 =	por $0x1, $0x1;
	s8 =	simm.s32 $0x20;
	[sflag:s15] =	ssyncset.done $0x0  }
0x13e: {  	s7 =	sand.u32 $0x60, s8;
	s20 =	sadd.s32 $0x20, s9;
	[sflag:s15] =	ssyncadd.s32 $0xFFFFE000  }
0x13f: {  	s7 =	sadd.s32 s7, s5;
	s10 =	sand.u32 $0x1FF80, s20;
	_ =	swait.ge [sflag:s15], $0x2000  }
0x140: {  	s13 =	simm.s32 $0x2;
	s7 =	sadd.s32 s10, s7;
	[sflag:s15] =	ssyncset.done $0x0  }
.LBB2_7:
0x141: {  	[sflag:s15] =	ssyncadd.s32 $0xFFFFE000  }
0x142: {  	[spmem:s3] =	stream.indirect.scatter.add.f32 [tilespmem:s29], [sflag:$0x5], $0x80, s28, s12, $0xb8;
	[tilespmem:$0x1FD00] =	vst v63  }
0x143: {  	_ =	swait.ge [sflag:s23], $0x4000  }
0x144: {  	s2 =	sshll.u32 s2, $0x8;
	[sflag:s23] =	ssyncset.done $0x0  }
0x145: {  	s7 =	sadd.s32 $0x10, s7;
	s10 =	sand.u32 $0x3FFFFF00, s2;
	[sflag:s23] =	ssyncadd.s32 $0xFFFFC000  }
0x146: {  	[tilespmem:s28], [sflag:$0x4] =	stream.linear.gather [hbm4b:s7+s4], $0x80, $0x38;
	[tilespmem:$0x1FD00] =	vst v63  }
0x147: {  	s8 =	smov.u32 s13;
	s7 =	sor.u32 $0x80, s10  }
0x148: {  	[tilespmem:s29], [sflag:$0x2] =	stream.indirect.gather [hbm4b:s1+s25], $0x80, s7, s25, $0xb8;
	[tilespmem:$0x1FD00] =	vst v63  }
0x149: {  	s2 =	smov.u32 s8;
	s8 =	sor.u32 $0xC0, s10  }
0x14a: {  	[tilespmem:s30], [sflag:$0x2] =	stream.indirect.gather [hbm4b:s1+s25], $0x80, s8, s25, $0xb8;
	[tilespmem:$0x1FD00] =	vst v63  }
0x14b: {  	_ =	swait.ge [sflag:s31], $0x80  }
0x14c: {  	[sflag:s31] =	ssyncset.done $0x0  }
0x14d: {  	[sflag:s31] =	ssyncadd.s32 $0xFFFFFF80  }
0x14e: {  	_ =	swait.ge [sflag:s0], $0x2000  }
0x14f: {  	[sflag:s0] =	ssyncset.done $0x0  }
0x150: {  	[sflag:s0] =	ssyncadd.s32 $0xFFFFE000  }
0x151: {  	_ =	swait.ge [sflag:s0], $0x2000  }
0x152: {  	[sflag:s0] =	ssyncset.done $0x0  }
0x153: {  	[sflag:s0] =	ssyncadd.s32 $0xFFFFE000  }
0x154: {  	[spmem:s3] =	stream.indirect.scatter.add.f32 [tilespmem:s22], [sflag:$0x5], $0x80, s24, s12, $0xb8;
	[tilespmem:$0x1FD00] =	vst v63  }
0x155: {  	_ =	swait.ge [sflag:s23], $0x4000  }
0x156: {  	s8 =	rddreg [dreg:$0x4];
	[sflag:s23] =	ssyncset.done $0x0  }
0x157: {  	[sflag:s23] =	ssyncadd.s32 $0xFFFFC000;
	s7 =	sadd.s32 s20, s8  }
0x158: {  	[tilespmem:s24], [sflag:$0x3] =	stream.linear.gather [hbm4b:s7+s4], $0x80, $0x38;
	[tilespmem:$0x1FD00] =	vst v63  }
0x159: {  	s8 =	sadd.s32 $0x100, s10  }
0x15a: {  	[tilespmem:s22], [sflag:$0x1] =	stream.indirect.gather [hbm4b:s1+s25], $0x80, s8, s25, $0xb8;
	[tilespmem:$0x1FD00] =	vst v63  }
0x15b: {  	s20 =	sadd.s32 $0x140, s10  }
0x15c: {  	[tilespmem:s26], [sflag:$0x1] =	stream.indirect.gather [hbm4b:s1+s25], $0x80, s20, s25, $0xb8;
	[tilespmem:$0x1FD00] =	vst v63  }
0x15d: {  	_ =	swait.ge [sflag:s14], $0x80  }
0x15e: {  	[sflag:s14] =	ssyncset.done $0x0  }
0x15f: {  	p3 =	seq.s32 s13, $0x3E;
	[sflag:s14] =	ssyncadd.s32 $0xFFFFFF80  }
.Ltmp8:
0x160: {  	_ =	swait.ge [sflag:s15], $0x2000;
	(pc) =	sbr.rel @!p3 .LBB2_7-.Ltmp8, $4  }
0x161: {  	s8 =	sshll.u32 s2, $0x5;
	[sflag:s15] =	ssyncset.done $0x0  }
0x162: {  	s7 =	sand.u32 $0x60, s8;
	s20 =	sadd.s32 s9, s8;
	[sflag:s15] =	ssyncadd.s32 $0xFFFFE000  }
0x163: {  	s7 =	sadd.s32 s7, s5;
	s10 =	sand.u32 $0x1FF80, s20;
	_ =	swait.ge [sflag:s15], $0x2000  }
0x164: {  	s13 =	sadd.s32 $0x1, s13;
	s7 =	sadd.s32 s10, s7;
	[sflag:s15] =	ssyncset.done $0x0  }
.Ltmp9:
0x165: {  	(pc) =	sbr.rel .LBB2_9-.Ltmp9, $2  }
0x166: {  	_ =	sdelay $0x2  }
0x167: {  	s13 =	smov.u32 s2  }
.LBB2_14:
0x168: {  	_ =	sfence.sel $0x180000  }
0x169: {  	[bflag:$0x0] =	sbarrier.arrive $0xFFFF  }
0x16a: {  	_ =	strace $0x9000004D  }
0x16b: {  	[bflag:$0x2] =	sbarrier.arrive $0xFFFF  }
0x16c: {  	p0 =	sne.s32 s11, $0x0;
	s0 =	rddreg [dreg:$0x3]  }
0x16d: {  	s0 =	sadd.s32 @!p0 $0x100000, s0  }
0x16e: {  	[sflag:s0] =	ssyncadd.tile.s32 @!p0 $0x1;
	_ =	shalt  }
.Lfunc_end2:
_tile_overlayer_lowered:
.L_overlay_start_2:
0x16f: {  	(tag) =	ssettag $0x2  }
0x170: {  	s0 =	rddreg [dreg:$0x0];
	s2 =	stileid.u32  }
0x171: {  	s1 =	rddreg [dreg:$0x1];
	p0 =	sne.s32 s2, $0x0  }
0x172: {  	s3 =	rddreg [dreg:$0x2];
	[bflag:$0x3] =	sbarrier.arrive $0xFFFF;
	s2 =	simm.s32 @!p0 $0x1C05  }
0x173: {  	[timem:s3], [sflag:s2] =	dma.local @!p0 [hbm:s0], s1  }
0x174: {  	s0 =	simm.s32 @!p0 $0x5  }
0x175: {  	_ =	swait.ge @!p0 [sflag:s0], s1  }
0x176: {  	s1 =	ssub.s32 @!p0 $0x0, s1;
	[sflag:s0] =	ssyncset.done @!p0 $0x0  }
0x177: {  	[sflag:s0] =	ssyncadd.s32 @!p0 s1  }
0x178: {  	[bflag:$0x3] =	sbarrier.arrive $0xFFFF  }
0x179: {  	_ =	shalt  }

// kernel: kernel.8.cloned.1.call-start
scs
__scs_entry_jumppad:
0x0: {  	(pc) =	sbr.rel $0x88, $3  }
0x1: {  	(tag) =	ssettag $0x0;
	lr =	simm.s32 $0x1  }
0x2: {  	[smem:$0x3F9B] =	sst lr;
	_ =	strace $0xD0000000  }
0x3: {  	_ = 	snop  }
0x4: {  	_ = 	snop  }
0x5: {  	_ = 	snop  }
0x6: {  	_ = 	snop  }
0x7: {  	_ = 	snop  }
__scs_overlays_trampoline_lowered:
0x8: {  	[smem:$0x3FAA] =	sst s0  }
0x9: {  	[smem:$0x3FAB] =	sst s1  }
0xa: {  	[smem:$0x3FAC] =	sst s2  }
0xb: {  	[smem:$0x3FAD] =	sst s3  }
0xc: {  	[smem:$0x3FAE] =	sst s4  }
0xd: {  	[smem:$0x3FAF] =	sst s5  }
0xe: {  	[smem:$0x3FB0] =	sst s6  }
0xf: {  	[smem:$0x3FB1] =	sst s7  }
0x10: {  	[smem:$0x3FB2] =	sst s8  }
0x11: {  	[smem:$0x3FB3] =	sst s9;
	s0 =	simm.s32 @!p0 $0x0  }
0x12: {  	s1 =	sld [smem:$0x3F99];
	s0 =	simm.s32 @p0 $0x1  }
0x13: {  	[smem:$0x3FB4] =	sst s0;
	s0 =	simm.s32 @!p1 $0x0  }
0x14: {  	s2 =	sld [smem:$0x3F98];
	s0 =	simm.s32 @p1 $0x1  }
0x15: {  	[smem:$0x3FB5] =	sst s0;
	s0 =	simm.s32 @!p2 $0x0  }
0x16: {  	s3 =	sld [smem:$0x3FDB];
	s0 =	simm.s32 @p2 $0x1  }
0x17: {  	s4 =	simm.s32 $0x1BF5;
	[smem:$0x3FB7] =	sst s0  }
0x18: {  	s0 =	sld [smem:$0x3F9A];
	_ =	swait.ge [sflag:s4], $0x0  }
0x19: {  	s7 =	sld [smem:$0x3F9B]  }
0x1a: {  	s8 =	sadd.s32 $0xFFFFE003, lr  }
0x1b: {  	s9 =	sadd.s32 $0xFFFFFEF7, lr;
	s5 =	simm.s32 $0xFFFFFFFF;
	p2 =	slt.u32 s8, $0xFFFFF086  }
0x1c: {  	p1 =	slt.u32 s9, $0xF7A;
	s5 =	simm.s32 @!p2 $0x0  }
0x1d: {  	s5 =	simm.s32 @p1 $0x1;
	p0 =	seq.s32 s7, s2  }
0x1e: {  	s7 =	smul.u32 @!p0 $0xF7A, s2;
	p2 =	seq.s32 @!p0 s5, $0x0  }
0x1f: {  	s9 =	smul.u32 $0xF7A, s1;
	s8 =	simm.s32 @!p0 $0x1BF5;
	p2 =	por !p2, p0  }
0x20: {  	[sflag:s8] =	ssyncset.s32 @!p0 $0xFFFFF086;
	s6 =	sadd.s32 @!p0 s3, s7;
	s7 =	simm.s32 @!p0 $0x108  }
0x21: {  	s3 =	sadd.s32 s3, s9;
	s6 =	sadd.s32 @!p0 $0x88, s6;
	s7 =	simm.s32 @p2 $0x1082  }
0x22: {  	[simem:s7], [sflag:s8] =	dma.local @!p0 [hbm:s6], $0xF7A  }
0x23: {  	s9 =	sor.u32 $0xD0000000, s2;
	s6 =	simm.s32 $0x108;
	_ =	swait.ge @!p0 [sflag:s8], $0x0  }
0x24: {  	s3 =	sadd.s32 $0x88, s3;
	s6 =	simm.s32 @!p1 $0x1082;
	[sflag:s4] =	ssyncset.s32 $0xFFFFF086  }
0x25: {  	[simem:s6], [sflag:s4] =	dma.local [hbm:s3], $0xF7A  }
0x26: {  	[smem:$0x3F9B] =	sst s1;
	(tag) =	ssettag s2;
	_ =	strace s9  }
0x27: {  	s1 =	sld [smem:$0x3FAB]  }
0x28: {  	s2 =	sld [smem:$0x3FAC]  }
0x29: {  	s4 =	sld [smem:$0x3FAE]  }
0x2a: {  	p0 =	seq.s32 s5, $0x0;
	s5 =	sld [smem:$0x3FAF]  }
0x2b: {  	s6 =	sld [smem:$0x3FB0]  }
0x2c: {  	s7 =	sld [smem:$0x3FB1]  }
0x2d: {  	s3 =	simm.s32 $0x108;
	s8 =	sld [smem:$0x3FB2]  }
0x2e: {  	s3 =	simm.s32 @!p0 $0x1082;
	s9 =	sld [smem:$0x3FB3]  }
0x2f: {  	lr =	sadd.s32 s0, s3;
	s0 =	sld [smem:$0x3FAA]  }
0x30: {  	s3 =	sld [smem:$0x3FAD]  }
0x31: {  	[smem:$0x3FB6] =	sst s10  }
0x32: {  	s10 =	sld [smem:$0x3FB4];
	_ =	sdelay $0x3  }
0x33: {  	p0 =	seq.s32 s10, $0x1;
	s10 =	sld [smem:$0x3FB6];
	_ =	sdelay $0x3  }
0x34: {  	[smem:$0x3FB6] =	sst s10  }
0x35: {  	s10 =	sld [smem:$0x3FB5];
	_ =	sdelay $0x3  }
0x36: {  	p1 =	seq.s32 s10, $0x1;
	s10 =	sld [smem:$0x3FB6];
	_ =	sdelay $0x3  }
0x37: {  	[smem:$0x3FB6] =	sst s10  }
0x38: {  	s10 =	sld [smem:$0x3FB7]  }
0x39: {  	_ = 	snop;
	(pc) =	sbr.ind lr, $3  }
0x3a: {  	_ = 	snop  }
0x3b: {  	_ = 	snop  }
0x3c: {  	p2 =	seq.s32 s10, $0x1;
	s10 =	sld [smem:$0x3FB6]  }
0x3d: {  	_ =	shalt  }
0x3e: {  	_ =	shalt  }
0x3f: {  	_ =	shalt  }
0x40: {  	_ =	shalt  }
0x41: {  	_ =	shalt  }
0x42: {  	_ =	shalt  }
0x43: {  	_ =	shalt  }
0x44: {  	_ =	shalt  }
0x45: {  	_ =	shalt  }
0x46: {  	_ =	shalt  }
0x47: {  	_ =	shalt  }
0x48: {  	_ =	shalt  }
0x49: {  	_ =	shalt  }
0x4a: {  	_ =	shalt  }
0x4b: {  	_ =	shalt  }
0x4c: {  	_ =	shalt  }
0x4d: {  	_ =	shalt  }
0x4e: {  	_ =	shalt  }
0x4f: {  	_ =	shalt  }
0x50: {  	_ =	shalt  }
0x51: {  	_ =	shalt  }
0x52: {  	_ =	shalt  }
0x53: {  	_ =	shalt  }
0x54: {  	_ =	shalt  }
0x55: {  	_ =	shalt  }
0x56: {  	_ =	shalt  }
0x57: {  	_ =	shalt  }
0x58: {  	_ =	shalt  }
0x59: {  	_ =	shalt  }
0x5a: {  	_ =	shalt  }
0x5b: {  	_ =	shalt  }
0x5c: {  	_ =	shalt  }
0x5d: {  	_ =	shalt  }
0x5e: {  	_ =	shalt  }
0x5f: {  	_ =	shalt  }
0x60: {  	_ =	shalt  }
0x61: {  	_ =	shalt  }
0x62: {  	_ =	shalt  }
0x63: {  	_ =	shalt  }
0x64: {  	_ =	shalt  }
0x65: {  	_ =	shalt  }
0x66: {  	_ =	shalt  }
0x67: {  	_ =	shalt  }
0x68: {  	_ =	shalt  }
0x69: {  	_ =	shalt  }
0x6a: {  	_ =	shalt  }
0x6b: {  	_ =	shalt  }
0x6c: {  	_ =	shalt  }
0x6d: {  	_ =	shalt  }
0x6e: {  	_ =	shalt  }
0x6f: {  	_ =	shalt  }
0x70: {  	_ =	shalt  }
0x71: {  	_ =	shalt  }
0x72: {  	_ =	shalt  }
0x73: {  	_ =	shalt  }
0x74: {  	_ =	shalt  }
0x75: {  	_ =	shalt  }
0x76: {  	_ =	shalt  }
0x77: {  	_ =	shalt  }
0x78: {  	_ =	shalt  }
0x79: {  	_ =	shalt  }
0x7a: {  	_ =	shalt  }
0x7b: {  	_ =	shalt  }
0x7c: {  	_ =	shalt  }
0x7d: {  	_ =	shalt  }
0x7e: {  	_ =	shalt  }
0x7f: {  	_ =	shalt  }
0x80: {  	_ =	shalt  }
0x81: {  	_ =	shalt  }
0x82: {  	_ =	shalt  }
0x83: {  	_ =	shalt  }
0x84: {  	_ =	shalt  }
0x85: {  	_ =	shalt  }
0x86: {  	_ =	shalt  }
0x87: {  	_ =	shalt  }
.Lfunc_end0:
.L_simem_size_0:
called_computation_lowered:
.L_overlay_start_0:
0x88: {  	s2 =	sld [smem:$0x3FD9]  }
0x89: {  	s3 =	sld [smem:$0x3FFE];
	_ =	sdelay $0x1  }
0x8a: {  	s1 =	srdreg.scid  }
0x8b: {  	s0 =	sand.u32 $0x1, s1  }
0x8c: {  	s17 =	sshll.u32 s0, $0xA;
	s2 =	sadd.s32 s3, s2  }
0x8d: {  	s2 =	sadd.s32 s2, s17  }
0x8e: {  	[smem:$0x3FC2] =	sst s2  }
0x8f: {  	_ = 	snop  }
0x90: {  	s2 =	sld [smem:$0x3FD0];
	(tm) =	ssettm $0x1  }
0x91: {  	s18 =	sld [smem:$0x3FFB];
	_ =	sdelay $0x3  }
0x92: {  	_ =	strace s18  }
0x93: {  	s3 =	sld [smem:$0x3FFC];
	_ =	sdelay $0x3  }
0x94: {  	_ =	strace s3  }
0x95: {  	s3 =	sld [smem:$0x3FFD];
	_ =	sdelay $0x3  }
0x96: {  	_ =	strace s3  }
0x97: {  	_ =	strace $0x8FFFFFFF  }
0x98: {  	s19 =	sld [smem:$0x3FDB];
	_ =	sdelay $0x1  }
0x99: {  	s4 =	simm.s32 $_scs_section_size  }
0x9a: {  	s5 =	simm.s32 $_size__tile_overlayer_lowered;
	s6 =	simm.s32 $_tile_overlayer_lowered  }
0x9b: {  	s22 =	simm.s32 $0x1BFF;
	s21 =	sshll.u32 s6, $0x1;
	s3 =	sadd.s32 s4, s19  }
0x9c: {  	s7 =	simm.s32 $0x0;
	s20 =	sshll.u32 s5, $0x1;
	s5 =	sadd.s32 s21, s3  }
0x9d: {  	[timem:s7], [sflag:s22] =	dma.local [hbm:s5], s20  }
0x9e: {  	_ =	swait.ge [sflag:s22], s20  }
0x9f: {  	s4 =	ssub.s32 $0x0, s20;
	[sflag:s22] =	ssyncset.done $0x0  }
0xa0: {  	[sflag:s22] =	ssyncadd.s32 s4;
	_ =	sdelay $0x1  }
0xa1: {  	s23 =	simm.s32 $0x1B8B  }
0xa2: {  	_ =	swait.ge [sflag:s23], $0x1  }
0xa3: {  	[sflag:s23] =	ssyncset.done $0x0  }
0xa4: {  	s25 =	simm.s32 $0x1B8E;
	s24 =	sld [smem:$0x3FFE];
	[sflag:s23] =	ssyncadd.s32 $0xFFFFFFFF  }
0xa5: {  	s26 =	simm.s32 $execute0_lowered;
	[smem:$0x3FD2] =	sst s25  }
0xa6: {  	s5 =	sshll.u32 s26, $0x1;
	_ =	strace $0x80000046;
	[dreg:$0x1] =	wrdreg $0xFFFFFFFF  }
0xa7: {  	s28 =	simm.s32 $_size_execute0_lowered;
	s3 =	sadd.s32 s3, s5;
	[dreg:$0x0] =	wrdreg $0x0  }
0xa8: {  	s5 =	sshll.u32 s28, $0x1;
	[dreg:$0x2] =	wrdreg s3  }
0xa9: {  	[dreg:$0x3] =	wrdreg s5  }
0xaa: {  	[dreg:$0x4] =	wrdreg $0xC0  }
0xab: {  	_ =	task [dreg:s7], $0x5FFFF  }
0xac: {  	[dreg:$0x1] =	wrdreg $0xFFFFFFFF  }
0xad: {  	[dreg:$0x0] =	wrdreg $0x60  }
0xae: {  	[dreg:$0x2] =	wrdreg s24  }
0xaf: {  	[dreg:$0x3] =	wrdreg s2  }
0xb0: {  	[dreg:$0x4] =	wrdreg $0x9  }
0xb1: {  	_ =	task.clear_ibuf [dreg:s7], $0x5FFFF;
	_ =	strace $0x90000046  }
0xb2: {  	s29 =	simm.s32 $0x9;
	_ =	strace $0x80000048  }
0xb3: {  	_ =	swait.ge [sflag:s29], $0x1  }
0xb4: {  	[sflag:s29] =	ssyncadd.s32 $0xFFFFFFFF  }
0xb5: {  	_ =	strace $0x90000048  }
0xb6: {  	_ =	sfence  }
0xb7: {  	s30 =	sld [smem:$0x0];
	_ =	sdelay $0x2  }
0xb8: {  	s31 =	sshll.u32 s1, $0xD;
	s1 =	sshrl.u32 s1, $0x2  }
0xb9: {  	s3 =	sand.u32 $0x4000, s31;
	s1 =	sadd.s32 s1, s30  }
0xba: {  	s0 =	sor.u32 s3, s0;
	s1 =	sshll.u32 s1, $0x11  }
0xbb: {  	s0 =	sor.u32 s1, s0  }
0xbc: {  	s0 =	sadd.s32 $0x8F2B, s0  }
0xbd: {  	[sflag:s0] =	ssyncadd.remote.s32 $0x1  }
0xbe: {  	_ =	sfence.sel $0xFFFF  }
0xbf: {  	[dreg:$0x0] =	wrdreg $0xFFFFFFFF;
	(pc) =	sbr.abs _section_cstart, $3  }
0xc0: {  	[dreg:$0x1] =	wrdreg $0xFFFFFFFF  }
0xc1: {  	_ =	task.clear_ibuf [dreg:s7], $0x2FFFF;
	_ =	strace $0x9FFFFFFF  }
0xc2: {  	(tm) =	ssettm $0x7FFFFFFF  }
0xc3: {  	_ =	shalt  }
tec
execute0_lowered:
.L_overlay_start_1:
0x0: {  	(tag) =	ssettag $0x1  }
0x1: {  	s0 =	srdreg.scid  }
0x2: {  	s4 =	rddreg [dreg:$0x0];
	s3 =	sand.u32 $0x1, s0  }
0x3: {  	s5 =	rddreg [dreg:$0x1];
	s0 =	stileid.u32;
	s1 =	sshll.u32 s3, $0x4  }
0x4: {  	s2 =	simm.s32 $0x0;
	s9 =	simm.s32 $0x400;
	s6 =	sor.u32 s0, s1  }
0x5: {  	s10 =	simm.s32 $0x0;
	[smem:$0x7FF] =	sst s2;
	s7 =	sshrl.u32 s6, $0x3  }
0x6: {  	s8 =	sshll.u32 s0, $0x7;
	s3 =	ssub.s32 $0x2, s3;
	s7 =	smul.u32 $0x13C00, s7  }
0x7: {  	s1 =	rddreg [dreg:$0x2];
	s8 =	sand.u32 $0x380, s8;
	s6 =	smul.u32 $0x500, s6  }
0x8: {  	_ =	strace $0x80000047;
	s31 =	sshrl.u32 s3, $0x1;
	s7 =	sor.u32 s8, s7  }
0x9: {  	s4 =	sadd.s32 s6, s4;
	s6 =	ssub.s32 s3, s31;
	s7 =	sshrl.u32 s7, $0x3  }
0xa: {  	s3 =	sadd.s32 $0xCA00, s4;
	s8 =	simm.s32 $0x80;
	s4 =	sadd.s32 s5, s7  }
0xb: {  	v0 =	vimm.f32 $0.0e+00;
	v1 =	vimm.f32 $1.000000000e+00;
	s5 =	smax.u32 s6, $0x1;
	s6 =	simm.s32 $0x1;
	s7 =	simm.s32 $0x2800  }
.LBB2_1:
0xc: {  	[tilespmem:s2], [sflag:$0x1] =	stream.linear.gather [hbm4b:s3+s2], $0x2800, $0x38;
	[tilespmem:$0x4F80] =	vst v63  }
0xd: {  	_ =	swait.ge [sflag:s6], $0x2800  }
0xe: {  	[sflag:s6] =	ssyncset.done $0x0  }
0xf: {  	s11 =	simm.s32 $0x0;
	[sflag:s6] =	ssyncadd.s32 $0xFFFFD800  }
.LBB2_2:
0x10: {  	p0 =	sne.s32 s11, $0x9DC0  }
.Ltmp0:
0x11: {  	_ = 	snop;
	(pc) =	sbr.rel @p0 .LBB2_2-.Ltmp0, $3  }
0x12: {  	_ =	sdelay $0x1  }
0x13: {  	s12 =	sshra.s32 s11, $0x2  }
0x14: {  	s11 =	sadd.s32 $0x40, s11;
	[tilespmem:s12+$0x2800] =	vst v0  }
0x15: {  	s11 =	simm.s32 $0x0  }
0x16: {  	s12 =	sand.u32 $0xFE00, s11  }
0x17: {  	s11 =	sand.u32 $0x70, s11;
	s12 =	sshrl.u32 s12, $0x2  }
0x18: {  	s11 =	sor.u32 s11, s12  }
0x19: {  	v2 =	vld [tilespmem:s11+$0x0];
	_ =	sdelay $0x4  }
0x1a: {  	s13 =	simm.s32 $0x40  }
0x1b: {  	s13 =	sand.u32 $0xFE00, s13;
	s12 =	simm.s32 $0x80;
	s11 =	simm.s32 $0x10  }
.LBB2_4:
0x1c: {  	p0 =	sne.s32 s12, $0x9FC0;
	s14 =	sand.u32 $0x70, s11;
	s13 =	sshrl.u32 s13, $0x2  }
0x1d: {  	s13 =	sor.u32 s14, s13;
	[tilespmem:v2+s7+$0x0] =	vst.idx.add.f32.msk $0xffff, v1  }
0x1e: {  	v2 =	vld [tilespmem:s13+$0x0];
	_ =	sdelay $0x1  }
.Ltmp1:
0x1f: {  	(pc) =	sbr.rel @p0 .LBB2_4-.Ltmp1, $2  }
0x20: {  	_ =	sdelay $0x2  }
0x21: {  	s11 =	sadd.s32 $0x10, s11;
	s13 =	sand.u32 $0xFE00, s12;
	s12 =	sadd.s32 $0x40, s12  }
0x22: {  	_ =	sdelay $0x2  }
0x23: {  	s11 =	sand.u32 $0x70, s11;
	s12 =	sshrl.u32 s13, $0x2  }
0x24: {  	[tilespmem:v2+s7+$0x0] =	vst.idx.add.f32.msk $0xffff, v1;
	s11 =	sor.u32 s11, s12  }
0x25: {  	v2 =	vld [tilespmem:s11+$0x0];
	_ =	sdelay $0x5  }
0x26: {  	s10 =	sadd.s32 $0x1, s10  }
0x27: {  	p0 =	sne.s32 s10, s5  }
.Ltmp2:
0x28: {  	[tilespmem:v2+s7+$0x0] =	vst.idx.add.f32.msk $0xffff, v1;
	(pc) =	sbr.rel @p0 .LBB2_1-.Ltmp2, $4  }
0x29: {  	[hbm4b:s4+s8] =	stream.strided.scatter [tilespmem:s7], [sflag:$0x1], $0x2780, s9, s8, $0x38;
	[tilespmem:$0x4F80] =	vst v63  }
0x2a: {  	_ =	swait.ge [sflag:s6], $0x2780  }
0x2b: {  	[sflag:s6] =	ssyncset.done $0x0  }
0x2c: {  	[sflag:s6] =	ssyncadd.s32 $0xFFFFD880  }
0x2d: {  	_ =	sfence.sel $0x180000  }
0x2e: {  	[bflag:$0x0] =	sbarrier.arrive $0xFFFF  }
0x2f: {  	p0 =	sne.s32 s0, $0x0;
	_ =	strace $0x90000047  }
0x30: {  	s0 =	sadd.s32 @!p0 $0x100000, s1;
	[bflag:$0x2] =	sbarrier.arrive $0xFFFF  }
0x31: {  	[sflag:s0] =	ssyncadd.tile.s32 @!p0 $0x1;
	_ =	shalt  }
.Lfunc_end2:
_tile_overlayer_lowered:
.L_overlay_start_2:
0x32: {  	(tag) =	ssettag $0x2  }
0x33: {  	s0 =	rddreg [dreg:$0x0];
	s2 =	stileid.u32  }
0x34: {  	s1 =	rddreg [dreg:$0x1];
	p0 =	sne.s32 s2, $0x0  }
0x35: {  	s3 =	rddreg [dreg:$0x2];
	[bflag:$0x3] =	sbarrier.arrive $0xFFFF;
	s2 =	simm.s32 @!p0 $0x1C01  }
0x36: {  	[timem:s3], [sflag:s2] =	dma.local @!p0 [hbm:s0], s1  }
0x37: {  	s0 =	simm.s32 @!p0 $0x1  }
0x38: {  	_ =	swait.ge @!p0 [sflag:s0], s1  }
0x39: {  	s1 =	ssub.s32 @!p0 $0x0, s1;
	[sflag:s0] =	ssyncset.done @!p0 $0x0  }
0x3a: {  	[sflag:s0] =	ssyncadd.s32 @!p0 s1  }
0x3b: {  	[bflag:$0x3] =	sbarrier.arrive $0xFFFF  }
0x3c: {  	_ =	shalt  }

</sc_bundles>
